<compile_context>
chip_gen: v7x
topology: tpu7x:2x2x1
jax: 0.10.2.dev20260603
libtpu: 0.0.44.dev20260713+nightly
codegen_flags: <defaults>
</compile_context>

<pallas_src>
import functools

import jax
import jax.numpy as jnp
from jax import lax
from jax.experimental import pallas as pl
from jax.experimental.pallas import tpu as pltpu
from jax.experimental.pallas import tpu_sc as plsc

B = 16384
D = 64
NC = 2
NS = 16
NW = NC * NS
BPW = B // NW
L = 16
NGRP = BPW // L
V = 1000000
BIAS_ROWS = 7813


def _sc_body(src_hbm, dst_hbm, uemb, ubias_p, iemb, ibias_p,
             mean_hbm, out_hbm,
             src_v, dst_v, u8, v8, ub16, vb16, out_v, mean_v, sem):
  wid = lax.axis_index("s") * NC + lax.axis_index("c")
  base = wid * BPW

  pltpu.sync_copy(src_hbm.at[pl.ds(base, BPW)], src_v)
  pltpu.sync_copy(dst_hbm.at[pl.ds(base, BPW)], dst_v)
  pltpu.sync_copy(mean_hbm, mean_v)

  lanes = lax.iota(jnp.int32, L)
  m7 = jnp.full((L,), 7, jnp.int32)
  m127 = jnp.full((L,), 127, jnp.int32)
  mean_vec = mean_v[...]

  def group(g, carry):
    s_idx = src_v[pl.ds(g * L, L)]
    d_idx = dst_v[pl.ds(g * L, L)]
    cps = []
    s_base = s_idx - lax.bitwise_and(s_idx, m7)
    d_base = d_idx - lax.bitwise_and(d_idx, m7)
    for e in range(L):
      rb = pl.multiple_of(s_base[e], 8)
      cps.append(pltpu.async_copy(uemb.at[pl.ds(rb, 8)], u8.at[e], sem))
      qb = pl.multiple_of(d_base[e], 8)
      cps.append(pltpu.async_copy(iemb.at[pl.ds(qb, 8)], v8.at[e], sem))
    cps.append(
        pltpu.async_copy(ubias_p.at[lax.shift_right_logical(s_idx, 7)], ub16, sem))
    cps.append(
        pltpu.async_copy(ibias_p.at[lax.shift_right_logical(d_idx, 7)], vb16, sem))
    for cp in cps:
      cp.wait()
    s_sub = lax.bitwise_and(s_idx, m7)
    d_sub = lax.bitwise_and(d_idx, m7)
    acc = jnp.zeros((L,), jnp.float32)
    for d in range(D):
      dvec = jnp.full((L,), d, jnp.int32)
      u = plsc.load_gather(u8, [lanes, s_sub, dvec])
      v = plsc.load_gather(v8, [lanes, d_sub, dvec])
      acc = acc + u * v
    ub = plsc.load_gather(ub16, [lanes, lax.bitwise_and(s_idx, m127)])
    vb = plsc.load_gather(vb16, [lanes, lax.bitwise_and(d_idx, m127)])
    out_v[pl.ds(g * L, L)] = acc + ub + vb + mean_vec
    return carry

  lax.fori_loop(0, NGRP, group, 0)

  pltpu.sync_copy(out_v, out_hbm.at[pl.ds(base, BPW)])


@jax.jit
def kernel(src, dst, user_emb, user_bias, item_emb, item_bias, mean):
  src1 = src.astype(jnp.int32)
  dst1 = dst.astype(jnp.int32)
  ubias_p = jnp.pad(user_bias.reshape(-1), (0, BIAS_ROWS * 128 - V)).reshape(BIAS_ROWS, 128)
  ibias_p = jnp.pad(item_bias.reshape(-1), (0, BIAS_ROWS * 128 - V)).reshape(BIAS_ROWS, 128)
  mean16 = jnp.broadcast_to(mean.astype(jnp.float32), (L,))
  mesh = plsc.VectorSubcoreMesh(core_axis_name="c", subcore_axis_name="s")
  run = functools.partial(
      pl.kernel,
      out_type=jax.ShapeDtypeStruct((B,), jnp.float32),
      mesh=mesh,
      compiler_params=pltpu.CompilerParams(
          needs_layout_passes=False, use_tc_tiling_on_sc=True),
      scratch_types=[
          pltpu.VMEM((BPW,), jnp.int32),
          pltpu.VMEM((BPW,), jnp.int32),
          pltpu.VMEM((L, 8, D), jnp.float32),
          pltpu.VMEM((L, 8, D), jnp.float32),
          pltpu.VMEM((L, 128), jnp.float32),
          pltpu.VMEM((L, 128), jnp.float32),
          pltpu.VMEM((BPW,), jnp.float32),
          pltpu.VMEM((L,), jnp.float32),
          pltpu.SemaphoreType.DMA,
      ],
  )(_sc_body)
  return run(src1, dst1, user_emb, ubias_p, item_emb, ibias_p, mean16)

# --- scband reference (transcript-rebuilt; emitter-appended) ---
"""Pipeline reference for scband-mf-9861244912154 (READ-ONLY COPY).

The authoritative reference and input builder live on the scoring server;
editing this copy changes nothing except your own understanding.
"""

import jax, jax.numpy as jnp
import numpy as np

NUM_USERS = 1000000
NUM_ITEMS = 1000000
EMBED_DIM = 64
BATCH = 16384
MEAN = 0.0

def _xavier_uniform(key, shape):
    fan_in, fan_out = shape[0], shape[1]
    limit = float(np.sqrt(6.0 / (fan_in + fan_out)))
    return jax.random.uniform(key, shape, dtype=jnp.float32, minval=-limit, maxval=limit)

def setup_inputs(seed: int = 0) -> dict:
    key = jax.random.key(seed)
    k_src, k_dst, k_ue, k_ub, k_ie, k_ib = jax.random.split(key, 6)
    src = jax.random.randint(k_src, (BATCH,), 0, NUM_USERS, dtype=jnp.int64 if jax.config.jax_enable_x64 else jnp.int32)
    dst = jax.random.randint(k_dst, (BATCH,), 0, NUM_ITEMS, dtype=jnp.int64 if jax.config.jax_enable_x64 else jnp.int32)
    user_emb = _xavier_uniform(k_ue, (NUM_USERS, EMBED_DIM))
    user_bias = _xavier_uniform(k_ub, (NUM_USERS, 1))
    item_emb = _xavier_uniform(k_ie, (NUM_ITEMS, EMBED_DIM))
    item_bias = _xavier_uniform(k_ib, (NUM_ITEMS, 1))
    mean = jnp.array([MEAN], dtype=jnp.float32)
    return {"src": src, "dst": dst, "user_emb": user_emb, "user_bias": user_bias, "item_emb": item_emb, "item_bias": item_bias, "mean": mean}

def reference(src, dst, user_emb, user_bias, item_emb, item_bias, mean):
    src_emb = jnp.take(user_emb, src, axis=0)
    src_bias = jnp.take(user_bias, src, axis=0).squeeze(-1)
    dst_emb = jnp.take(item_emb, dst, axis=0)
    dst_bias = jnp.take(item_bias, dst, axis=0).squeeze(-1)
    return jnp.sum(src_emb * dst_emb, axis=1) + src_bias + dst_bias + mean

if __name__ == "__main__":
    import jax
    _d = setup_inputs()
    print(jax.jit(kernel)(*tuple(_d.values())))

</pallas_src>

<mosaic_0001>
#map = affine_map<(d0, d1) -> (0)>
#map1 = affine_map<(d0, d1) -> (0, 0)>
module attributes {stable_mosaic.version = 14 : i64} {
  func.func @_sc_body(%arg0: i32, %arg1: i32, %arg2: memref<16384xi32, #tpu.memory_space<hbm>>, %arg3: memref<16384xi32, #tpu.memory_space<hbm>>, %arg4: memref<1000000x64xf32, #tpu.memory_space<hbm>>, %arg5: memref<7813x128xf32, #tpu.memory_space<hbm>>, %arg6: memref<1000000x64xf32, #tpu.memory_space<hbm>>, %arg7: memref<7813x128xf32, #tpu.memory_space<hbm>>, %arg8: memref<16xf32, #tpu.memory_space<hbm>>, %arg9: memref<16384xf32, #tpu.memory_space<hbm>>, %arg10: memref<512xi32, #tpu.memory_space<vmem>>, %arg11: memref<512xi32, #tpu.memory_space<vmem>>, %arg12: memref<16x8x64xf32, #tpu.memory_space<vmem>>, %arg13: memref<16x8x64xf32, #tpu.memory_space<vmem>>, %arg14: memref<16x128xf32, #tpu.memory_space<vmem>>, %arg15: memref<16x128xf32, #tpu.memory_space<vmem>>, %arg16: memref<512xf32, #tpu.memory_space<vmem>>, %arg17: memref<16xf32, #tpu.memory_space<vmem>>, %arg18: memref<!tpu.dma_semaphore, #tpu.memory_space<semaphore_mem>>) attributes {dimension_semantics = [#tpu.dimension_semantics<core_parallel>, #tpu.dimension_semantics<subcore_parallel>], iteration_bounds = array<i64: 2, 16>, scalar_prefetch = 0 : i64, scratch_operands = 9 : i64, tpu.core_type = #tpu.core_type<sc_vector_subcore>, window_params = [{transform_indices = #map}, {transform_indices = #map}, {transform_indices = #map1}, {transform_indices = #map1}, {transform_indices = #map1}, {transform_indices = #map1}, {transform_indices = #map}, {transform_indices = #map}]} {
    %mul3A = arith.constant 2 : i32
    %mul3A_0 = arith.muli %arg1, %mul3A : i32
    %add3A = arith.addi %mul3A_0, %arg0 : i32
    %mul3A_1 = arith.constant 512 : i32
    %mul3A_2 = arith.muli %add3A, %mul3A_1 : i32
    "tpu.region"() ({
      %run_scoped3A = tpu.sem_alloc : memref<!tpu.dma_semaphore, #tpu.memory_space<semaphore_mem>>
      %dma_start3A = tpu.memref_slice %arg2[%mul3A_2] : memref<16384xi32, #tpu.memory_space<hbm>> -> memref<512xi32, #tpu.memory_space<hbm>>
      %dma_start3A_12 = tpu.memref_slice %arg2[%mul3A_2] : memref<16384xi32, #tpu.memory_space<hbm>> -> memref<512xi32, #tpu.memory_space<hbm>>
      tpu.enqueue_dma source(%dma_start3A_12 : memref<512xi32, #tpu.memory_space<hbm>>) target(%arg10 : memref<512xi32, #tpu.memory_space<vmem>>) target_semaphore(%run_scoped3A : memref<!tpu.dma_semaphore, #tpu.memory_space<semaphore_mem>>)
      %dma_wait3A = tpu.memref_slice %arg2[%mul3A_2] : memref<16384xi32, #tpu.memory_space<hbm>> -> memref<512xi32, #tpu.memory_space<hbm>>
      %dma_wait3A_13 = tpu.memref_slice %arg2[%mul3A_2] : memref<16384xi32, #tpu.memory_space<hbm>> -> memref<512xi32, #tpu.memory_space<hbm>>
      tpu.wait_dma2 semaphore(%run_scoped3A : memref<!tpu.dma_semaphore, #tpu.memory_space<semaphore_mem>>) src(%dma_wait3A_13 : memref<512xi32, #tpu.memory_space<hbm>>) dst(%arg10 : memref<512xi32, #tpu.memory_space<vmem>>)
      tpu.yield
    }) : () -> ()
    "tpu.region"() ({
      %run_scoped3A = tpu.sem_alloc : memref<!tpu.dma_semaphore, #tpu.memory_space<semaphore_mem>>
      %dma_start3A = tpu.memref_slice %arg3[%mul3A_2] : memref<16384xi32, #tpu.memory_space<hbm>> -> memref<512xi32, #tpu.memory_space<hbm>>
      %dma_start3A_12 = tpu.memref_slice %arg3[%mul3A_2] : memref<16384xi32, #tpu.memory_space<hbm>> -> memref<512xi32, #tpu.memory_space<hbm>>
      tpu.enqueue_dma source(%dma_start3A_12 : memref<512xi32, #tpu.memory_space<hbm>>) target(%arg11 : memref<512xi32, #tpu.memory_space<vmem>>) target_semaphore(%run_scoped3A : memref<!tpu.dma_semaphore, #tpu.memory_space<semaphore_mem>>)
      %dma_wait3A = tpu.memref_slice %arg3[%mul3A_2] : memref<16384xi32, #tpu.memory_space<hbm>> -> memref<512xi32, #tpu.memory_space<hbm>>
      %dma_wait3A_13 = tpu.memref_slice %arg3[%mul3A_2] : memref<16384xi32, #tpu.memory_space<hbm>> -> memref<512xi32, #tpu.memory_space<hbm>>
      tpu.wait_dma2 semaphore(%run_scoped3A : memref<!tpu.dma_semaphore, #tpu.memory_space<semaphore_mem>>) src(%dma_wait3A_13 : memref<512xi32, #tpu.memory_space<hbm>>) dst(%arg11 : memref<512xi32, #tpu.memory_space<vmem>>)
      tpu.yield
    }) : () -> ()
    "tpu.region"() ({
      %run_scoped3A = tpu.sem_alloc : memref<!tpu.dma_semaphore, #tpu.memory_space<semaphore_mem>>
      tpu.enqueue_dma source(%arg8 : memref<16xf32, #tpu.memory_space<hbm>>) target(%arg17 : memref<16xf32, #tpu.memory_space<vmem>>) target_semaphore(%run_scoped3A : memref<!tpu.dma_semaphore, #tpu.memory_space<semaphore_mem>>)
      tpu.wait_dma2 semaphore(%run_scoped3A : memref<!tpu.dma_semaphore, #tpu.memory_space<semaphore_mem>>) src(%arg8 : memref<16xf32, #tpu.memory_space<hbm>>) dst(%arg17 : memref<16xf32, #tpu.memory_space<vmem>>)
      tpu.yield
    }) : () -> ()
    %iota3A = tpu.iota {dimensions = array<i32: 0>} : vector<16xi32>
    %broadcast_in_dim3A = arith.constant 7 : i32
    %broadcast_in_dim3A_3 = vector.broadcast %broadcast_in_dim3A : i32 to vector<16xi32>
    %broadcast_in_dim3A_4 = arith.constant 127 : i32
    %broadcast_in_dim3A_5 = vector.broadcast %broadcast_in_dim3A_4 : i32 to vector<16xi32>
    %get3A = arith.constant 0 : index
    %get3A_6 = tpu.vector_load %arg17[%get3A] {strides = array<i32>} : memref<16xf32, #tpu.memory_space<vmem>>, vector<16xf32>,
    %scan3A = arith.constant 0 : i32
    %scan3A_7 = arith.constant 0 : i32
    %scan3A_8 = arith.constant 32 : i32
    %scan3A_9 = arith.addi %scan3A_7, %scan3A_8 : i32
    %scan3A_10 = arith.constant 1 : i32
    scf.for %scan3A_12 = %scan3A_7 to %scan3A_9 step %scan3A_10  : i32 {
      %mul3A_13 = arith.constant 16 : i32
      %mul3A_14 = arith.muli %scan3A_12, %mul3A_13 : i32
      %get3A_15 = arith.index_cast %mul3A_14 : i32 to index
      %get3A_16 = tpu.vector_load %arg10[%get3A_15] {strides = array<i32>} : memref<512xi32, #tpu.memory_space<vmem>>, vector<16xi32>,
      %mul3A_17 = arith.constant 16 : i32
      %mul3A_18 = arith.muli %scan3A_12, %mul3A_17 : i32
      %get3A_19 = arith.index_cast %mul3A_18 : i32 to index
      %get3A_20 = tpu.vector_load %arg11[%get3A_19] {strides = array<i32>} : memref<512xi32, #tpu.memory_space<vmem>>, vector<16xi32>,
      %and3A = arith.andi %get3A_16, %broadcast_in_dim3A_3 : vector<16xi32>
      %sub3A = arith.subi %get3A_16, %and3A : vector<16xi32>
      %and3A_21 = arith.andi %get3A_20, %broadcast_in_dim3A_3 : vector<16xi32>
      %sub3A_22 = arith.subi %get3A_20, %and3A_21 : vector<16xi32>
      %slice3A = vector.extract_strided_slice %sub3A {offsets = [0], sizes = [1], strides = [1]} : vector<16xi32> to vector<1xi32>
      %squeeze3A = vector.extract %slice3A[0] : i32 from vector<1xi32>
      %multiple_of3A = tpu.assume_multiple %squeeze3A, 8 : i32
      %dma_start3A = arith.constant 0 : i32
      %dma_start3A_23 = arith.constant 0 : i32
      %dma_start3A_24 = arith.constant 0 : i32
      %dma_start3A_25 = tpu.memref_slice %arg12[%dma_start3A, %dma_start3A_23, %dma_start3A_24] : memref<16x8x64xf32, #tpu.memory_space<vmem>> -> memref<1x8x64xf32, #tpu.memory_space<vmem>>
      %dma_start3A_26 = tpu.memref_squeeze %dma_start3A_25 : memref<1x8x64xf32, #tpu.memory_space<vmem>> -> memref<8x64xf32, #tpu.memory_space<vmem>>
      %dma_start3A_27 = arith.constant 0 : i32
      %dma_start3A_28 = tpu.memref_slice %arg4[%multiple_of3A, %dma_start3A_27] : memref<1000000x64xf32, #tpu.memory_space<hbm>> -> memref<8x64xf32, #tpu.memory_space<hbm>>
      %dma_start3A_29 = arith.constant 0 : i32
      %dma_start3A_30 = arith.constant 0 : i32
      %dma_start3A_31 = tpu.memref_slice %arg12[%dma_start3A, %dma_start3A_29, %dma_start3A_30] : memref<16x8x64xf32, #tpu.memory_space<vmem>> -> memref<1x8x64xf32, #tpu.memory_space<vmem>>
      %dma_start3A_32 = tpu.memref_squeeze %dma_start3A_31 : memref<1x8x64xf32, #tpu.memory_space<vmem>> -> memref<8x64xf32, #tpu.memory_space<vmem>>
      %dma_start3A_33 = arith.constant 0 : i32
      %dma_start3A_34 = tpu.memref_slice %arg4[%multiple_of3A, %dma_start3A_33] : memref<1000000x64xf32, #tpu.memory_space<hbm>> -> memref<8x64xf32, #tpu.memory_space<hbm>>
      tpu.enqueue_dma source(%dma_start3A_34 : memref<8x64xf32, #tpu.memory_space<hbm>>) target(%dma_start3A_32 : memref<8x64xf32, #tpu.memory_space<vmem>>) target_semaphore(%arg18 : memref<!tpu.dma_semaphore, #tpu.memory_space<semaphore_mem>>)
      %slice3A_35 = vector.extract_strided_slice %sub3A_22 {offsets = [0], sizes = [1], strides = [1]} : vector<16xi32> to vector<1xi32>
      %squeeze3A_36 = vector.extract %slice3A_35[0] : i32 from vector<1xi32>
      %multiple_of3A_37 = tpu.assume_multiple %squeeze3A_36, 8 : i32
      %dma_start3A_38 = arith.constant 0 : i32
      %dma_start3A_39 = arith.constant 0 : i32
      %dma_start3A_40 = arith.constant 0 : i32
      %dma_start3A_41 = tpu.memref_slice %arg13[%dma_start3A_38, %dma_start3A_39, %dma_start3A_40] : memref<16x8x64xf32, #tpu.memory_space<vmem>> -> memref<1x8x64xf32, #tpu.memory_space<vmem>>
      %dma_start3A_42 = tpu.memref_squeeze %dma_start3A_41 : memref<1x8x64xf32, #tpu.memory_space<vmem>> -> memref<8x64xf32, #tpu.memory_space<vmem>>
      %dma_start3A_43 = arith.constant 0 : i32
      %dma_start3A_44 = tpu.memref_slice %arg6[%multiple_of3A_37, %dma_start3A_43] : memref<1000000x64xf32, #tpu.memory_space<hbm>> -> memref<8x64xf32, #tpu.memory_space<hbm>>
      %dma_start3A_45 = arith.constant 0 : i32
      %dma_start3A_46 = arith.constant 0 : i32
      %dma_start3A_47 = tpu.memref_slice %arg13[%dma_start3A_38, %dma_start3A_45, %dma_start3A_46] : memref<16x8x64xf32, #tpu.memory_space<vmem>> -> memref<1x8x64xf32, #tpu.memory_space<vmem>>
      %dma_start3A_48 = tpu.memref_squeeze %dma_start3A_47 : memref<1x8x64xf32, #tpu.memory_space<vmem>> -> memref<8x64xf32, #tpu.memory_space<vmem>>
      %dma_start3A_49 = arith.constant 0 : i32
      %dma_start3A_50 = tpu.memref_slice %arg6[%multiple_of3A_37, %dma_start3A_49] : memref<1000000x64xf32, #tpu.memory_space<hbm>> -> memref<8x64xf32, #tpu.memory_space<hbm>>
      tpu.enqueue_dma source(%dma_start3A_50 : memref<8x64xf32, #tpu.memory_space<hbm>>) target(%dma_start3A_48 : memref<8x64xf32, #tpu.memory_space<vmem>>) target_semaphore(%arg18 : memref<!tpu.dma_semaphore, #tpu.memory_space<semaphore_mem>>)
      %slice3A_51 = vector.extract_strided_slice %sub3A {offsets = [1], sizes = [1], strides = [1]} : vector<16xi32> to vector<1xi32>
      %squeeze3A_52 = vector.extract %slice3A_51[0] : i32 from vector<1xi32>
      %multiple_of3A_53 = tpu.assume_multiple %squeeze3A_52, 8 : i32
      %dma_start3A_54 = arith.constant 1 : i32
      %dma_start3A_55 = arith.constant 0 : i32
      %dma_start3A_56 = arith.constant 0 : i32
      %dma_start3A_57 = tpu.memref_slice %arg12[%dma_start3A_54, %dma_start3A_55, %dma_start3A_56] : memref<16x8x64xf32, #tpu.memory_space<vmem>> -> memref<1x8x64xf32, #tpu.memory_space<vmem>>
      %dma_start3A_58 = tpu.memref_squeeze %dma_start3A_57 : memref<1x8x64xf32, #tpu.memory_space<vmem>> -> memref<8x64xf32, #tpu.memory_space<vmem>>
      %dma_start3A_59 = arith.constant 0 : i32
      %dma_start3A_60 = tpu.memref_slice %arg4[%multiple_of3A_53, %dma_start3A_59] : memref<1000000x64xf32, #tpu.memory_space<hbm>> -> memref<8x64xf32, #tpu.memory_space<hbm>>
      %dma_start3A_61 = arith.constant 0 : i32
      %dma_start3A_62 = arith.constant 0 : i32
      %dma_start3A_63 = tpu.memref_slice %arg12[%dma_start3A_54, %dma_start3A_61, %dma_start3A_62] : memref<16x8x64xf32, #tpu.memory_space<vmem>> -> memref<1x8x64xf32, #tpu.memory_space<vmem>>
      %dma_start3A_64 = tpu.memref_squeeze %dma_start3A_63 : memref<1x8x64xf32, #tpu.memory_space<vmem>> -> memref<8x64xf32, #tpu.memory_space<vmem>>
      %dma_start3A_65 = arith.constant 0 : i32
      %dma_start3A_66 = tpu.memref_slice %arg4[%multiple_of3A_53, %dma_start3A_65] : memref<1000000x64xf32, #tpu.memory_space<hbm>> -> memref<8x64xf32, #tpu.memory_space<hbm>>
      tpu.enqueue_dma source(%dma_start3A_66 : memref<8x64xf32, #tpu.memory_space<hbm>>) target(%dma_start3A_64 : memref<8x64xf32, #tpu.memory_space<vmem>>) target_semaphore(%arg18 : memref<!tpu.dma_semaphore, #tpu.memory_space<semaphore_mem>>)
      %slice3A_67 = vector.extract_strided_slice %sub3A_22 {offsets = [1], sizes = [1], strides = [1]} : vector<16xi32> to vector<1xi32>
      %squeeze3A_68 = vector.extract %slice3A_67[0] : i32 from vector<1xi32>
      %multiple_of3A_69 = tpu.assume_multiple %squeeze3A_68, 8 : i32
      %dma_start3A_70 = arith.constant 1 : i32
      %dma_start3A_71 = arith.constant 0 : i32
      %dma_start3A_72 = arith.constant 0 : i32
      %dma_start3A_73 = tpu.memref_slice %arg13[%dma_start3A_70, %dma_start3A_71, %dma_start3A_72] : memref<16x8x64xf32, #tpu.memory_space<vmem>> -> memref<1x8x64xf32, #tpu.memory_space<vmem>>
      %dma_start3A_74 = tpu.memref_squeeze %dma_start3A_73 : memref<1x8x64xf32, #tpu.memory_space<vmem>> -> memref<8x64xf32, #tpu.memory_space<vmem>>
      %dma_start3A_75 = arith.constant 0 : i32
      %dma_start3A_76 = tpu.memref_slice %arg6[%multiple_of3A_69, %dma_start3A_75] : memref<1000000x64xf32, #tpu.memory_space<hbm>> -> memref<8x64xf32, #tpu.memory_space<hbm>>
      %dma_start3A_77 = arith.constant 0 : i32
      %dma_start3A_78 = arith.constant 0 : i32
      %dma_start3A_79 = tpu.memref_slice %arg13[%dma_start3A_70, %dma_start3A_77, %dma_start3A_78] : memref<16x8x64xf32, #tpu.memory_space<vmem>> -> memref<1x8x64xf32, #tpu.memory_space<vmem>>
      %dma_start3A_80 = tpu.memref_squeeze %dma_start3A_79 : memref<1x8x64xf32, #tpu.memory_space<vmem>> -> memref<8x64xf32, #tpu.memory_space<vmem>>
      %dma_start3A_81 = arith.constant 0 : i32
      %dma_start3A_82 = tpu.memref_slice %arg6[%multiple_of3A_69, %dma_start3A_81] : memref<1000000x64xf32, #tpu.memory_space<hbm>> -> memref<8x64xf32, #tpu.memory_space<hbm>>
      tpu.enqueue_dma source(%dma_start3A_82 : memref<8x64xf32, #tpu.memory_space<hbm>>) target(%dma_start3A_80 : memref<8x64xf32, #tpu.memory_space<vmem>>) target_semaphore(%arg18 : memref<!tpu.dma_semaphore, #tpu.memory_space<semaphore_mem>>)
      %slice3A_83 = vector.extract_strided_slice %sub3A {offsets = [2], sizes = [1], strides = [1]} : vector<16xi32> to vector<1xi32>
      %squeeze3A_84 = vector.extract %slice3A_83[0] : i32 from vector<1xi32>
      %multiple_of3A_85 = tpu.assume_multiple %squeeze3A_84, 8 : i32
      %dma_start3A_86 = arith.constant 2 : i32
      %dma_start3A_87 = arith.constant 0 : i32
      %dma_start3A_88 = arith.constant 0 : i32
      %dma_start3A_89 = tpu.memref_slice %arg12[%dma_start3A_86, %dma_start3A_87, %dma_start3A_88] : memref<16x8x64xf32, #tpu.memory_space<vmem>> -> memref<1x8x64xf32, #tpu.memory_space<vmem>>
      %dma_start3A_90 = tpu.memref_squeeze %dma_start3A_89 : memref<1x8x64xf32, #tpu.memory_space<vmem>> -> memref<8x64xf32, #tpu.memory_space<vmem>>
      %dma_start3A_91 = arith.constant 0 : i32
      %dma_start3A_92 = tpu.memref_slice %arg4[%multiple_of3A_85, %dma_start3A_91] : memref<1000000x64xf32, #tpu.memory_space<hbm>> -> memref<8x64xf32, #tpu.memory_space<hbm>>
      %dma_start3A_93 = arith.constant 0 : i32
      %dma_start3A_94 = arith.constant 0 : i32
      %dma_start3A_95 = tpu.memref_slice %arg12[%dma_start3A_86, %dma_start3A_93, %dma_start3A_94] : memref<16x8x64xf32, #tpu.memory_space<vmem>> -> memref<1x8x64xf32, #tpu.memory_space<vmem>>
      %dma_start3A_96 = tpu.memref_squeeze %dma_start3A_95 : memref<1x8x64xf32, #tpu.memory_space<vmem>> -> memref<8x64xf32, #tpu.memory_space<vmem>>
      %dma_start3A_97 = arith.constant 0 : i32
      %dma_start3A_98 = tpu.memref_slice %arg4[%multiple_of3A_85, %dma_start3A_97] : memref<1000000x64xf32, #tpu.memory_space<hbm>> -> memref<8x64xf32, #tpu.memory_space<hbm>>
      tpu.enqueue_dma source(%dma_start3A_98 : memref<8x64xf32, #tpu.memory_space<hbm>>) target(%dma_start3A_96 : memref<8x64xf32, #tpu.memory_space<vmem>>) target_semaphore(%arg18 : memref<!tpu.dma_semaphore, #tpu.memory_space<semaphore_mem>>)
      %slice3A_99 = vector.extract_strided_slice %sub3A_22 {offsets = [2], sizes = [1], strides = [1]} : vector<16xi32> to vector<1xi32>
      %squeeze3A_100 = vector.extract %slice3A_99[0] : i32 from vector<1xi32>
      %multiple_of3A_101 = tpu.assume_multiple %squeeze3A_100, 8 : i32
      %dma_start3A_102 = arith.constant 2 : i32
      %dma_start3A_103 = arith.constant 0 : i32
      %dma_start3A_104 = arith.constant 0 : i32
      %dma_start3A_105 = tpu.memref_slice %arg13[%dma_start3A_102, %dma_start3A_103, %dma_start3A_104] : memref<16x8x64xf32, #tpu.memory_space<vmem>> -> memref<1x8x64xf32, #tpu.memory_space<vmem>>
      %dma_start3A_106 = tpu.memref_squeeze %dma_start3A_105 : memref<1x8x64xf32, #tpu.memory_space<vmem>> -> memref<8x64xf32, #tpu.memory_space<vmem>>
      %dma_start3A_107 = arith.constant 0 : i32
      %dma_start3A_108 = tpu.memref_slice %arg6[%multiple_of3A_101, %dma_start3A_107] : memref<1000000x64xf32, #tpu.memory_space<hbm>> -> memref<8x64xf32, #tpu.memory_space<hbm>>
      %dma_start3A_109 = arith.constant 0 : i32
      %dma_start3A_110 = arith.constant 0 : i32
      %dma_start3A_111 = tpu.memref_slice %arg13[%dma_start3A_102, %dma_start3A_109, %dma_start3A_110] : memref<16x8x64xf32, #tpu.memory_space<vmem>> -> memref<1x8x64xf32, #tpu.memory_space<vmem>>
      %dma_start3A_112 = tpu.memref_squeeze %dma_start3A_111 : memref<1x8x64xf32, #tpu.memory_space<vmem>> -> memref<8x64xf32, #tpu.memory_space<vmem>>
      %dma_start3A_113 = arith.constant 0 : i32
      %dma_start3A_114 = tpu.memref_slice %arg6[%multiple_of3A_101, %dma_start3A_113] : memref<1000000x64xf32, #tpu.memory_space<hbm>> -> memref<8x64xf32, #tpu.memory_space<hbm>>
      tpu.enqueue_dma source(%dma_start3A_114 : memref<8x64xf32, #tpu.memory_space<hbm>>) target(%dma_start3A_112 : memref<8x64xf32, #tpu.memory_space<vmem>>) target_semaphore(%arg18 : memref<!tpu.dma_semaphore, #tpu.memory_space<semaphore_mem>>)
      %slice3A_115 = vector.extract_strided_slice %sub3A {offsets = [3], sizes = [1], strides = [1]} : vector<16xi32> to vector<1xi32>
      %squeeze3A_116 = vector.extract %slice3A_115[0] : i32 from vector<1xi32>
      %multiple_of3A_117 = tpu.assume_multiple %squeeze3A_116, 8 : i32
      %dma_start3A_118 = arith.constant 3 : i32
      %dma_start3A_119 = arith.constant 0 : i32
      %dma_start3A_120 = arith.constant 0 : i32
      %dma_start3A_121 = tpu.memref_slice %arg12[%dma_start3A_118, %dma_start3A_119, %dma_start3A_120] : memref<16x8x64xf32, #tpu.memory_space<vmem>> -> memref<1x8x64xf32, #tpu.memory_space<vmem>>
      %dma_start3A_122 = tpu.memref_squeeze %dma_start3A_121 : memref<1x8x64xf32, #tpu.memory_space<vmem>> -> memref<8x64xf32, #tpu.memory_space<vmem>>
      %dma_start3A_123 = arith.constant 0 : i32
      %dma_start3A_124 = tpu.memref_slice %arg4[%multiple_of3A_117, %dma_start3A_123] : memref<1000000x64xf32, #tpu.memory_space<hbm>> -> memref<8x64xf32, #tpu.memory_space<hbm>>
      %dma_start3A_125 = arith.constant 0 : i32
      %dma_start3A_126 = arith.constant 0 : i32
      %dma_start3A_127 = tpu.memref_slice %arg12[%dma_start3A_118, %dma_start3A_125, %dma_start3A_126] : memref<16x8x64xf32, #tpu.memory_space<vmem>> -> memref<1x8x64xf32, #tpu.memory_space<vmem>>
      %dma_start3A_128 = tpu.memref_squeeze %dma_start3A_127 : memref<1x8x64xf32, #tpu.memory_space<vmem>> -> memref<8x64xf32, #tpu.memory_space<vmem>>
      %dma_start3A_129 = arith.constant 0 : i32
      %dma_start3A_130 = tpu.memref_slice %arg4[%multiple_of3A_117, %dma_start3A_129] : memref<1000000x64xf32, #tpu.memory_space<hbm>> -> memref<8x64xf32, #tpu.memory_space<hbm>>
      tpu.enqueue_dma source(%dma_start3A_130 : memref<8x64xf32, #tpu.memory_space<hbm>>) target(%dma_start3A_128 : memref<8x64xf32, #tpu.memory_space<vmem>>) target_semaphore(%arg18 : memref<!tpu.dma_semaphore, #tpu.memory_space<semaphore_mem>>)
      %slice3A_131 = vector.extract_strided_slice %sub3A_22 {offsets = [3], sizes = [1], strides = [1]} : vector<16xi32> to vector<1xi32>
      %squeeze3A_132 = vector.extract %slice3A_131[0] : i32 from vector<1xi32>
      %multiple_of3A_133 = tpu.assume_multiple %squeeze3A_132, 8 : i32
      %dma_start3A_134 = arith.constant 3 : i32
      %dma_start3A_135 = arith.constant 0 : i32
      %dma_start3A_136 = arith.constant 0 : i32
      %dma_start3A_137 = tpu.memref_slice %arg13[%dma_start3A_134, %dma_start3A_135, %dma_start3A_136] : memref<16x8x64xf32, #tpu.memory_space<vmem>> -> memref<1x8x64xf32, #tpu.memory_space<vmem>>
      %dma_start3A_138 = tpu.memref_squeeze %dma_start3A_137 : memref<1x8x64xf32, #tpu.memory_space<vmem>> -> memref<8x64xf32, #tpu.memory_space<vmem>>
      %dma_start3A_139 = arith.constant 0 : i32
      %dma_start3A_140 = tpu.memref_slice %arg6[%multiple_of3A_133, %dma_start3A_139] : memref<1000000x64xf32, #tpu.memory_space<hbm>> -> memref<8x64xf32, #tpu.memory_space<hbm>>
      %dma_start3A_141 = arith.constant 0 : i32
      %dma_start3A_142 = arith.constant 0 : i32
      %dma_start3A_143 = tpu.memref_slice %arg13[%dma_start3A_134, %dma_start3A_141, %dma_start3A_142] : memref<16x8x64xf32, #tpu.memory_space<vmem>> -> memref<1x8x64xf32, #tpu.memory_space<vmem>>
      %dma_start3A_144 = tpu.memref_squeeze %dma_start3A_143 : memref<1x8x64xf32, #tpu.memory_space<vmem>> -> memref<8x64xf32, #tpu.memory_space<vmem>>
      %dma_start3A_145 = arith.constant 0 : i32
      %dma_start3A_146 = tpu.memref_slice %arg6[%multiple_of3A_133, %dma_start3A_145] : memref<1000000x64xf32, #tpu.memory_space<hbm>> -> memref<8x64xf32, #tpu.memory_space<hbm>>
      tpu.enqueue_dma source(%dma_start3A_146 : memref<8x64xf32, #tpu.memory_space<hbm>>) target(%dma_start3A_144 : memref<8x64xf32, #tpu.memory_space<vmem>>) target_semaphore(%arg18 : memref<!tpu.dma_semaphore, #tpu.memory_space<semaphore_mem>>)
      %slice3A_147 = vector.extract_strided_slice %sub3A {offsets = [4], sizes = [1], strides = [1]} : vector<16xi32> to vector<1xi32>
      %squeeze3A_148 = vector.extract %slice3A_147[0] : i32 from vector<1xi32>
      %multiple_of3A_149 = tpu.assume_multiple %squeeze3A_148, 8 : i32
      %dma_start3A_150 = arith.constant 4 : i32
      %dma_start3A_151 = arith.constant 0 : i32
      %dma_start3A_152 = arith.constant 0 : i32
      %dma_start3A_153 = tpu.memref_slice %arg12[%dma_start3A_150, %dma_start3A_151, %dma_start3A_152] : memref<16x8x64xf32, #tpu.memory_space<vmem>> -> memref<1x8x64xf32, #tpu.memory_space<vmem>>
      %dma_start3A_154 = tpu.memref_squeeze %dma_start3A_153 : memref<1x8x64xf32, #tpu.memory_space<vmem>> -> memref<8x64xf32, #tpu.memory_space<vmem>>
      %dma_start3A_155 = arith.constant 0 : i32
      %dma_start3A_156 = tpu.memref_slice %arg4[%multiple_of3A_149, %dma_start3A_155] : memref<1000000x64xf32, #tpu.memory_space<hbm>> -> memref<8x64xf32, #tpu.memory_space<hbm>>
      %dma_start3A_157 = arith.constant 0 : i32
      %dma_start3A_158 = arith.constant 0 : i32
      %dma_start3A_159 = tpu.memref_slice %arg12[%dma_start3A_150, %dma_start3A_157, %dma_start3A_158] : memref<16x8x64xf32, #tpu.memory_space<vmem>> -> memref<1x8x64xf32, #tpu.memory_space<vmem>>
      %dma_start3A_160 = tpu.memref_squeeze %dma_start3A_159 : memref<1x8x64xf32, #tpu.memory_space<vmem>> -> memref<8x64xf32, #tpu.memory_space<vmem>>
      %dma_start3A_161 = arith.constant 0 : i32
      %dma_start3A_162 = tpu.memref_slice %arg4[%multiple_of3A_149, %dma_start3A_161] : memref<1000000x64xf32, #tpu.memory_space<hbm>> -> memref<8x64xf32, #tpu.memory_space<hbm>>
      tpu.enqueue_dma source(%dma_start3A_162 : memref<8x64xf32, #tpu.memory_space<hbm>>) target(%dma_start3A_160 : memref<8x64xf32, #tpu.memory_space<vmem>>) target_semaphore(%arg18 : memref<!tpu.dma_semaphore, #tpu.memory_space<semaphore_mem>>)
      %slice3A_163 = vector.extract_strided_slice %sub3A_22 {offsets = [4], sizes = [1], strides = [1]} : vector<16xi32> to vector<1xi32>
      %squeeze3A_164 = vector.extract %slice3A_163[0] : i32 from vector<1xi32>
      %multiple_of3A_165 = tpu.assume_multiple %squeeze3A_164, 8 : i32
      %dma_start3A_166 = arith.constant 4 : i32
      %dma_start3A_167 = arith.constant 0 : i32
      %dma_start3A_168 = arith.constant 0 : i32
      %dma_start3A_169 = tpu.memref_slice %arg13[%dma_start3A_166, %dma_start3A_167, %dma_start3A_168] : memref<16x8x64xf32, #tpu.memory_space<vmem>> -> memref<1x8x64xf32, #tpu.memory_space<vmem>>
      %dma_start3A_170 = tpu.memref_squeeze %dma_start3A_169 : memref<1x8x64xf32, #tpu.memory_space<vmem>> -> memref<8x64xf32, #tpu.memory_space<vmem>>
      %dma_start3A_171 = arith.constant 0 : i32
      %dma_start3A_172 = tpu.memref_slice %arg6[%multiple_of3A_165, %dma_start3A_171] : memref<1000000x64xf32, #tpu.memory_space<hbm>> -> memref<8x64xf32, #tpu.memory_space<hbm>>
      %dma_start3A_173 = arith.constant 0 : i32
      %dma_start3A_174 = arith.constant 0 : i32
      %dma_start3A_175 = tpu.memref_slice %arg13[%dma_start3A_166, %dma_start3A_173, %dma_start3A_174] : memref<16x8x64xf32, #tpu.memory_space<vmem>> -> memref<1x8x64xf32, #tpu.memory_space<vmem>>
      %dma_start3A_176 = tpu.memref_squeeze %dma_start3A_175 : memref<1x8x64xf32, #tpu.memory_space<vmem>> -> memref<8x64xf32, #tpu.memory_space<vmem>>
      %dma_start3A_177 = arith.constant 0 : i32
      %dma_start3A_178 = tpu.memref_slice %arg6[%multiple_of3A_165, %dma_start3A_177] : memref<1000000x64xf32, #tpu.memory_space<hbm>> -> memref<8x64xf32, #tpu.memory_space<hbm>>
      tpu.enqueue_dma source(%dma_start3A_178 : memref<8x64xf32, #tpu.memory_space<hbm>>) target(%dma_start3A_176 : memref<8x64xf32, #tpu.memory_space<vmem>>) target_semaphore(%arg18 : memref<!tpu.dma_semaphore, #tpu.memory_space<semaphore_mem>>)
      %slice3A_179 = vector.extract_strided_slice %sub3A {offsets = [5], sizes = [1], strides = [1]} : vector<16xi32> to vector<1xi32>
      %squeeze3A_180 = vector.extract %slice3A_179[0] : i32 from vector<1xi32>
      %multiple_of3A_181 = tpu.assume_multiple %squeeze3A_180, 8 : i32
      %dma_start3A_182 = arith.constant 5 : i32
      %dma_start3A_183 = arith.constant 0 : i32
      %dma_start3A_184 = arith.constant 0 : i32
      %dma_start3A_185 = tpu.memref_slice %arg12[%dma_start3A_182, %dma_start3A_183, %dma_start3A_184] : memref<16x8x64xf32, #tpu.memory_space<vmem>> -> memref<1x8x64xf32, #tpu.memory_space<vmem>>
      %dma_start3A_186 = tpu.memref_squeeze %dma_start3A_185 : memref<1x8x64xf32, #tpu.memory_space<vmem>> -> memref<8x64xf32, #tpu.memory_space<vmem>>
      %dma_start3A_187 = arith.constant 0 : i32
      %dma_start3A_188 = tpu.memref_slice %arg4[%multiple_of3A_181, %dma_start3A_187] : memref<1000000x64xf32, #tpu.memory_space<hbm>> -> memref<8x64xf32, #tpu.memory_space<hbm>>
      %dma_start3A_189 = arith.constant 0 : i32
      %dma_start3A_190 = arith.constant 0 : i32
      %dma_start3A_191 = tpu.memref_slice %arg12[%dma_start3A_182, %dma_start3A_189, %dma_start3A_190] : memref<16x8x64xf32, #tpu.memory_space<vmem>> -> memref<1x8x64xf32, #tpu.memory_space<vmem>>
      %dma_start3A_192 = tpu.memref_squeeze %dma_start3A_191 : memref<1x8x64xf32, #tpu.memory_space<vmem>> -> memref<8x64xf32, #tpu.memory_space<vmem>>
      %dma_start3A_193 = arith.constant 0 : i32
      %dma_start3A_194 = tpu.memref_slice %arg4[%multiple_of3A_181, %dma_start3A_193] : memref<1000000x64xf32, #tpu.memory_space<hbm>> -> memref<8x64xf32, #tpu.memory_space<hbm>>
      tpu.enqueue_dma source(%dma_start3A_194 : memref<8x64xf32, #tpu.memory_space<hbm>>) target(%dma_start3A_192 : memref<8x64xf32, #tpu.memory_space<vmem>>) target_semaphore(%arg18 : memref<!tpu.dma_semaphore, #tpu.memory_space<semaphore_mem>>)
      %slice3A_195 = vector.extract_strided_slice %sub3A_22 {offsets = [5], sizes = [1], strides = [1]} : vector<16xi32> to vector<1xi32>
      %squeeze3A_196 = vector.extract %slice3A_195[0] : i32 from vector<1xi32>
      %multiple_of3A_197 = tpu.assume_multiple %squeeze3A_196, 8 : i32
      %dma_start3A_198 = arith.constant 5 : i32
      %dma_start3A_199 = arith.constant 0 : i32
      %dma_start3A_200 = arith.constant 0 : i32
      %dma_start3A_201 = tpu.memref_slice %arg13[%dma_start3A_198, %dma_start3A_199, %dma_start3A_200] : memref<16x8x64xf32, #tpu.memory_space<vmem>> -> memref<1x8x64xf32, #tpu.memory_space<vmem>>
      %dma_start3A_202 = tpu.memref_squeeze %dma_start3A_201 : memref<1x8x64xf32, #tpu.memory_space<vmem>> -> memref<8x64xf32, #tpu.memory_space<vmem>>
      %dma_start3A_203 = arith.constant 0 : i32
      %dma_start3A_204 = tpu.memref_slice %arg6[%multiple_of3A_197, %dma_start3A_203] : memref<1000000x64xf32, #tpu.memory_space<hbm>> -> memref<8x64xf32, #tpu.memory_space<hbm>>
      %dma_start3A_205 = arith.constant 0 : i32
      %dma_start3A_206 = arith.constant 0 : i32
      %dma_start3A_207 = tpu.memref_slice %arg13[%dma_start3A_198, %dma_start3A_205, %dma_start3A_206] : memref<16x8x64xf32, #tpu.memory_space<vmem>> -> memref<1x8x64xf32, #tpu.memory_space<vmem>>
      %dma_start3A_208 = tpu.memref_squeeze %dma_start3A_207 : memref<1x8x64xf32, #tpu.memory_space<vmem>> -> memref<8x64xf32, #tpu.memory_space<vmem>>
      %dma_start3A_209 = arith.constant 0 : i32
      %dma_start3A_210 = tpu.memref_slice %arg6[%multiple_of3A_197, %dma_start3A_209] : memref<1000000x64xf32, #tpu.memory_space<hbm>> -> memref<8x64xf32, #tpu.memory_space<hbm>>
      tpu.enqueue_dma source(%dma_start3A_210 : memref<8x64xf32, #tpu.memory_space<hbm>>) target(%dma_start3A_208 : memref<8x64xf32, #tpu.memory_space<vmem>>) target_semaphore(%arg18 : memref<!tpu.dma_semaphore, #tpu.memory_space<semaphore_mem>>)
      %slice3A_211 = vector.extract_strided_slice %sub3A {offsets = [6], sizes = [1], strides = [1]} : vector<16xi32> to vector<1xi32>
      %squeeze3A_212 = vector.extract %slice3A_211[0] : i32 from vector<1xi32>
      %multiple_of3A_213 = tpu.assume_multiple %squeeze3A_212, 8 : i32
      %dma_start3A_214 = arith.constant 6 : i32
      %dma_start3A_215 = arith.constant 0 : i32
      %dma_start3A_216 = arith.constant 0 : i32
      %dma_start3A_217 = tpu.memref_slice %arg12[%dma_start3A_214, %dma_start3A_215, %dma_start3A_216] : memref<16x8x64xf32, #tpu.memory_space<vmem>> -> memref<1x8x64xf32, #tpu.memory_space<vmem>>
      %dma_start3A_218 = tpu.memref_squeeze %dma_start3A_217 : memref<1x8x64xf32, #tpu.memory_space<vmem>> -> memref<8x64xf32, #tpu.memory_space<vmem>>
      %dma_start3A_219 = arith.constant 0 : i32
      %dma_start3A_220 = tpu.memref_slice %arg4[%multiple_of3A_213, %dma_start3A_219] : memref<1000000x64xf32, #tpu.memory_space<hbm>> -> memref<8x64xf32, #tpu.memory_space<hbm>>
      %dma_start3A_221 = arith.constant 0 : i32
      %dma_start3A_222 = arith.constant 0 : i32
      %dma_start3A_223 = tpu.memref_slice %arg12[%dma_start3A_214, %dma_start3A_221, %dma_start3A_222] : memref<16x8x64xf32, #tpu.memory_space<vmem>> -> memref<1x8x64xf32, #tpu.memory_space<vmem>>
      %dma_start3A_224 = tpu.memref_squeeze %dma_start3A_223 : memref<1x8x64xf32, #tpu.memory_space<vmem>> -> memref<8x64xf32, #tpu.memory_space<vmem>>
      %dma_start3A_225 = arith.constant 0 : i32
      %dma_start3A_226 = tpu.memref_slice %arg4[%multiple_of3A_213, %dma_start3A_225] : memref<1000000x64xf32, #tpu.memory_space<hbm>> -> memref<8x64xf32, #tpu.memory_space<hbm>>
      tpu.enqueue_dma source(%dma_start3A_226 : memref<8x64xf32, #tpu.memory_space<hbm>>) target(%dma_start3A_224 : memref<8x64xf32, #tpu.memory_space<vmem>>) target_semaphore(%arg18 : memref<!tpu.dma_semaphore, #tpu.memory_space<semaphore_mem>>)
      %slice3A_227 = vector.extract_strided_slice %sub3A_22 {offsets = [6], sizes = [1], strides = [1]} : vector<16xi32> to vector<1xi32>
      %squeeze3A_228 = vector.extract %slice3A_227[0] : i32 from vector<1xi32>
      %multiple_of3A_229 = tpu.assume_multiple %squeeze3A_228, 8 : i32
      %dma_start3A_230 = arith.constant 6 : i32
      %dma_start3A_231 = arith.constant 0 : i32
      %dma_start3A_232 = arith.constant 0 : i32
      %dma_start3A_233 = tpu.memref_slice %arg13[%dma_start3A_230, %dma_start3A_231, %dma_start3A_232] : memref<16x8x64xf32, #tpu.memory_space<vmem>> -> memref<1x8x64xf32, #tpu.memory_space<vmem>>
      %dma_start3A_234 = tpu.memref_squeeze %dma_start3A_233 : memref<1x8x64xf32, #tpu.memory_space<vmem>> -> memref<8x64xf32, #tpu.memory_space<vmem>>
      %dma_start3A_235 = arith.constant 0 : i32
      %dma_start3A_236 = tpu.memref_slice %arg6[%multiple_of3A_229, %dma_start3A_235] : memref<1000000x64xf32, #tpu.memory_space<hbm>> -> memref<8x64xf32, #tpu.memory_space<hbm>>
      %dma_start3A_237 = arith.constant 0 : i32
      %dma_start3A_238 = arith.constant 0 : i32
      %dma_start3A_239 = tpu.memref_slice %arg13[%dma_start3A_230, %dma_start3A_237, %dma_start3A_238] : memref<16x8x64xf32, #tpu.memory_space<vmem>> -> memref<1x8x64xf32, #tpu.memory_space<vmem>>
      %dma_start3A_240 = tpu.memref_squeeze %dma_start3A_239 : memref<1x8x64xf32, #tpu.memory_space<vmem>> -> memref<8x64xf32, #tpu.memory_space<vmem>>
      %dma_start3A_241 = arith.constant 0 : i32
      %dma_start3A_242 = tpu.memref_slice %arg6[%multiple_of3A_229, %dma_start3A_241] : memref<1000000x64xf32, #tpu.memory_space<hbm>> -> memref<8x64xf32, #tpu.memory_space<hbm>>
      tpu.enqueue_dma source(%dma_start3A_242 : memref<8x64xf32, #tpu.memory_space<hbm>>) target(%dma_start3A_240 : memref<8x64xf32, #tpu.memory_space<vmem>>) target_semaphore(%arg18 : memref<!tpu.dma_semaphore, #tpu.memory_space<semaphore_mem>>)
      %slice3A_243 = vector.extract_strided_slice %sub3A {offsets = [7], sizes = [1], strides = [1]} : vector<16xi32> to vector<1xi32>
      %squeeze3A_244 = vector.extract %slice3A_243[0] : i32 from vector<1xi32>
      %multiple_of3A_245 = tpu.assume_multiple %squeeze3A_244, 8 : i32
      %dma_start3A_246 = arith.constant 7 : i32
      %dma_start3A_247 = arith.constant 0 : i32
      %dma_start3A_248 = arith.constant 0 : i32
      %dma_start3A_249 = tpu.memref_slice %arg12[%dma_start3A_246, %dma_start3A_247, %dma_start3A_248] : memref<16x8x64xf32, #tpu.memory_space<vmem>> -> memref<1x8x64xf32, #tpu.memory_space<vmem>>
      %dma_start3A_250 = tpu.memref_squeeze %dma_start3A_249 : memref<1x8x64xf32, #tpu.memory_space<vmem>> -> memref<8x64xf32, #tpu.memory_space<vmem>>
      %dma_start3A_251 = arith.constant 0 : i32
      %dma_start3A_252 = tpu.memref_slice %arg4[%multiple_of3A_245, %dma_start3A_251] : memref<1000000x64xf32, #tpu.memory_space<hbm>> -> memref<8x64xf32, #tpu.memory_space<hbm>>
      %dma_start3A_253 = arith.constant 0 : i32
      %dma_start3A_254 = arith.constant 0 : i32
      %dma_start3A_255 = tpu.memref_slice %arg12[%dma_start3A_246, %dma_start3A_253, %dma_start3A_254] : memref<16x8x64xf32, #tpu.memory_space<vmem>> -> memref<1x8x64xf32, #tpu.memory_space<vmem>>
      %dma_start3A_256 = tpu.memref_squeeze %dma_start3A_255 : memref<1x8x64xf32, #tpu.memory_space<vmem>> -> memref<8x64xf32, #tpu.memory_space<vmem>>
      %dma_start3A_257 = arith.constant 0 : i32
      %dma_start3A_258 = tpu.memref_slice %arg4[%multiple_of3A_245, %dma_start3A_257] : memref<1000000x64xf32, #tpu.memory_space<hbm>> -> memref<8x64xf32, #tpu.memory_space<hbm>>
      tpu.enqueue_dma source(%dma_start3A_258 : memref<8x64xf32, #tpu.memory_space<hbm>>) target(%dma_start3A_256 : memref<8x64xf32, #tpu.memory_space<vmem>>) target_semaphore(%arg18 : memref<!tpu.dma_semaphore, #tpu.memory_space<semaphore_mem>>)
      %slice3A_259 = vector.extract_strided_slice %sub3A_22 {offsets = [7], sizes = [1], strides = [1]} : vector<16xi32> to vector<1xi32>
      %squeeze3A_260 = vector.extract %slice3A_259[0] : i32 from vector<1xi32>
      %multiple_of3A_261 = tpu.assume_multiple %squeeze3A_260, 8 : i32
      %dma_start3A_262 = arith.constant 7 : i32
      %dma_start3A_263 = arith.constant 0 : i32
      %dma_start3A_264 = arith.constant 0 : i32
      %dma_start3A_265 = tpu.memref_slice %arg13[%dma_start3A_262, %dma_start3A_263, %dma_start3A_264] : memref<16x8x64xf32, #tpu.memory_space<vmem>> -> memref<1x8x64xf32, #tpu.memory_space<vmem>>
      %dma_start3A_266 = tpu.memref_squeeze %dma_start3A_265 : memref<1x8x64xf32, #tpu.memory_space<vmem>> -> memref<8x64xf32, #tpu.memory_space<vmem>>
      %dma_start3A_267 = arith.constant 0 : i32
      %dma_start3A_268 = tpu.memref_slice %arg6[%multiple_of3A_261, %dma_start3A_267] : memref<1000000x64xf32, #tpu.memory_space<hbm>> -> memref<8x64xf32, #tpu.memory_space<hbm>>
      %dma_start3A_269 = arith.constant 0 : i32
      %dma_start3A_270 = arith.constant 0 : i32
      %dma_start3A_271 = tpu.memref_slice %arg13[%dma_start3A_262, %dma_start3A_269, %dma_start3A_270] : memref<16x8x64xf32, #tpu.memory_space<vmem>> -> memref<1x8x64xf32, #tpu.memory_space<vmem>>
      %dma_start3A_272 = tpu.memref_squeeze %dma_start3A_271 : memref<1x8x64xf32, #tpu.memory_space<vmem>> -> memref<8x64xf32, #tpu.memory_space<vmem>>
      %dma_start3A_273 = arith.constant 0 : i32
      %dma_start3A_274 = tpu.memref_slice %arg6[%multiple_of3A_261, %dma_start3A_273] : memref<1000000x64xf32, #tpu.memory_space<hbm>> -> memref<8x64xf32, #tpu.memory_space<hbm>>
      tpu.enqueue_dma source(%dma_start3A_274 : memref<8x64xf32, #tpu.memory_space<hbm>>) target(%dma_start3A_272 : memref<8x64xf32, #tpu.memory_space<vmem>>) target_semaphore(%arg18 : memref<!tpu.dma_semaphore, #tpu.memory_space<semaphore_mem>>)
      %slice3A_275 = vector.extract_strided_slice %sub3A {offsets = [8], sizes = [1], strides = [1]} : vector<16xi32> to vector<1xi32>
      %squeeze3A_276 = vector.extract %slice3A_275[0] : i32 from vector<1xi32>
      %multiple_of3A_277 = tpu.assume_multiple %squeeze3A_276, 8 : i32
      %dma_start3A_278 = arith.constant 8 : i32
      %dma_start3A_279 = arith.constant 0 : i32
      %dma_start3A_280 = arith.constant 0 : i32
      %dma_start3A_281 = tpu.memref_slice %arg12[%dma_start3A_278, %dma_start3A_279, %dma_start3A_280] : memref<16x8x64xf32, #tpu.memory_space<vmem>> -> memref<1x8x64xf32, #tpu.memory_space<vmem>>
      %dma_start3A_282 = tpu.memref_squeeze %dma_start3A_281 : memref<1x8x64xf32, #tpu.memory_space<vmem>> -> memref<8x64xf32, #tpu.memory_space<vmem>>
      %dma_start3A_283 = arith.constant 0 : i32
      %dma_start3A_284 = tpu.memref_slice %arg4[%multiple_of3A_277, %dma_start3A_283] : memref<1000000x64xf32, #tpu.memory_space<hbm>> -> memref<8x64xf32, #tpu.memory_space<hbm>>
      %dma_start3A_285 = arith.constant 0 : i32
      %dma_start3A_286 = arith.constant 0 : i32
      %dma_start3A_287 = tpu.memref_slice %arg12[%dma_start3A_278, %dma_start3A_285, %dma_start3A_286] : memref<16x8x64xf32, #tpu.memory_space<vmem>> -> memref<1x8x64xf32, #tpu.memory_space<vmem>>
      %dma_start3A_288 = tpu.memref_squeeze %dma_start3A_287 : memref<1x8x64xf32, #tpu.memory_space<vmem>> -> memref<8x64xf32, #tpu.memory_space<vmem>>
      %dma_start3A_289 = arith.constant 0 : i32
      %dma_start3A_290 = tpu.memref_slice %arg4[%multiple_of3A_277, %dma_start3A_289] : memref<1000000x64xf32, #tpu.memory_space<hbm>> -> memref<8x64xf32, #tpu.memory_space<hbm>>
      tpu.enqueue_dma source(%dma_start3A_290 : memref<8x64xf32, #tpu.memory_space<hbm>>) target(%dma_start3A_288 : memref<8x64xf32, #tpu.memory_space<vmem>>) target_semaphore(%arg18 : memref<!tpu.dma_semaphore, #tpu.memory_space<semaphore_mem>>)
      %slice3A_291 = vector.extract_strided_slice %sub3A_22 {offsets = [8], sizes = [1], strides = [1]} : vector<16xi32> to vector<1xi32>
      %squeeze3A_292 = vector.extract %slice3A_291[0] : i32 from vector<1xi32>
      %multiple_of3A_293 = tpu.assume_multiple %squeeze3A_292, 8 : i32
      %dma_start3A_294 = arith.constant 8 : i32
      %dma_start3A_295 = arith.constant 0 : i32
      %dma_start3A_296 = arith.constant 0 : i32
      %dma_start3A_297 = tpu.memref_slice %arg13[%dma_start3A_294, %dma_start3A_295, %dma_start3A_296] : memref<16x8x64xf32, #tpu.memory_space<vmem>> -> memref<1x8x64xf32, #tpu.memory_space<vmem>>
      %dma_start3A_298 = tpu.memref_squeeze %dma_start3A_297 : memref<1x8x64xf32, #tpu.memory_space<vmem>> -> memref<8x64xf32, #tpu.memory_space<vmem>>
      %dma_start3A_299 = arith.constant 0 : i32
      %dma_start3A_300 = tpu.memref_slice %arg6[%multiple_of3A_293, %dma_start3A_299] : memref<1000000x64xf32, #tpu.memory_space<hbm>> -> memref<8x64xf32, #tpu.memory_space<hbm>>
      %dma_start3A_301 = arith.constant 0 : i32
      %dma_start3A_302 = arith.constant 0 : i32
      %dma_start3A_303 = tpu.memref_slice %arg13[%dma_start3A_294, %dma_start3A_301, %dma_start3A_302] : memref<16x8x64xf32, #tpu.memory_space<vmem>> -> memref<1x8x64xf32, #tpu.memory_space<vmem>>
      %dma_start3A_304 = tpu.memref_squeeze %dma_start3A_303 : memref<1x8x64xf32, #tpu.memory_space<vmem>> -> memref<8x64xf32, #tpu.memory_space<vmem>>
      %dma_start3A_305 = arith.constant 0 : i32
      %dma_start3A_306 = tpu.memref_slice %arg6[%multiple_of3A_293, %dma_start3A_305] : memref<1000000x64xf32, #tpu.memory_space<hbm>> -> memref<8x64xf32, #tpu.memory_space<hbm>>
      tpu.enqueue_dma source(%dma_start3A_306 : memref<8x64xf32, #tpu.memory_space<hbm>>) target(%dma_start3A_304 : memref<8x64xf32, #tpu.memory_space<vmem>>) target_semaphore(%arg18 : memref<!tpu.dma_semaphore, #tpu.memory_space<semaphore_mem>>)
      %slice3A_307 = vector.extract_strided_slice %sub3A {offsets = [9], sizes = [1], strides = [1]} : vector<16xi32> to vector<1xi32>
      %squeeze3A_308 = vector.extract %slice3A_307[0] : i32 from vector<1xi32>
      %multiple_of3A_309 = tpu.assume_multiple %squeeze3A_308, 8 : i32
      %dma_start3A_310 = arith.constant 9 : i32
      %dma_start3A_311 = arith.constant 0 : i32
      %dma_start3A_312 = arith.constant 0 : i32
      %dma_start3A_313 = tpu.memref_slice %arg12[%dma_start3A_310, %dma_start3A_311, %dma_start3A_312] : memref<16x8x64xf32, #tpu.memory_space<vmem>> -> memref<1x8x64xf32, #tpu.memory_space<vmem>>
      %dma_start3A_314 = tpu.memref_squeeze %dma_start3A_313 : memref<1x8x64xf32, #tpu.memory_space<vmem>> -> memref<8x64xf32, #tpu.memory_space<vmem>>
      %dma_start3A_315 = arith.constant 0 : i32
      %dma_start3A_316 = tpu.memref_slice %arg4[%multiple_of3A_309, %dma_start3A_315] : memref<1000000x64xf32, #tpu.memory_space<hbm>> -> memref<8x64xf32, #tpu.memory_space<hbm>>
      %dma_start3A_317 = arith.constant 0 : i32
      %dma_start3A_318 = arith.constant 0 : i32
      %dma_start3A_319 = tpu.memref_slice %arg12[%dma_start3A_310, %dma_start3A_317, %dma_start3A_318] : memref<16x8x64xf32, #tpu.memory_space<vmem>> -> memref<1x8x64xf32, #tpu.memory_space<vmem>>
      %dma_start3A_320 = tpu.memref_squeeze %dma_start3A_319 : memref<1x8x64xf32, #tpu.memory_space<vmem>> -> memref<8x64xf32, #tpu.memory_space<vmem>>
      %dma_start3A_321 = arith.constant 0 : i32
      %dma_start3A_322 = tpu.memref_slice %arg4[%multiple_of3A_309, %dma_start3A_321] : memref<1000000x64xf32, #tpu.memory_space<hbm>> -> memref<8x64xf32, #tpu.memory_space<hbm>>
      tpu.enqueue_dma source(%dma_start3A_322 : memref<8x64xf32, #tpu.memory_space<hbm>>) target(%dma_start3A_320 : memref<8x64xf32, #tpu.memory_space<vmem>>) target_semaphore(%arg18 : memref<!tpu.dma_semaphore, #tpu.memory_space<semaphore_mem>>)
      %slice3A_323 = vector.extract_strided_slice %sub3A_22 {offsets = [9], sizes = [1], strides = [1]} : vector<16xi32> to vector<1xi32>
      %squeeze3A_324 = vector.extract %slice3A_323[0] : i32 from vector<1xi32>
      %multiple_of3A_325 = tpu.assume_multiple %squeeze3A_324, 8 : i32
      %dma_start3A_326 = arith.constant 9 : i32
      %dma_start3A_327 = arith.constant 0 : i32
      %dma_start3A_328 = arith.constant 0 : i32
      %dma_start3A_329 = tpu.memref_slice %arg13[%dma_start3A_326, %dma_start3A_327, %dma_start3A_328] : memref<16x8x64xf32, #tpu.memory_space<vmem>> -> memref<1x8x64xf32, #tpu.memory_space<vmem>>
      %dma_start3A_330 = tpu.memref_squeeze %dma_start3A_329 : memref<1x8x64xf32, #tpu.memory_space<vmem>> -> memref<8x64xf32, #tpu.memory_space<vmem>>
      %dma_start3A_331 = arith.constant 0 : i32
      %dma_start3A_332 = tpu.memref_slice %arg6[%multiple_of3A_325, %dma_start3A_331] : memref<1000000x64xf32, #tpu.memory_space<hbm>> -> memref<8x64xf32, #tpu.memory_space<hbm>>
      %dma_start3A_333 = arith.constant 0 : i32
      %dma_start3A_334 = arith.constant 0 : i32
      %dma_start3A_335 = tpu.memref_slice %arg13[%dma_start3A_326, %dma_start3A_333, %dma_start3A_334] : memref<16x8x64xf32, #tpu.memory_space<vmem>> -> memref<1x8x64xf32, #tpu.memory_space<vmem>>
      %dma_start3A_336 = tpu.memref_squeeze %dma_start3A_335 : memref<1x8x64xf32, #tpu.memory_space<vmem>> -> memref<8x64xf32, #tpu.memory_space<vmem>>
      %dma_start3A_337 = arith.constant 0 : i32
      %dma_start3A_338 = tpu.memref_slice %arg6[%multiple_of3A_325, %dma_start3A_337] : memref<1000000x64xf32, #tpu.memory_space<hbm>> -> memref<8x64xf32, #tpu.memory_space<hbm>>
      tpu.enqueue_dma source(%dma_start3A_338 : memref<8x64xf32, #tpu.memory_space<hbm>>) target(%dma_start3A_336 : memref<8x64xf32, #tpu.memory_space<vmem>>) target_semaphore(%arg18 : memref<!tpu.dma_semaphore, #tpu.memory_space<semaphore_mem>>)
      %slice3A_339 = vector.extract_strided_slice %sub3A {offsets = [10], sizes = [1], strides = [1]} : vector<16xi32> to vector<1xi32>
      %squeeze3A_340 = vector.extract %slice3A_339[0] : i32 from vector<1xi32>
      %multiple_of3A_341 = tpu.assume_multiple %squeeze3A_340, 8 : i32
      %dma_start3A_342 = arith.constant 10 : i32
      %dma_start3A_343 = arith.constant 0 : i32
      %dma_start3A_344 = arith.constant 0 : i32
      %dma_start3A_345 = tpu.memref_slice %arg12[%dma_start3A_342, %dma_start3A_343, %dma_start3A_344] : memref<16x8x64xf32, #tpu.memory_space<vmem>> -> memref<1x8x64xf32, #tpu.memory_space<vmem>>
      %dma_start3A_346 = tpu.memref_squeeze %dma_start3A_345 : memref<1x8x64xf32, #tpu.memory_space<vmem>> -> memref<8x64xf32, #tpu.memory_space<vmem>>
      %dma_start3A_347 = arith.constant 0 : i32
      %dma_start3A_348 = tpu.memref_slice %arg4[%multiple_of3A_341, %dma_start3A_347] : memref<1000000x64xf32, #tpu.memory_space<hbm>> -> memref<8x64xf32, #tpu.memory_space<hbm>>
      %dma_start3A_349 = arith.constant 0 : i32
      %dma_start3A_350 = arith.constant 0 : i32
      %dma_start3A_351 = tpu.memref_slice %arg12[%dma_start3A_342, %dma_start3A_349, %dma_start3A_350] : memref<16x8x64xf32, #tpu.memory_space<vmem>> -> memref<1x8x64xf32, #tpu.memory_space<vmem>>
      %dma_start3A_352 = tpu.memref_squeeze %dma_start3A_351 : memref<1x8x64xf32, #tpu.memory_space<vmem>> -> memref<8x64xf32, #tpu.memory_space<vmem>>
      %dma_start3A_353 = arith.constant 0 : i32
      %dma_start3A_354 = tpu.memref_slice %arg4[%multiple_of3A_341, %dma_start3A_353] : memref<1000000x64xf32, #tpu.memory_space<hbm>> -> memref<8x64xf32, #tpu.memory_space<hbm>>
      tpu.enqueue_dma source(%dma_start3A_354 : memref<8x64xf32, #tpu.memory_space<hbm>>) target(%dma_start3A_352 : memref<8x64xf32, #tpu.memory_space<vmem>>) target_semaphore(%arg18 : memref<!tpu.dma_semaphore, #tpu.memory_space<semaphore_mem>>)
      %slice3A_355 = vector.extract_strided_slice %sub3A_22 {offsets = [10], sizes = [1], strides = [1]} : vector<16xi32> to vector<1xi32>
      %squeeze3A_356 = vector.extract %slice3A_355[0] : i32 from vector<1xi32>
      %multiple_of3A_357 = tpu.assume_multiple %squeeze3A_356, 8 : i32
      %dma_start3A_358 = arith.constant 10 : i32
      %dma_start3A_359 = arith.constant 0 : i32
      %dma_start3A_360 = arith.constant 0 : i32
      %dma_start3A_361 = tpu.memref_slice %arg13[%dma_start3A_358, %dma_start3A_359, %dma_start3A_360] : memref<16x8x64xf32, #tpu.memory_space<vmem>> -> memref<1x8x64xf32, #tpu.memory_space<vmem>>
      %dma_start3A_362 = tpu.memref_squeeze %dma_start3A_361 : memref<1x8x64xf32, #tpu.memory_space<vmem>> -> memref<8x64xf32, #tpu.memory_space<vmem>>
      %dma_start3A_363 = arith.constant 0 : i32
      %dma_start3A_364 = tpu.memref_slice %arg6[%multiple_of3A_357, %dma_start3A_363] : memref<1000000x64xf32, #tpu.memory_space<hbm>> -> memref<8x64xf32, #tpu.memory_space<hbm>>
      %dma_start3A_365 = arith.constant 0 : i32
      %dma_start3A_366 = arith.constant 0 : i32
      %dma_start3A_367 = tpu.memref_slice %arg13[%dma_start3A_358, %dma_start3A_365, %dma_start3A_366] : memref<16x8x64xf32, #tpu.memory_space<vmem>> -> memref<1x8x64xf32, #tpu.memory_space<vmem>>
      %dma_start3A_368 = tpu.memref_squeeze %dma_start3A_367 : memref<1x8x64xf32, #tpu.memory_space<vmem>> -> memref<8x64xf32, #tpu.memory_space<vmem>>
      %dma_start3A_369 = arith.constant 0 : i32
      %dma_start3A_370 = tpu.memref_slice %arg6[%multiple_of3A_357, %dma_start3A_369] : memref<1000000x64xf32, #tpu.memory_space<hbm>> -> memref<8x64xf32, #tpu.memory_space<hbm>>
      tpu.enqueue_dma source(%dma_start3A_370 : memref<8x64xf32, #tpu.memory_space<hbm>>) target(%dma_start3A_368 : memref<8x64xf32, #tpu.memory_space<vmem>>) target_semaphore(%arg18 : memref<!tpu.dma_semaphore, #tpu.memory_space<semaphore_mem>>)
      %slice3A_371 = vector.extract_strided_slice %sub3A {offsets = [11], sizes = [1], strides = [1]} : vector<16xi32> to vector<1xi32>
      %squeeze3A_372 = vector.extract %slice3A_371[0] : i32 from vector<1xi32>
      %multiple_of3A_373 = tpu.assume_multiple %squeeze3A_372, 8 : i32
      %dma_start3A_374 = arith.constant 11 : i32
      %dma_start3A_375 = arith.constant 0 : i32
      %dma_start3A_376 = arith.constant 0 : i32
      %dma_start3A_377 = tpu.memref_slice %arg12[%dma_start3A_374, %dma_start3A_375, %dma_start3A_376] : memref<16x8x64xf32, #tpu.memory_space<vmem>> -> memref<1x8x64xf32, #tpu.memory_space<vmem>>
      %dma_start3A_378 = tpu.memref_squeeze %dma_start3A_377 : memref<1x8x64xf32, #tpu.memory_space<vmem>> -> memref<8x64xf32, #tpu.memory_space<vmem>>
      %dma_start3A_379 = arith.constant 0 : i32
      %dma_start3A_380 = tpu.memref_slice %arg4[%multiple_of3A_373, %dma_start3A_379] : memref<1000000x64xf32, #tpu.memory_space<hbm>> -> memref<8x64xf32, #tpu.memory_space<hbm>>
      %dma_start3A_381 = arith.constant 0 : i32
      %dma_start3A_382 = arith.constant 0 : i32
      %dma_start3A_383 = tpu.memref_slice %arg12[%dma_start3A_374, %dma_start3A_381, %dma_start3A_382] : memref<16x8x64xf32, #tpu.memory_space<vmem>> -> memref<1x8x64xf32, #tpu.memory_space<vmem>>
      %dma_start3A_384 = tpu.memref_squeeze %dma_start3A_383 : memref<1x8x64xf32, #tpu.memory_space<vmem>> -> memref<8x64xf32, #tpu.memory_space<vmem>>
      %dma_start3A_385 = arith.constant 0 : i32
      %dma_start3A_386 = tpu.memref_slice %arg4[%multiple_of3A_373, %dma_start3A_385] : memref<1000000x64xf32, #tpu.memory_space<hbm>> -> memref<8x64xf32, #tpu.memory_space<hbm>>
      tpu.enqueue_dma source(%dma_start3A_386 : memref<8x64xf32, #tpu.memory_space<hbm>>) target(%dma_start3A_384 : memref<8x64xf32, #tpu.memory_space<vmem>>) target_semaphore(%arg18 : memref<!tpu.dma_semaphore, #tpu.memory_space<semaphore_mem>>)
      %slice3A_387 = vector.extract_strided_slice %sub3A_22 {offsets = [11], sizes = [1], strides = [1]} : vector<16xi32> to vector<1xi32>
      %squeeze3A_388 = vector.extract %slice3A_387[0] : i32 from vector<1xi32>
      %multiple_of3A_389 = tpu.assume_multiple %squeeze3A_388, 8 : i32
      %dma_start3A_390 = arith.constant 11 : i32
      %dma_start3A_391 = arith.constant 0 : i32
      %dma_start3A_392 = arith.constant 0 : i32
      %dma_start3A_393 = tpu.memref_slice %arg13[%dma_start3A_390, %dma_start3A_391, %dma_start3A_392] : memref<16x8x64xf32, #tpu.memory_space<vmem>> -> memref<1x8x64xf32, #tpu.memory_space<vmem>>
      %dma_start3A_394 = tpu.memref_squeeze %dma_start3A_393 : memref<1x8x64xf32, #tpu.memory_space<vmem>> -> memref<8x64xf32, #tpu.memory_space<vmem>>
      %dma_start3A_395 = arith.constant 0 : i32
      %dma_start3A_396 = tpu.memref_slice %arg6[%multiple_of3A_389, %dma_start3A_395] : memref<1000000x64xf32, #tpu.memory_space<hbm>> -> memref<8x64xf32, #tpu.memory_space<hbm>>
      %dma_start3A_397 = arith.constant 0 : i32
      %dma_start3A_398 = arith.constant 0 : i32
      %dma_start3A_399 = tpu.memref_slice %arg13[%dma_start3A_390, %dma_start3A_397, %dma_start3A_398] : memref<16x8x64xf32, #tpu.memory_space<vmem>> -> memref<1x8x64xf32, #tpu.memory_space<vmem>>
      %dma_start3A_400 = tpu.memref_squeeze %dma_start3A_399 : memref<1x8x64xf32, #tpu.memory_space<vmem>> -> memref<8x64xf32, #tpu.memory_space<vmem>>
      %dma_start3A_401 = arith.constant 0 : i32
      %dma_start3A_402 = tpu.memref_slice %arg6[%multiple_of3A_389, %dma_start3A_401] : memref<1000000x64xf32, #tpu.memory_space<hbm>> -> memref<8x64xf32, #tpu.memory_space<hbm>>
      tpu.enqueue_dma source(%dma_start3A_402 : memref<8x64xf32, #tpu.memory_space<hbm>>) target(%dma_start3A_400 : memref<8x64xf32, #tpu.memory_space<vmem>>) target_semaphore(%arg18 : memref<!tpu.dma_semaphore, #tpu.memory_space<semaphore_mem>>)
      %slice3A_403 = vector.extract_strided_slice %sub3A {offsets = [12], sizes = [1], strides = [1]} : vector<16xi32> to vector<1xi32>
      %squeeze3A_404 = vector.extract %slice3A_403[0] : i32 from vector<1xi32>
      %multiple_of3A_405 = tpu.assume_multiple %squeeze3A_404, 8 : i32
      %dma_start3A_406 = arith.constant 12 : i32
      %dma_start3A_407 = arith.constant 0 : i32
      %dma_start3A_408 = arith.constant 0 : i32
      %dma_start3A_409 = tpu.memref_slice %arg12[%dma_start3A_406, %dma_start3A_407, %dma_start3A_408] : memref<16x8x64xf32, #tpu.memory_space<vmem>> -> memref<1x8x64xf32, #tpu.memory_space<vmem>>
      %dma_start3A_410 = tpu.memref_squeeze %dma_start3A_409 : memref<1x8x64xf32, #tpu.memory_space<vmem>> -> memref<8x64xf32, #tpu.memory_space<vmem>>
      %dma_start3A_411 = arith.constant 0 : i32
      %dma_start3A_412 = tpu.memref_slice %arg4[%multiple_of3A_405, %dma_start3A_411] : memref<1000000x64xf32, #tpu.memory_space<hbm>> -> memref<8x64xf32, #tpu.memory_space<hbm>>
      %dma_start3A_413 = arith.constant 0 : i32
      %dma_start3A_414 = arith.constant 0 : i32
      %dma_start3A_415 = tpu.memref_slice %arg12[%dma_start3A_406, %dma_start3A_413, %dma_start3A_414] : memref<16x8x64xf32, #tpu.memory_space<vmem>> -> memref<1x8x64xf32, #tpu.memory_space<vmem>>
      %dma_start3A_416 = tpu.memref_squeeze %dma_start3A_415 : memref<1x8x64xf32, #tpu.memory_space<vmem>> -> memref<8x64xf32, #tpu.memory_space<vmem>>
      %dma_start3A_417 = arith.constant 0 : i32
      %dma_start3A_418 = tpu.memref_slice %arg4[%multiple_of3A_405, %dma_start3A_417] : memref<1000000x64xf32, #tpu.memory_space<hbm>> -> memref<8x64xf32, #tpu.memory_space<hbm>>
      tpu.enqueue_dma source(%dma_start3A_418 : memref<8x64xf32, #tpu.memory_space<hbm>>) target(%dma_start3A_416 : memref<8x64xf32, #tpu.memory_space<vmem>>) target_semaphore(%arg18 : memref<!tpu.dma_semaphore, #tpu.memory_space<semaphore_mem>>)
      %slice3A_419 = vector.extract_strided_slice %sub3A_22 {offsets = [12], sizes = [1], strides = [1]} : vector<16xi32> to vector<1xi32>
      %squeeze3A_420 = vector.extract %slice3A_419[0] : i32 from vector<1xi32>
      %multiple_of3A_421 = tpu.assume_multiple %squeeze3A_420, 8 : i32
      %dma_start3A_422 = arith.constant 12 : i32
      %dma_start3A_423 = arith.constant 0 : i32
      %dma_start3A_424 = arith.constant 0 : i32
      %dma_start3A_425 = tpu.memref_slice %arg13[%dma_start3A_422, %dma_start3A_423, %dma_start3A_424] : memref<16x8x64xf32, #tpu.memory_space<vmem>> -> memref<1x8x64xf32, #tpu.memory_space<vmem>>
      %dma_start3A_426 = tpu.memref_squeeze %dma_start3A_425 : memref<1x8x64xf32, #tpu.memory_space<vmem>> -> memref<8x64xf32, #tpu.memory_space<vmem>>
      %dma_start3A_427 = arith.constant 0 : i32
      %dma_start3A_428 = tpu.memref_slice %arg6[%multiple_of3A_421, %dma_start3A_427] : memref<1000000x64xf32, #tpu.memory_space<hbm>> -> memref<8x64xf32, #tpu.memory_space<hbm>>
      %dma_start3A_429 = arith.constant 0 : i32
      %dma_start3A_430 = arith.constant 0 : i32
      %dma_start3A_431 = tpu.memref_slice %arg13[%dma_start3A_422, %dma_start3A_429, %dma_start3A_430] : memref<16x8x64xf32, #tpu.memory_space<vmem>> -> memref<1x8x64xf32, #tpu.memory_space<vmem>>
      %dma_start3A_432 = tpu.memref_squeeze %dma_start3A_431 : memref<1x8x64xf32, #tpu.memory_space<vmem>> -> memref<8x64xf32, #tpu.memory_space<vmem>>
      %dma_start3A_433 = arith.constant 0 : i32
      %dma_start3A_434 = tpu.memref_slice %arg6[%multiple_of3A_421, %dma_start3A_433] : memref<1000000x64xf32, #tpu.memory_space<hbm>> -> memref<8x64xf32, #tpu.memory_space<hbm>>
      tpu.enqueue_dma source(%dma_start3A_434 : memref<8x64xf32, #tpu.memory_space<hbm>>) target(%dma_start3A_432 : memref<8x64xf32, #tpu.memory_space<vmem>>) target_semaphore(%arg18 : memref<!tpu.dma_semaphore, #tpu.memory_space<semaphore_mem>>)
      %slice3A_435 = vector.extract_strided_slice %sub3A {offsets = [13], sizes = [1], strides = [1]} : vector<16xi32> to vector<1xi32>
      %squeeze3A_436 = vector.extract %slice3A_435[0] : i32 from vector<1xi32>
      %multiple_of3A_437 = tpu.assume_multiple %squeeze3A_436, 8 : i32
      %dma_start3A_438 = arith.constant 13 : i32
      %dma_start3A_439 = arith.constant 0 : i32
      %dma_start3A_440 = arith.constant 0 : i32
      %dma_start3A_441 = tpu.memref_slice %arg12[%dma_start3A_438, %dma_start3A_439, %dma_start3A_440] : memref<16x8x64xf32, #tpu.memory_space<vmem>> -> memref<1x8x64xf32, #tpu.memory_space<vmem>>
      %dma_start3A_442 = tpu.memref_squeeze %dma_start3A_441 : memref<1x8x64xf32, #tpu.memory_space<vmem>> -> memref<8x64xf32, #tpu.memory_space<vmem>>
      %dma_start3A_443 = arith.constant 0 : i32
      %dma_start3A_444 = tpu.memref_slice %arg4[%multiple_of3A_437, %dma_start3A_443] : memref<1000000x64xf32, #tpu.memory_space<hbm>> -> memref<8x64xf32, #tpu.memory_space<hbm>>
      %dma_start3A_445 = arith.constant 0 : i32
      %dma_start3A_446 = arith.constant 0 : i32
      %dma_start3A_447 = tpu.memref_slice %arg12[%dma_start3A_438, %dma_start3A_445, %dma_start3A_446] : memref<16x8x64xf32, #tpu.memory_space<vmem>> -> memref<1x8x64xf32, #tpu.memory_space<vmem>>
      %dma_start3A_448 = tpu.memref_squeeze %dma_start3A_447 : memref<1x8x64xf32, #tpu.memory_space<vmem>> -> memref<8x64xf32, #tpu.memory_space<vmem>>
      %dma_start3A_449 = arith.constant 0 : i32
      %dma_start3A_450 = tpu.memref_slice %arg4[%multiple_of3A_437, %dma_start3A_449] : memref<1000000x64xf32, #tpu.memory_space<hbm>> -> memref<8x64xf32, #tpu.memory_space<hbm>>
      tpu.enqueue_dma source(%dma_start3A_450 : memref<8x64xf32, #tpu.memory_space<hbm>>) target(%dma_start3A_448 : memref<8x64xf32, #tpu.memory_space<vmem>>) target_semaphore(%arg18 : memref<!tpu.dma_semaphore, #tpu.memory_space<semaphore_mem>>)
      %slice3A_451 = vector.extract_strided_slice %sub3A_22 {offsets = [13], sizes = [1], strides = [1]} : vector<16xi32> to vector<1xi32>
      %squeeze3A_452 = vector.extract %slice3A_451[0] : i32 from vector<1xi32>
      %multiple_of3A_453 = tpu.assume_multiple %squeeze3A_452, 8 : i32
      %dma_start3A_454 = arith.constant 13 : i32
      %dma_start3A_455 = arith.constant 0 : i32
      %dma_start3A_456 = arith.constant 0 : i32
      %dma_start3A_457 = tpu.memref_slice %arg13[%dma_start3A_454, %dma_start3A_455, %dma_start3A_456] : memref<16x8x64xf32, #tpu.memory_space<vmem>> -> memref<1x8x64xf32, #tpu.memory_space<vmem>>
      %dma_start3A_458 = tpu.memref_squeeze %dma_start3A_457 : memref<1x8x64xf32, #tpu.memory_space<vmem>> -> memref<8x64xf32, #tpu.memory_space<vmem>>
      %dma_start3A_459 = arith.constant 0 : i32
      %dma_start3A_460 = tpu.memref_slice %arg6[%multiple_of3A_453, %dma_start3A_459] : memref<1000000x64xf32, #tpu.memory_space<hbm>> -> memref<8x64xf32, #tpu.memory_space<hbm>>
      %dma_start3A_461 = arith.constant 0 : i32
      %dma_start3A_462 = arith.constant 0 : i32
      %dma_start3A_463 = tpu.memref_slice %arg13[%dma_start3A_454, %dma_start3A_461, %dma_start3A_462] : memref<16x8x64xf32, #tpu.memory_space<vmem>> -> memref<1x8x64xf32, #tpu.memory_space<vmem>>
      %dma_start3A_464 = tpu.memref_squeeze %dma_start3A_463 : memref<1x8x64xf32, #tpu.memory_space<vmem>> -> memref<8x64xf32, #tpu.memory_space<vmem>>
      %dma_start3A_465 = arith.constant 0 : i32
      %dma_start3A_466 = tpu.memref_slice %arg6[%multiple_of3A_453, %dma_start3A_465] : memref<1000000x64xf32, #tpu.memory_space<hbm>> -> memref<8x64xf32, #tpu.memory_space<hbm>>
      tpu.enqueue_dma source(%dma_start3A_466 : memref<8x64xf32, #tpu.memory_space<hbm>>) target(%dma_start3A_464 : memref<8x64xf32, #tpu.memory_space<vmem>>) target_semaphore(%arg18 : memref<!tpu.dma_semaphore, #tpu.memory_space<semaphore_mem>>)
      %slice3A_467 = vector.extract_strided_slice %sub3A {offsets = [14], sizes = [1], strides = [1]} : vector<16xi32> to vector<1xi32>
      %squeeze3A_468 = vector.extract %slice3A_467[0] : i32 from vector<1xi32>
      %multiple_of3A_469 = tpu.assume_multiple %squeeze3A_468, 8 : i32
      %dma_start3A_470 = arith.constant 14 : i32
      %dma_start3A_471 = arith.constant 0 : i32
      %dma_start3A_472 = arith.constant 0 : i32
      %dma_start3A_473 = tpu.memref_slice %arg12[%dma_start3A_470, %dma_start3A_471, %dma_start3A_472] : memref<16x8x64xf32, #tpu.memory_space<vmem>> -> memref<1x8x64xf32, #tpu.memory_space<vmem>>
      %dma_start3A_474 = tpu.memref_squeeze %dma_start3A_473 : memref<1x8x64xf32, #tpu.memory_space<vmem>> -> memref<8x64xf32, #tpu.memory_space<vmem>>
      %dma_start3A_475 = arith.constant 0 : i32
      %dma_start3A_476 = tpu.memref_slice %arg4[%multiple_of3A_469, %dma_start3A_475] : memref<1000000x64xf32, #tpu.memory_space<hbm>> -> memref<8x64xf32, #tpu.memory_space<hbm>>
      %dma_start3A_477 = arith.constant 0 : i32
      %dma_start3A_478 = arith.constant 0 : i32
      %dma_start3A_479 = tpu.memref_slice %arg12[%dma_start3A_470, %dma_start3A_477, %dma_start3A_478] : memref<16x8x64xf32, #tpu.memory_space<vmem>> -> memref<1x8x64xf32, #tpu.memory_space<vmem>>
      %dma_start3A_480 = tpu.memref_squeeze %dma_start3A_479 : memref<1x8x64xf32, #tpu.memory_space<vmem>> -> memref<8x64xf32, #tpu.memory_space<vmem>>
      %dma_start3A_481 = arith.constant 0 : i32
      %dma_start3A_482 = tpu.memref_slice %arg4[%multiple_of3A_469, %dma_start3A_481] : memref<1000000x64xf32, #tpu.memory_space<hbm>> -> memref<8x64xf32, #tpu.memory_space<hbm>>
      tpu.enqueue_dma source(%dma_start3A_482 : memref<8x64xf32, #tpu.memory_space<hbm>>) target(%dma_start3A_480 : memref<8x64xf32, #tpu.memory_space<vmem>>) target_semaphore(%arg18 : memref<!tpu.dma_semaphore, #tpu.memory_space<semaphore_mem>>)
      %slice3A_483 = vector.extract_strided_slice %sub3A_22 {offsets = [14], sizes = [1], strides = [1]} : vector<16xi32> to vector<1xi32>
      %squeeze3A_484 = vector.extract %slice3A_483[0] : i32 from vector<1xi32>
      %multiple_of3A_485 = tpu.assume_multiple %squeeze3A_484, 8 : i32
      %dma_start3A_486 = arith.constant 14 : i32
      %dma_start3A_487 = arith.constant 0 : i32
      %dma_start3A_488 = arith.constant 0 : i32
      %dma_start3A_489 = tpu.memref_slice %arg13[%dma_start3A_486, %dma_start3A_487, %dma_start3A_488] : memref<16x8x64xf32, #tpu.memory_space<vmem>> -> memref<1x8x64xf32, #tpu.memory_space<vmem>>
      %dma_start3A_490 = tpu.memref_squeeze %dma_start3A_489 : memref<1x8x64xf32, #tpu.memory_space<vmem>> -> memref<8x64xf32, #tpu.memory_space<vmem>>
      %dma_start3A_491 = arith.constant 0 : i32
      %dma_start3A_492 = tpu.memref_slice %arg6[%multiple_of3A_485, %dma_start3A_491] : memref<1000000x64xf32, #tpu.memory_space<hbm>> -> memref<8x64xf32, #tpu.memory_space<hbm>>
      %dma_start3A_493 = arith.constant 0 : i32
      %dma_start3A_494 = arith.constant 0 : i32
      %dma_start3A_495 = tpu.memref_slice %arg13[%dma_start3A_486, %dma_start3A_493, %dma_start3A_494] : memref<16x8x64xf32, #tpu.memory_space<vmem>> -> memref<1x8x64xf32, #tpu.memory_space<vmem>>
      %dma_start3A_496 = tpu.memref_squeeze %dma_start3A_495 : memref<1x8x64xf32, #tpu.memory_space<vmem>> -> memref<8x64xf32, #tpu.memory_space<vmem>>
      %dma_start3A_497 = arith.constant 0 : i32
      %dma_start3A_498 = tpu.memref_slice %arg6[%multiple_of3A_485, %dma_start3A_497] : memref<1000000x64xf32, #tpu.memory_space<hbm>> -> memref<8x64xf32, #tpu.memory_space<hbm>>
      tpu.enqueue_dma source(%dma_start3A_498 : memref<8x64xf32, #tpu.memory_space<hbm>>) target(%dma_start3A_496 : memref<8x64xf32, #tpu.memory_space<vmem>>) target_semaphore(%arg18 : memref<!tpu.dma_semaphore, #tpu.memory_space<semaphore_mem>>)
      %slice3A_499 = vector.extract_strided_slice %sub3A {offsets = [15], sizes = [1], strides = [1]} : vector<16xi32> to vector<1xi32>
      %squeeze3A_500 = vector.extract %slice3A_499[0] : i32 from vector<1xi32>
      %multiple_of3A_501 = tpu.assume_multiple %squeeze3A_500, 8 : i32
      %dma_start3A_502 = arith.constant 15 : i32
      %dma_start3A_503 = arith.constant 0 : i32
      %dma_start3A_504 = arith.constant 0 : i32
      %dma_start3A_505 = tpu.memref_slice %arg12[%dma_start3A_502, %dma_start3A_503, %dma_start3A_504] : memref<16x8x64xf32, #tpu.memory_space<vmem>> -> memref<1x8x64xf32, #tpu.memory_space<vmem>>
      %dma_start3A_506 = tpu.memref_squeeze %dma_start3A_505 : memref<1x8x64xf32, #tpu.memory_space<vmem>> -> memref<8x64xf32, #tpu.memory_space<vmem>>
      %dma_start3A_507 = arith.constant 0 : i32
      %dma_start3A_508 = tpu.memref_slice %arg4[%multiple_of3A_501, %dma_start3A_507] : memref<1000000x64xf32, #tpu.memory_space<hbm>> -> memref<8x64xf32, #tpu.memory_space<hbm>>
      %dma_start3A_509 = arith.constant 0 : i32
      %dma_start3A_510 = arith.constant 0 : i32
      %dma_start3A_511 = tpu.memref_slice %arg12[%dma_start3A_502, %dma_start3A_509, %dma_start3A_510] : memref<16x8x64xf32, #tpu.memory_space<vmem>> -> memref<1x8x64xf32, #tpu.memory_space<vmem>>
      %dma_start3A_512 = tpu.memref_squeeze %dma_start3A_511 : memref<1x8x64xf32, #tpu.memory_space<vmem>> -> memref<8x64xf32, #tpu.memory_space<vmem>>
      %dma_start3A_513 = arith.constant 0 : i32
      %dma_start3A_514 = tpu.memref_slice %arg4[%multiple_of3A_501, %dma_start3A_513] : memref<1000000x64xf32, #tpu.memory_space<hbm>> -> memref<8x64xf32, #tpu.memory_space<hbm>>
      tpu.enqueue_dma source(%dma_start3A_514 : memref<8x64xf32, #tpu.memory_space<hbm>>) target(%dma_start3A_512 : memref<8x64xf32, #tpu.memory_space<vmem>>) target_semaphore(%arg18 : memref<!tpu.dma_semaphore, #tpu.memory_space<semaphore_mem>>)
      %slice3A_515 = vector.extract_strided_slice %sub3A_22 {offsets = [15], sizes = [1], strides = [1]} : vector<16xi32> to vector<1xi32>
      %squeeze3A_516 = vector.extract %slice3A_515[0] : i32 from vector<1xi32>
      %multiple_of3A_517 = tpu.assume_multiple %squeeze3A_516, 8 : i32
      %dma_start3A_518 = arith.constant 15 : i32
      %dma_start3A_519 = arith.constant 0 : i32
      %dma_start3A_520 = arith.constant 0 : i32
      %dma_start3A_521 = tpu.memref_slice %arg13[%dma_start3A_518, %dma_start3A_519, %dma_start3A_520] : memref<16x8x64xf32, #tpu.memory_space<vmem>> -> memref<1x8x64xf32, #tpu.memory_space<vmem>>
      %dma_start3A_522 = tpu.memref_squeeze %dma_start3A_521 : memref<1x8x64xf32, #tpu.memory_space<vmem>> -> memref<8x64xf32, #tpu.memory_space<vmem>>
      %dma_start3A_523 = arith.constant 0 : i32
      %dma_start3A_524 = tpu.memref_slice %arg6[%multiple_of3A_517, %dma_start3A_523] : memref<1000000x64xf32, #tpu.memory_space<hbm>> -> memref<8x64xf32, #tpu.memory_space<hbm>>
      %dma_start3A_525 = arith.constant 0 : i32
      %dma_start3A_526 = arith.constant 0 : i32
      %dma_start3A_527 = tpu.memref_slice %arg13[%dma_start3A_518, %dma_start3A_525, %dma_start3A_526] : memref<16x8x64xf32, #tpu.memory_space<vmem>> -> memref<1x8x64xf32, #tpu.memory_space<vmem>>
      %dma_start3A_528 = tpu.memref_squeeze %dma_start3A_527 : memref<1x8x64xf32, #tpu.memory_space<vmem>> -> memref<8x64xf32, #tpu.memory_space<vmem>>
      %dma_start3A_529 = arith.constant 0 : i32
      %dma_start3A_530 = tpu.memref_slice %arg6[%multiple_of3A_517, %dma_start3A_529] : memref<1000000x64xf32, #tpu.memory_space<hbm>> -> memref<8x64xf32, #tpu.memory_space<hbm>>
      tpu.enqueue_dma source(%dma_start3A_530 : memref<8x64xf32, #tpu.memory_space<hbm>>) target(%dma_start3A_528 : memref<8x64xf32, #tpu.memory_space<vmem>>) target_semaphore(%arg18 : memref<!tpu.dma_semaphore, #tpu.memory_space<semaphore_mem>>)
      %shift_right_logical3A = arith.constant 7 : i32
      %shift_right_logical3A_531 = vector.broadcast %shift_right_logical3A : i32 to vector<16xi32>
      %shift_right_logical3A_532 = arith.shrui %get3A_16, %shift_right_logical3A_531 : vector<16xi32>
      %dma_start3A_533 = arith.constant 0 : i32
      %dma_start3A_534 = arith.constant 0 : i32
      %dma_start3A_535 = tpu.memref_slice %arg5[%dma_start3A_533, %dma_start3A_534] : memref<7813x128xf32, #tpu.memory_space<hbm>> -> memref<7813x128xf32, #tpu.memory_space<hbm>>
      tpu.enqueue_indirect_dma source(%dma_start3A_535 : memref<7813x128xf32, #tpu.memory_space<hbm>>) target(%arg14 : memref<16x128xf32, #tpu.memory_space<vmem>>) offsets(%shift_right_logical3A_532 : vector<16xi32>) semaphore(%arg18 : memref<!tpu.dma_semaphore, #tpu.memory_space<semaphore_mem>>)
      %shift_right_logical3A_536 = arith.constant 7 : i32
      %shift_right_logical3A_537 = vector.broadcast %shift_right_logical3A_536 : i32 to vector<16xi32>
      %shift_right_logical3A_538 = arith.shrui %get3A_20, %shift_right_logical3A_537 : vector<16xi32>
      %dma_start3A_539 = arith.constant 0 : i32
      %dma_start3A_540 = arith.constant 0 : i32
      %dma_start3A_541 = tpu.memref_slice %arg7[%dma_start3A_539, %dma_start3A_540] : memref<7813x128xf32, #tpu.memory_space<hbm>> -> memref<7813x128xf32, #tpu.memory_space<hbm>>
      tpu.enqueue_indirect_dma source(%dma_start3A_541 : memref<7813x128xf32, #tpu.memory_space<hbm>>) target(%arg15 : memref<16x128xf32, #tpu.memory_space<vmem>>) offsets(%shift_right_logical3A_538 : vector<16xi32>) semaphore(%arg18 : memref<!tpu.dma_semaphore, #tpu.memory_space<semaphore_mem>>)
      %dma_wait3A = arith.constant 0 : i32
      %dma_wait3A_542 = arith.constant 0 : i32
      %dma_wait3A_543 = arith.constant 0 : i32
      %dma_wait3A_544 = tpu.memref_slice %arg12[%dma_wait3A, %dma_wait3A_542, %dma_wait3A_543] : memref<16x8x64xf32, #tpu.memory_space<vmem>> -> memref<1x8x64xf32, #tpu.memory_space<vmem>>
      %dma_wait3A_545 = tpu.memref_squeeze %dma_wait3A_544 : memref<1x8x64xf32, #tpu.memory_space<vmem>> -> memref<8x64xf32, #tpu.memory_space<vmem>>
      %dma_wait3A_546 = arith.constant 0 : i32
      %dma_wait3A_547 = tpu.memref_slice %arg4[%multiple_of3A, %dma_wait3A_546] : memref<1000000x64xf32, #tpu.memory_space<hbm>> -> memref<8x64xf32, #tpu.memory_space<hbm>>
      %dma_wait3A_548 = arith.constant 0 : i32
      %dma_wait3A_549 = arith.constant 0 : i32
      %dma_wait3A_550 = tpu.memref_slice %arg12[%dma_wait3A, %dma_wait3A_548, %dma_wait3A_549] : memref<16x8x64xf32, #tpu.memory_space<vmem>> -> memref<1x8x64xf32, #tpu.memory_space<vmem>>
      %dma_wait3A_551 = tpu.memref_squeeze %dma_wait3A_550 : memref<1x8x64xf32, #tpu.memory_space<vmem>> -> memref<8x64xf32, #tpu.memory_space<vmem>>
      %dma_wait3A_552 = arith.constant 0 : i32
      %dma_wait3A_553 = tpu.memref_slice %arg4[%multiple_of3A, %dma_wait3A_552] : memref<1000000x64xf32, #tpu.memory_space<hbm>> -> memref<8x64xf32, #tpu.memory_space<hbm>>
      tpu.wait_dma2 semaphore(%arg18 : memref<!tpu.dma_semaphore, #tpu.memory_space<semaphore_mem>>) src(%dma_wait3A_553 : memref<8x64xf32, #tpu.memory_space<hbm>>) dst(%dma_wait3A_551 : memref<8x64xf32, #tpu.memory_space<vmem>>)
      %dma_wait3A_554 = arith.constant 0 : i32
      %dma_wait3A_555 = arith.constant 0 : i32
      %dma_wait3A_556 = arith.constant 0 : i32
      %dma_wait3A_557 = tpu.memref_slice %arg13[%dma_wait3A_554, %dma_wait3A_555, %dma_wait3A_556] : memref<16x8x64xf32, #tpu.memory_space<vmem>> -> memref<1x8x64xf32, #tpu.memory_space<vmem>>
      %dma_wait3A_558 = tpu.memref_squeeze %dma_wait3A_557 : memref<1x8x64xf32, #tpu.memory_space<vmem>> -> memref<8x64xf32, #tpu.memory_space<vmem>>
      %dma_wait3A_559 = arith.constant 0 : i32
      %dma_wait3A_560 = tpu.memref_slice %arg6[%multiple_of3A_37, %dma_wait3A_559] : memref<1000000x64xf32, #tpu.memory_space<hbm>> -> memref<8x64xf32, #tpu.memory_space<hbm>>
      %dma_wait3A_561 = arith.constant 0 : i32
      %dma_wait3A_562 = arith.constant 0 : i32
      %dma_wait3A_563 = tpu.memref_slice %arg13[%dma_wait3A_554, %dma_wait3A_561, %dma_wait3A_562] : memref<16x8x64xf32, #tpu.memory_space<vmem>> -> memref<1x8x64xf32, #tpu.memory_space<vmem>>
      %dma_wait3A_564 = tpu.memref_squeeze %dma_wait3A_563 : memref<1x8x64xf32, #tpu.memory_space<vmem>> -> memref<8x64xf32, #tpu.memory_space<vmem>>
      %dma_wait3A_565 = arith.constant 0 : i32
      %dma_wait3A_566 = tpu.memref_slice %arg6[%multiple_of3A_37, %dma_wait3A_565] : memref<1000000x64xf32, #tpu.memory_space<hbm>> -> memref<8x64xf32, #tpu.memory_space<hbm>>
      tpu.wait_dma2 semaphore(%arg18 : memref<!tpu.dma_semaphore, #tpu.memory_space<semaphore_mem>>) src(%dma_wait3A_566 : memref<8x64xf32, #tpu.memory_space<hbm>>) dst(%dma_wait3A_564 : memref<8x64xf32, #tpu.memory_space<vmem>>)
      %dma_wait3A_567 = arith.constant 1 : i32
      %dma_wait3A_568 = arith.constant 0 : i32
      %dma_wait3A_569 = arith.constant 0 : i32
      %dma_wait3A_570 = tpu.memref_slice %arg12[%dma_wait3A_567, %dma_wait3A_568, %dma_wait3A_569] : memref<16x8x64xf32, #tpu.memory_space<vmem>> -> memref<1x8x64xf32, #tpu.memory_space<vmem>>
      %dma_wait3A_571 = tpu.memref_squeeze %dma_wait3A_570 : memref<1x8x64xf32, #tpu.memory_space<vmem>> -> memref<8x64xf32, #tpu.memory_space<vmem>>
      %dma_wait3A_572 = arith.constant 0 : i32
      %dma_wait3A_573 = tpu.memref_slice %arg4[%multiple_of3A_53, %dma_wait3A_572] : memref<1000000x64xf32, #tpu.memory_space<hbm>> -> memref<8x64xf32, #tpu.memory_space<hbm>>
      %dma_wait3A_574 = arith.constant 0 : i32
      %dma_wait3A_575 = arith.constant 0 : i32
      %dma_wait3A_576 = tpu.memref_slice %arg12[%dma_wait3A_567, %dma_wait3A_574, %dma_wait3A_575] : memref<16x8x64xf32, #tpu.memory_space<vmem>> -> memref<1x8x64xf32, #tpu.memory_space<vmem>>
      %dma_wait3A_577 = tpu.memref_squeeze %dma_wait3A_576 : memref<1x8x64xf32, #tpu.memory_space<vmem>> -> memref<8x64xf32, #tpu.memory_space<vmem>>
      %dma_wait3A_578 = arith.constant 0 : i32
      %dma_wait3A_579 = tpu.memref_slice %arg4[%multiple_of3A_53, %dma_wait3A_578] : memref<1000000x64xf32, #tpu.memory_space<hbm>> -> memref<8x64xf32, #tpu.memory_space<hbm>>
      tpu.wait_dma2 semaphore(%arg18 : memref<!tpu.dma_semaphore, #tpu.memory_space<semaphore_mem>>) src(%dma_wait3A_579 : memref<8x64xf32, #tpu.memory_space<hbm>>) dst(%dma_wait3A_577 : memref<8x64xf32, #tpu.memory_space<vmem>>)
      %dma_wait3A_580 = arith.constant 1 : i32
      %dma_wait3A_581 = arith.constant 0 : i32
      %dma_wait3A_582 = arith.constant 0 : i32
      %dma_wait3A_583 = tpu.memref_slice %arg13[%dma_wait3A_580, %dma_wait3A_581, %dma_wait3A_582] : memref<16x8x64xf32, #tpu.memory_space<vmem>> -> memref<1x8x64xf32, #tpu.memory_space<vmem>>
      %dma_wait3A_584 = tpu.memref_squeeze %dma_wait3A_583 : memref<1x8x64xf32, #tpu.memory_space<vmem>> -> memref<8x64xf32, #tpu.memory_space<vmem>>
      %dma_wait3A_585 = arith.constant 0 : i32
      %dma_wait3A_586 = tpu.memref_slice %arg6[%multiple_of3A_69, %dma_wait3A_585] : memref<1000000x64xf32, #tpu.memory_space<hbm>> -> memref<8x64xf32, #tpu.memory_space<hbm>>
      %dma_wait3A_587 = arith.constant 0 : i32
      %dma_wait3A_588 = arith.constant 0 : i32
      %dma_wait3A_589 = tpu.memref_slice %arg13[%dma_wait3A_580, %dma_wait3A_587, %dma_wait3A_588] : memref<16x8x64xf32, #tpu.memory_space<vmem>> -> memref<1x8x64xf32, #tpu.memory_space<vmem>>
      %dma_wait3A_590 = tpu.memref_squeeze %dma_wait3A_589 : memref<1x8x64xf32, #tpu.memory_space<vmem>> -> memref<8x64xf32, #tpu.memory_space<vmem>>
      %dma_wait3A_591 = arith.constant 0 : i32
      %dma_wait3A_592 = tpu.memref_slice %arg6[%multiple_of3A_69, %dma_wait3A_591] : memref<1000000x64xf32, #tpu.memory_space<hbm>> -> memref<8x64xf32, #tpu.memory_space<hbm>>
      tpu.wait_dma2 semaphore(%arg18 : memref<!tpu.dma_semaphore, #tpu.memory_space<semaphore_mem>>) src(%dma_wait3A_592 : memref<8x64xf32, #tpu.memory_space<hbm>>) dst(%dma_wait3A_590 : memref<8x64xf32, #tpu.memory_space<vmem>>)
      %dma_wait3A_593 = arith.constant 2 : i32
      %dma_wait3A_594 = arith.constant 0 : i32
      %dma_wait3A_595 = arith.constant 0 : i32
      %dma_wait3A_596 = tpu.memref_slice %arg12[%dma_wait3A_593, %dma_wait3A_594, %dma_wait3A_595] : memref<16x8x64xf32, #tpu.memory_space<vmem>> -> memref<1x8x64xf32, #tpu.memory_space<vmem>>
      %dma_wait3A_597 = tpu.memref_squeeze %dma_wait3A_596 : memref<1x8x64xf32, #tpu.memory_space<vmem>> -> memref<8x64xf32, #tpu.memory_space<vmem>>
      %dma_wait3A_598 = arith.constant 0 : i32
      %dma_wait3A_599 = tpu.memref_slice %arg4[%multiple_of3A_85, %dma_wait3A_598] : memref<1000000x64xf32, #tpu.memory_space<hbm>> -> memref<8x64xf32, #tpu.memory_space<hbm>>
      %dma_wait3A_600 = arith.constant 0 : i32
      %dma_wait3A_601 = arith.constant 0 : i32
      %dma_wait3A_602 = tpu.memref_slice %arg12[%dma_wait3A_593, %dma_wait3A_600, %dma_wait3A_601] : memref<16x8x64xf32, #tpu.memory_space<vmem>> -> memref<1x8x64xf32, #tpu.memory_space<vmem>>
      %dma_wait3A_603 = tpu.memref_squeeze %dma_wait3A_602 : memref<1x8x64xf32, #tpu.memory_space<vmem>> -> memref<8x64xf32, #tpu.memory_space<vmem>>
      %dma_wait3A_604 = arith.constant 0 : i32
      %dma_wait3A_605 = tpu.memref_slice %arg4[%multiple_of3A_85, %dma_wait3A_604] : memref<1000000x64xf32, #tpu.memory_space<hbm>> -> memref<8x64xf32, #tpu.memory_space<hbm>>
      tpu.wait_dma2 semaphore(%arg18 : memref<!tpu.dma_semaphore, #tpu.memory_space<semaphore_mem>>) src(%dma_wait3A_605 : memref<8x64xf32, #tpu.memory_space<hbm>>) dst(%dma_wait3A_603 : memref<8x64xf32, #tpu.memory_space<vmem>>)
      %dma_wait3A_606 = arith.constant 2 : i32
      %dma_wait3A_607 = arith.constant 0 : i32
      %dma_wait3A_608 = arith.constant 0 : i32
      %dma_wait3A_609 = tpu.memref_slice %arg13[%dma_wait3A_606, %dma_wait3A_607, %dma_wait3A_608] : memref<16x8x64xf32, #tpu.memory_space<vmem>> -> memref<1x8x64xf32, #tpu.memory_space<vmem>>
      %dma_wait3A_610 = tpu.memref_squeeze %dma_wait3A_609 : memref<1x8x64xf32, #tpu.memory_space<vmem>> -> memref<8x64xf32, #tpu.memory_space<vmem>>
      %dma_wait3A_611 = arith.constant 0 : i32
      %dma_wait3A_612 = tpu.memref_slice %arg6[%multiple_of3A_101, %dma_wait3A_611] : memref<1000000x64xf32, #tpu.memory_space<hbm>> -> memref<8x64xf32, #tpu.memory_space<hbm>>
      %dma_wait3A_613 = arith.constant 0 : i32
      %dma_wait3A_614 = arith.constant 0 : i32
      %dma_wait3A_615 = tpu.memref_slice %arg13[%dma_wait3A_606, %dma_wait3A_613, %dma_wait3A_614] : memref<16x8x64xf32, #tpu.memory_space<vmem>> -> memref<1x8x64xf32, #tpu.memory_space<vmem>>
      %dma_wait3A_616 = tpu.memref_squeeze %dma_wait3A_615 : memref<1x8x64xf32, #tpu.memory_space<vmem>> -> memref<8x64xf32, #tpu.memory_space<vmem>>
      %dma_wait3A_617 = arith.constant 0 : i32
      %dma_wait3A_618 = tpu.memref_slice %arg6[%multiple_of3A_101, %dma_wait3A_617] : memref<1000000x64xf32, #tpu.memory_space<hbm>> -> memref<8x64xf32, #tpu.memory_space<hbm>>
      tpu.wait_dma2 semaphore(%arg18 : memref<!tpu.dma_semaphore, #tpu.memory_space<semaphore_mem>>) src(%dma_wait3A_618 : memref<8x64xf32, #tpu.memory_space<hbm>>) dst(%dma_wait3A_616 : memref<8x64xf32, #tpu.memory_space<vmem>>)
      %dma_wait3A_619 = arith.constant 3 : i32
      %dma_wait3A_620 = arith.constant 0 : i32
      %dma_wait3A_621 = arith.constant 0 : i32
      %dma_wait3A_622 = tpu.memref_slice %arg12[%dma_wait3A_619, %dma_wait3A_620, %dma_wait3A_621] : memref<16x8x64xf32, #tpu.memory_space<vmem>> -> memref<1x8x64xf32, #tpu.memory_space<vmem>>
      %dma_wait3A_623 = tpu.memref_squeeze %dma_wait3A_622 : memref<1x8x64xf32, #tpu.memory_space<vmem>> -> memref<8x64xf32, #tpu.memory_space<vmem>>
      %dma_wait3A_624 = arith.constant 0 : i32
      %dma_wait3A_625 = tpu.memref_slice %arg4[%multiple_of3A_117, %dma_wait3A_624] : memref<1000000x64xf32, #tpu.memory_space<hbm>> -> memref<8x64xf32, #tpu.memory_space<hbm>>
      %dma_wait3A_626 = arith.constant 0 : i32
      %dma_wait3A_627 = arith.constant 0 : i32
      %dma_wait3A_628 = tpu.memref_slice %arg12[%dma_wait3A_619, %dma_wait3A_626, %dma_wait3A_627] : memref<16x8x64xf32, #tpu.memory_space<vmem>> -> memref<1x8x64xf32, #tpu.memory_space<vmem>>
      %dma_wait3A_629 = tpu.memref_squeeze %dma_wait3A_628 : memref<1x8x64xf32, #tpu.memory_space<vmem>> -> memref<8x64xf32, #tpu.memory_space<vmem>>
      %dma_wait3A_630 = arith.constant 0 : i32
      %dma_wait3A_631 = tpu.memref_slice %arg4[%multiple_of3A_117, %dma_wait3A_630] : memref<1000000x64xf32, #tpu.memory_space<hbm>> -> memref<8x64xf32, #tpu.memory_space<hbm>>
      tpu.wait_dma2 semaphore(%arg18 : memref<!tpu.dma_semaphore, #tpu.memory_space<semaphore_mem>>) src(%dma_wait3A_631 : memref<8x64xf32, #tpu.memory_space<hbm>>) dst(%dma_wait3A_629 : memref<8x64xf32, #tpu.memory_space<vmem>>)
      %dma_wait3A_632 = arith.constant 3 : i32
      %dma_wait3A_633 = arith.constant 0 : i32
      %dma_wait3A_634 = arith.constant 0 : i32
      %dma_wait3A_635 = tpu.memref_slice %arg13[%dma_wait3A_632, %dma_wait3A_633, %dma_wait3A_634] : memref<16x8x64xf32, #tpu.memory_space<vmem>> -> memref<1x8x64xf32, #tpu.memory_space<vmem>>
      %dma_wait3A_636 = tpu.memref_squeeze %dma_wait3A_635 : memref<1x8x64xf32, #tpu.memory_space<vmem>> -> memref<8x64xf32, #tpu.memory_space<vmem>>
      %dma_wait3A_637 = arith.constant 0 : i32
      %dma_wait3A_638 = tpu.memref_slice %arg6[%multiple_of3A_133, %dma_wait3A_637] : memref<1000000x64xf32, #tpu.memory_space<hbm>> -> memref<8x64xf32, #tpu.memory_space<hbm>>
      %dma_wait3A_639 = arith.constant 0 : i32
      %dma_wait3A_640 = arith.constant 0 : i32
      %dma_wait3A_641 = tpu.memref_slice %arg13[%dma_wait3A_632, %dma_wait3A_639, %dma_wait3A_640] : memref<16x8x64xf32, #tpu.memory_space<vmem>> -> memref<1x8x64xf32, #tpu.memory_space<vmem>>
      %dma_wait3A_642 = tpu.memref_squeeze %dma_wait3A_641 : memref<1x8x64xf32, #tpu.memory_space<vmem>> -> memref<8x64xf32, #tpu.memory_space<vmem>>
      %dma_wait3A_643 = arith.constant 0 : i32
      %dma_wait3A_644 = tpu.memref_slice %arg6[%multiple_of3A_133, %dma_wait3A_643] : memref<1000000x64xf32, #tpu.memory_space<hbm>> -> memref<8x64xf32, #tpu.memory_space<hbm>>
      tpu.wait_dma2 semaphore(%arg18 : memref<!tpu.dma_semaphore, #tpu.memory_space<semaphore_mem>>) src(%dma_wait3A_644 : memref<8x64xf32, #tpu.memory_space<hbm>>) dst(%dma_wait3A_642 : memref<8x64xf32, #tpu.memory_space<vmem>>)
      %dma_wait3A_645 = arith.constant 4 : i32
      %dma_wait3A_646 = arith.constant 0 : i32
      %dma_wait3A_647 = arith.constant 0 : i32
      %dma_wait3A_648 = tpu.memref_slice %arg12[%dma_wait3A_645, %dma_wait3A_646, %dma_wait3A_647] : memref<16x8x64xf32, #tpu.memory_space<vmem>> -> memref<1x8x64xf32, #tpu.memory_space<vmem>>
      %dma_wait3A_649 = tpu.memref_squeeze %dma_wait3A_648 : memref<1x8x64xf32, #tpu.memory_space<vmem>> -> memref<8x64xf32, #tpu.memory_space<vmem>>
      %dma_wait3A_650 = arith.constant 0 : i32
      %dma_wait3A_651 = tpu.memref_slice %arg4[%multiple_of3A_149, %dma_wait3A_650] : memref<1000000x64xf32, #tpu.memory_space<hbm>> -> memref<8x64xf32, #tpu.memory_space<hbm>>
      %dma_wait3A_652 = arith.constant 0 : i32
      %dma_wait3A_653 = arith.constant 0 : i32
      %dma_wait3A_654 = tpu.memref_slice %arg12[%dma_wait3A_645, %dma_wait3A_652, %dma_wait3A_653] : memref<16x8x64xf32, #tpu.memory_space<vmem>> -> memref<1x8x64xf32, #tpu.memory_space<vmem>>
      %dma_wait3A_655 = tpu.memref_squeeze %dma_wait3A_654 : memref<1x8x64xf32, #tpu.memory_space<vmem>> -> memref<8x64xf32, #tpu.memory_space<vmem>>
      %dma_wait3A_656 = arith.constant 0 : i32
      %dma_wait3A_657 = tpu.memref_slice %arg4[%multiple_of3A_149, %dma_wait3A_656] : memref<1000000x64xf32, #tpu.memory_space<hbm>> -> memref<8x64xf32, #tpu.memory_space<hbm>>
      tpu.wait_dma2 semaphore(%arg18 : memref<!tpu.dma_semaphore, #tpu.memory_space<semaphore_mem>>) src(%dma_wait3A_657 : memref<8x64xf32, #tpu.memory_space<hbm>>) dst(%dma_wait3A_655 : memref<8x64xf32, #tpu.memory_space<vmem>>)
      %dma_wait3A_658 = arith.constant 4 : i32
      %dma_wait3A_659 = arith.constant 0 : i32
      %dma_wait3A_660 = arith.constant 0 : i32
      %dma_wait3A_661 = tpu.memref_slice %arg13[%dma_wait3A_658, %dma_wait3A_659, %dma_wait3A_660] : memref<16x8x64xf32, #tpu.memory_space<vmem>> -> memref<1x8x64xf32, #tpu.memory_space<vmem>>
      %dma_wait3A_662 = tpu.memref_squeeze %dma_wait3A_661 : memref<1x8x64xf32, #tpu.memory_space<vmem>> -> memref<8x64xf32, #tpu.memory_space<vmem>>
      %dma_wait3A_663 = arith.constant 0 : i32
      %dma_wait3A_664 = tpu.memref_slice %arg6[%multiple_of3A_165, %dma_wait3A_663] : memref<1000000x64xf32, #tpu.memory_space<hbm>> -> memref<8x64xf32, #tpu.memory_space<hbm>>
      %dma_wait3A_665 = arith.constant 0 : i32
      %dma_wait3A_666 = arith.constant 0 : i32
      %dma_wait3A_667 = tpu.memref_slice %arg13[%dma_wait3A_658, %dma_wait3A_665, %dma_wait3A_666] : memref<16x8x64xf32, #tpu.memory_space<vmem>> -> memref<1x8x64xf32, #tpu.memory_space<vmem>>
      %dma_wait3A_668 = tpu.memref_squeeze %dma_wait3A_667 : memref<1x8x64xf32, #tpu.memory_space<vmem>> -> memref<8x64xf32, #tpu.memory_space<vmem>>
      %dma_wait3A_669 = arith.constant 0 : i32
      %dma_wait3A_670 = tpu.memref_slice %arg6[%multiple_of3A_165, %dma_wait3A_669] : memref<1000000x64xf32, #tpu.memory_space<hbm>> -> memref<8x64xf32, #tpu.memory_space<hbm>>
      tpu.wait_dma2 semaphore(%arg18 : memref<!tpu.dma_semaphore, #tpu.memory_space<semaphore_mem>>) src(%dma_wait3A_670 : memref<8x64xf32, #tpu.memory_space<hbm>>) dst(%dma_wait3A_668 : memref<8x64xf32, #tpu.memory_space<vmem>>)
      %dma_wait3A_671 = arith.constant 5 : i32
      %dma_wait3A_672 = arith.constant 0 : i32
      %dma_wait3A_673 = arith.constant 0 : i32
      %dma_wait3A_674 = tpu.memref_slice %arg12[%dma_wait3A_671, %dma_wait3A_672, %dma_wait3A_673] : memref<16x8x64xf32, #tpu.memory_space<vmem>> -> memref<1x8x64xf32, #tpu.memory_space<vmem>>
      %dma_wait3A_675 = tpu.memref_squeeze %dma_wait3A_674 : memref<1x8x64xf32, #tpu.memory_space<vmem>> -> memref<8x64xf32, #tpu.memory_space<vmem>>
      %dma_wait3A_676 = arith.constant 0 : i32
      %dma_wait3A_677 = tpu.memref_slice %arg4[%multiple_of3A_181, %dma_wait3A_676] : memref<1000000x64xf32, #tpu.memory_space<hbm>> -> memref<8x64xf32, #tpu.memory_space<hbm>>
      %dma_wait3A_678 = arith.constant 0 : i32
      %dma_wait3A_679 = arith.constant 0 : i32
      %dma_wait3A_680 = tpu.memref_slice %arg12[%dma_wait3A_671, %dma_wait3A_678, %dma_wait3A_679] : memref<16x8x64xf32, #tpu.memory_space<vmem>> -> memref<1x8x64xf32, #tpu.memory_space<vmem>>
      %dma_wait3A_681 = tpu.memref_squeeze %dma_wait3A_680 : memref<1x8x64xf32, #tpu.memory_space<vmem>> -> memref<8x64xf32, #tpu.memory_space<vmem>>
      %dma_wait3A_682 = arith.constant 0 : i32
      %dma_wait3A_683 = tpu.memref_slice %arg4[%multiple_of3A_181, %dma_wait3A_682] : memref<1000000x64xf32, #tpu.memory_space<hbm>> -> memref<8x64xf32, #tpu.memory_space<hbm>>
      tpu.wait_dma2 semaphore(%arg18 : memref<!tpu.dma_semaphore, #tpu.memory_space<semaphore_mem>>) src(%dma_wait3A_683 : memref<8x64xf32, #tpu.memory_space<hbm>>) dst(%dma_wait3A_681 : memref<8x64xf32, #tpu.memory_space<vmem>>)
      %dma_wait3A_684 = arith.constant 5 : i32
      %dma_wait3A_685 = arith.constant 0 : i32
      %dma_wait3A_686 = arith.constant 0 : i32
      %dma_wait3A_687 = tpu.memref_slice %arg13[%dma_wait3A_684, %dma_wait3A_685, %dma_wait3A_686] : memref<16x8x64xf32, #tpu.memory_space<vmem>> -> memref<1x8x64xf32, #tpu.memory_space<vmem>>
      %dma_wait3A_688 = tpu.memref_squeeze %dma_wait3A_687 : memref<1x8x64xf32, #tpu.memory_space<vmem>> -> memref<8x64xf32, #tpu.memory_space<vmem>>
      %dma_wait3A_689 = arith.constant 0 : i32
      %dma_wait3A_690 = tpu.memref_slice %arg6[%multiple_of3A_197, %dma_wait3A_689] : memref<1000000x64xf32, #tpu.memory_space<hbm>> -> memref<8x64xf32, #tpu.memory_space<hbm>>
      %dma_wait3A_691 = arith.constant 0 : i32
      %dma_wait3A_692 = arith.constant 0 : i32
      %dma_wait3A_693 = tpu.memref_slice %arg13[%dma_wait3A_684, %dma_wait3A_691, %dma_wait3A_692] : memref<16x8x64xf32, #tpu.memory_space<vmem>> -> memref<1x8x64xf32, #tpu.memory_space<vmem>>
      %dma_wait3A_694 = tpu.memref_squeeze %dma_wait3A_693 : memref<1x8x64xf32, #tpu.memory_space<vmem>> -> memref<8x64xf32, #tpu.memory_space<vmem>>
      %dma_wait3A_695 = arith.constant 0 : i32
      %dma_wait3A_696 = tpu.memref_slice %arg6[%multiple_of3A_197, %dma_wait3A_695] : memref<1000000x64xf32, #tpu.memory_space<hbm>> -> memref<8x64xf32, #tpu.memory_space<hbm>>
      tpu.wait_dma2 semaphore(%arg18 : memref<!tpu.dma_semaphore, #tpu.memory_space<semaphore_mem>>) src(%dma_wait3A_696 : memref<8x64xf32, #tpu.memory_space<hbm>>) dst(%dma_wait3A_694 : memref<8x64xf32, #tpu.memory_space<vmem>>)
      %dma_wait3A_697 = arith.constant 6 : i32
      %dma_wait3A_698 = arith.constant 0 : i32
      %dma_wait3A_699 = arith.constant 0 : i32
      %dma_wait3A_700 = tpu.memref_slice %arg12[%dma_wait3A_697, %dma_wait3A_698, %dma_wait3A_699] : memref<16x8x64xf32, #tpu.memory_space<vmem>> -> memref<1x8x64xf32, #tpu.memory_space<vmem>>
      %dma_wait3A_701 = tpu.memref_squeeze %dma_wait3A_700 : memref<1x8x64xf32, #tpu.memory_space<vmem>> -> memref<8x64xf32, #tpu.memory_space<vmem>>
      %dma_wait3A_702 = arith.constant 0 : i32
      %dma_wait3A_703 = tpu.memref_slice %arg4[%multiple_of3A_213, %dma_wait3A_702] : memref<1000000x64xf32, #tpu.memory_space<hbm>> -> memref<8x64xf32, #tpu.memory_space<hbm>>
      %dma_wait3A_704 = arith.constant 0 : i32
      %dma_wait3A_705 = arith.constant 0 : i32
      %dma_wait3A_706 = tpu.memref_slice %arg12[%dma_wait3A_697, %dma_wait3A_704, %dma_wait3A_705] : memref<16x8x64xf32, #tpu.memory_space<vmem>> -> memref<1x8x64xf32, #tpu.memory_space<vmem>>
      %dma_wait3A_707 = tpu.memref_squeeze %dma_wait3A_706 : memref<1x8x64xf32, #tpu.memory_space<vmem>> -> memref<8x64xf32, #tpu.memory_space<vmem>>
      %dma_wait3A_708 = arith.constant 0 : i32
      %dma_wait3A_709 = tpu.memref_slice %arg4[%multiple_of3A_213, %dma_wait3A_708] : memref<1000000x64xf32, #tpu.memory_space<hbm>> -> memref<8x64xf32, #tpu.memory_space<hbm>>
      tpu.wait_dma2 semaphore(%arg18 : memref<!tpu.dma_semaphore, #tpu.memory_space<semaphore_mem>>) src(%dma_wait3A_709 : memref<8x64xf32, #tpu.memory_space<hbm>>) dst(%dma_wait3A_707 : memref<8x64xf32, #tpu.memory_space<vmem>>)
      %dma_wait3A_710 = arith.constant 6 : i32
      %dma_wait3A_711 = arith.constant 0 : i32
      %dma_wait3A_712 = arith.constant 0 : i32
      %dma_wait3A_713 = tpu.memref_slice %arg13[%dma_wait3A_710, %dma_wait3A_711, %dma_wait3A_712] : memref<16x8x64xf32, #tpu.memory_space<vmem>> -> memref<1x8x64xf32, #tpu.memory_space<vmem>>
      %dma_wait3A_714 = tpu.memref_squeeze %dma_wait3A_713 : memref<1x8x64xf32, #tpu.memory_space<vmem>> -> memref<8x64xf32, #tpu.memory_space<vmem>>
      %dma_wait3A_715 = arith.constant 0 : i32
      %dma_wait3A_716 = tpu.memref_slice %arg6[%multiple_of3A_229, %dma_wait3A_715] : memref<1000000x64xf32, #tpu.memory_space<hbm>> -> memref<8x64xf32, #tpu.memory_space<hbm>>
      %dma_wait3A_717 = arith.constant 0 : i32
      %dma_wait3A_718 = arith.constant 0 : i32
      %dma_wait3A_719 = tpu.memref_slice %arg13[%dma_wait3A_710, %dma_wait3A_717, %dma_wait3A_718] : memref<16x8x64xf32, #tpu.memory_space<vmem>> -> memref<1x8x64xf32, #tpu.memory_space<vmem>>
      %dma_wait3A_720 = tpu.memref_squeeze %dma_wait3A_719 : memref<1x8x64xf32, #tpu.memory_space<vmem>> -> memref<8x64xf32, #tpu.memory_space<vmem>>
      %dma_wait3A_721 = arith.constant 0 : i32
      %dma_wait3A_722 = tpu.memref_slice %arg6[%multiple_of3A_229, %dma_wait3A_721] : memref<1000000x64xf32, #tpu.memory_space<hbm>> -> memref<8x64xf32, #tpu.memory_space<hbm>>
      tpu.wait_dma2 semaphore(%arg18 : memref<!tpu.dma_semaphore, #tpu.memory_space<semaphore_mem>>) src(%dma_wait3A_722 : memref<8x64xf32, #tpu.memory_space<hbm>>) dst(%dma_wait3A_720 : memref<8x64xf32, #tpu.memory_space<vmem>>)
      %dma_wait3A_723 = arith.constant 7 : i32
      %dma_wait3A_724 = arith.constant 0 : i32
      %dma_wait3A_725 = arith.constant 0 : i32
      %dma_wait3A_726 = tpu.memref_slice %arg12[%dma_wait3A_723, %dma_wait3A_724, %dma_wait3A_725] : memref<16x8x64xf32, #tpu.memory_space<vmem>> -> memref<1x8x64xf32, #tpu.memory_space<vmem>>
      %dma_wait3A_727 = tpu.memref_squeeze %dma_wait3A_726 : memref<1x8x64xf32, #tpu.memory_space<vmem>> -> memref<8x64xf32, #tpu.memory_space<vmem>>
      %dma_wait3A_728 = arith.constant 0 : i32
      %dma_wait3A_729 = tpu.memref_slice %arg4[%multiple_of3A_245, %dma_wait3A_728] : memref<1000000x64xf32, #tpu.memory_space<hbm>> -> memref<8x64xf32, #tpu.memory_space<hbm>>
      %dma_wait3A_730 = arith.constant 0 : i32
      %dma_wait3A_731 = arith.constant 0 : i32
      %dma_wait3A_732 = tpu.memref_slice %arg12[%dma_wait3A_723, %dma_wait3A_730, %dma_wait3A_731] : memref<16x8x64xf32, #tpu.memory_space<vmem>> -> memref<1x8x64xf32, #tpu.memory_space<vmem>>
      %dma_wait3A_733 = tpu.memref_squeeze %dma_wait3A_732 : memref<1x8x64xf32, #tpu.memory_space<vmem>> -> memref<8x64xf32, #tpu.memory_space<vmem>>
      %dma_wait3A_734 = arith.constant 0 : i32
      %dma_wait3A_735 = tpu.memref_slice %arg4[%multiple_of3A_245, %dma_wait3A_734] : memref<1000000x64xf32, #tpu.memory_space<hbm>> -> memref<8x64xf32, #tpu.memory_space<hbm>>
      tpu.wait_dma2 semaphore(%arg18 : memref<!tpu.dma_semaphore, #tpu.memory_space<semaphore_mem>>) src(%dma_wait3A_735 : memref<8x64xf32, #tpu.memory_space<hbm>>) dst(%dma_wait3A_733 : memref<8x64xf32, #tpu.memory_space<vmem>>)
      %dma_wait3A_736 = arith.constant 7 : i32
      %dma_wait3A_737 = arith.constant 0 : i32
      %dma_wait3A_738 = arith.constant 0 : i32
      %dma_wait3A_739 = tpu.memref_slice %arg13[%dma_wait3A_736, %dma_wait3A_737, %dma_wait3A_738] : memref<16x8x64xf32, #tpu.memory_space<vmem>> -> memref<1x8x64xf32, #tpu.memory_space<vmem>>
      %dma_wait3A_740 = tpu.memref_squeeze %dma_wait3A_739 : memref<1x8x64xf32, #tpu.memory_space<vmem>> -> memref<8x64xf32, #tpu.memory_space<vmem>>
      %dma_wait3A_741 = arith.constant 0 : i32
      %dma_wait3A_742 = tpu.memref_slice %arg6[%multiple_of3A_261, %dma_wait3A_741] : memref<1000000x64xf32, #tpu.memory_space<hbm>> -> memref<8x64xf32, #tpu.memory_space<hbm>>
      %dma_wait3A_743 = arith.constant 0 : i32
      %dma_wait3A_744 = arith.constant 0 : i32
      %dma_wait3A_745 = tpu.memref_slice %arg13[%dma_wait3A_736, %dma_wait3A_743, %dma_wait3A_744] : memref<16x8x64xf32, #tpu.memory_space<vmem>> -> memref<1x8x64xf32, #tpu.memory_space<vmem>>
      %dma_wait3A_746 = tpu.memref_squeeze %dma_wait3A_745 : memref<1x8x64xf32, #tpu.memory_space<vmem>> -> memref<8x64xf32, #tpu.memory_space<vmem>>
      %dma_wait3A_747 = arith.constant 0 : i32
      %dma_wait3A_748 = tpu.memref_slice %arg6[%multiple_of3A_261, %dma_wait3A_747] : memref<1000000x64xf32, #tpu.memory_space<hbm>> -> memref<8x64xf32, #tpu.memory_space<hbm>>
      tpu.wait_dma2 semaphore(%arg18 : memref<!tpu.dma_semaphore, #tpu.memory_space<semaphore_mem>>) src(%dma_wait3A_748 : memref<8x64xf32, #tpu.memory_space<hbm>>) dst(%dma_wait3A_746 : memref<8x64xf32, #tpu.memory_space<vmem>>)
      %dma_wait3A_749 = arith.constant 8 : i32
      %dma_wait3A_750 = arith.constant 0 : i32
      %dma_wait3A_751 = arith.constant 0 : i32
      %dma_wait3A_752 = tpu.memref_slice %arg12[%dma_wait3A_749, %dma_wait3A_750, %dma_wait3A_751] : memref<16x8x64xf32, #tpu.memory_space<vmem>> -> memref<1x8x64xf32, #tpu.memory_space<vmem>>
      %dma_wait3A_753 = tpu.memref_squeeze %dma_wait3A_752 : memref<1x8x64xf32, #tpu.memory_space<vmem>> -> memref<8x64xf32, #tpu.memory_space<vmem>>
      %dma_wait3A_754 = arith.constant 0 : i32
      %dma_wait3A_755 = tpu.memref_slice %arg4[%multiple_of3A_277, %dma_wait3A_754] : memref<1000000x64xf32, #tpu.memory_space<hbm>> -> memref<8x64xf32, #tpu.memory_space<hbm>>
      %dma_wait3A_756 = arith.constant 0 : i32
      %dma_wait3A_757 = arith.constant 0 : i32
      %dma_wait3A_758 = tpu.memref_slice %arg12[%dma_wait3A_749, %dma_wait3A_756, %dma_wait3A_757] : memref<16x8x64xf32, #tpu.memory_space<vmem>> -> memref<1x8x64xf32, #tpu.memory_space<vmem>>
      %dma_wait3A_759 = tpu.memref_squeeze %dma_wait3A_758 : memref<1x8x64xf32, #tpu.memory_space<vmem>> -> memref<8x64xf32, #tpu.memory_space<vmem>>
      %dma_wait3A_760 = arith.constant 0 : i32
      %dma_wait3A_761 = tpu.memref_slice %arg4[%multiple_of3A_277, %dma_wait3A_760] : memref<1000000x64xf32, #tpu.memory_space<hbm>> -> memref<8x64xf32, #tpu.memory_space<hbm>>
      tpu.wait_dma2 semaphore(%arg18 : memref<!tpu.dma_semaphore, #tpu.memory_space<semaphore_mem>>) src(%dma_wait3A_761 : memref<8x64xf32, #tpu.memory_space<hbm>>) dst(%dma_wait3A_759 : memref<8x64xf32, #tpu.memory_space<vmem>>)
      %dma_wait3A_762 = arith.constant 8 : i32
      %dma_wait3A_763 = arith.constant 0 : i32
      %dma_wait3A_764 = arith.constant 0 : i32
      %dma_wait3A_765 = tpu.memref_slice %arg13[%dma_wait3A_762, %dma_wait3A_763, %dma_wait3A_764] : memref<16x8x64xf32, #tpu.memory_space<vmem>> -> memref<1x8x64xf32, #tpu.memory_space<vmem>>
      %dma_wait3A_766 = tpu.memref_squeeze %dma_wait3A_765 : memref<1x8x64xf32, #tpu.memory_space<vmem>> -> memref<8x64xf32, #tpu.memory_space<vmem>>
      %dma_wait3A_767 = arith.constant 0 : i32
      %dma_wait3A_768 = tpu.memref_slice %arg6[%multiple_of3A_293, %dma_wait3A_767] : memref<1000000x64xf32, #tpu.memory_space<hbm>> -> memref<8x64xf32, #tpu.memory_space<hbm>>
      %dma_wait3A_769 = arith.constant 0 : i32
      %dma_wait3A_770 = arith.constant 0 : i32
      %dma_wait3A_771 = tpu.memref_slice %arg13[%dma_wait3A_762, %dma_wait3A_769, %dma_wait3A_770] : memref<16x8x64xf32, #tpu.memory_space<vmem>> -> memref<1x8x64xf32, #tpu.memory_space<vmem>>
      %dma_wait3A_772 = tpu.memref_squeeze %dma_wait3A_771 : memref<1x8x64xf32, #tpu.memory_space<vmem>> -> memref<8x64xf32, #tpu.memory_space<vmem>>
      %dma_wait3A_773 = arith.constant 0 : i32
      %dma_wait3A_774 = tpu.memref_slice %arg6[%multiple_of3A_293, %dma_wait3A_773] : memref<1000000x64xf32, #tpu.memory_space<hbm>> -> memref<8x64xf32, #tpu.memory_space<hbm>>
      tpu.wait_dma2 semaphore(%arg18 : memref<!tpu.dma_semaphore, #tpu.memory_space<semaphore_mem>>) src(%dma_wait3A_774 : memref<8x64xf32, #tpu.memory_space<hbm>>) dst(%dma_wait3A_772 : memref<8x64xf32, #tpu.memory_space<vmem>>)
      %dma_wait3A_775 = arith.constant 9 : i32
      %dma_wait3A_776 = arith.constant 0 : i32
      %dma_wait3A_777 = arith.constant 0 : i32
      %dma_wait3A_778 = tpu.memref_slice %arg12[%dma_wait3A_775, %dma_wait3A_776, %dma_wait3A_777] : memref<16x8x64xf32, #tpu.memory_space<vmem>> -> memref<1x8x64xf32, #tpu.memory_space<vmem>>
      %dma_wait3A_779 = tpu.memref_squeeze %dma_wait3A_778 : memref<1x8x64xf32, #tpu.memory_space<vmem>> -> memref<8x64xf32, #tpu.memory_space<vmem>>
      %dma_wait3A_780 = arith.constant 0 : i32
      %dma_wait3A_781 = tpu.memref_slice %arg4[%multiple_of3A_309, %dma_wait3A_780] : memref<1000000x64xf32, #tpu.memory_space<hbm>> -> memref<8x64xf32, #tpu.memory_space<hbm>>
      %dma_wait3A_782 = arith.constant 0 : i32
      %dma_wait3A_783 = arith.constant 0 : i32
      %dma_wait3A_784 = tpu.memref_slice %arg12[%dma_wait3A_775, %dma_wait3A_782, %dma_wait3A_783] : memref<16x8x64xf32, #tpu.memory_space<vmem>> -> memref<1x8x64xf32, #tpu.memory_space<vmem>>
      %dma_wait3A_785 = tpu.memref_squeeze %dma_wait3A_784 : memref<1x8x64xf32, #tpu.memory_space<vmem>> -> memref<8x64xf32, #tpu.memory_space<vmem>>
      %dma_wait3A_786 = arith.constant 0 : i32
      %dma_wait3A_787 = tpu.memref_slice %arg4[%multiple_of3A_309, %dma_wait3A_786] : memref<1000000x64xf32, #tpu.memory_space<hbm>> -> memref<8x64xf32, #tpu.memory_space<hbm>>
      tpu.wait_dma2 semaphore(%arg18 : memref<!tpu.dma_semaphore, #tpu.memory_space<semaphore_mem>>) src(%dma_wait3A_787 : memref<8x64xf32, #tpu.memory_space<hbm>>) dst(%dma_wait3A_785 : memref<8x64xf32, #tpu.memory_space<vmem>>)
      %dma_wait3A_788 = arith.constant 9 : i32
      %dma_wait3A_789 = arith.constant 0 : i32
      %dma_wait3A_790 = arith.constant 0 : i32
      %dma_wait3A_791 = tpu.memref_slice %arg13[%dma_wait3A_788, %dma_wait3A_789, %dma_wait3A_790] : memref<16x8x64xf32, #tpu.memory_space<vmem>> -> memref<1x8x64xf32, #tpu.memory_space<vmem>>
      %dma_wait3A_792 = tpu.memref_squeeze %dma_wait3A_791 : memref<1x8x64xf32, #tpu.memory_space<vmem>> -> memref<8x64xf32, #tpu.memory_space<vmem>>
      %dma_wait3A_793 = arith.constant 0 : i32
      %dma_wait3A_794 = tpu.memref_slice %arg6[%multiple_of3A_325, %dma_wait3A_793] : memref<1000000x64xf32, #tpu.memory_space<hbm>> -> memref<8x64xf32, #tpu.memory_space<hbm>>
      %dma_wait3A_795 = arith.constant 0 : i32
      %dma_wait3A_796 = arith.constant 0 : i32
      %dma_wait3A_797 = tpu.memref_slice %arg13[%dma_wait3A_788, %dma_wait3A_795, %dma_wait3A_796] : memref<16x8x64xf32, #tpu.memory_space<vmem>> -> memref<1x8x64xf32, #tpu.memory_space<vmem>>
      %dma_wait3A_798 = tpu.memref_squeeze %dma_wait3A_797 : memref<1x8x64xf32, #tpu.memory_space<vmem>> -> memref<8x64xf32, #tpu.memory_space<vmem>>
      %dma_wait3A_799 = arith.constant 0 : i32
      %dma_wait3A_800 = tpu.memref_slice %arg6[%multiple_of3A_325, %dma_wait3A_799] : memref<1000000x64xf32, #tpu.memory_space<hbm>> -> memref<8x64xf32, #tpu.memory_space<hbm>>
      tpu.wait_dma2 semaphore(%arg18 : memref<!tpu.dma_semaphore, #tpu.memory_space<semaphore_mem>>) src(%dma_wait3A_800 : memref<8x64xf32, #tpu.memory_space<hbm>>) dst(%dma_wait3A_798 : memref<8x64xf32, #tpu.memory_space<vmem>>)
      %dma_wait3A_801 = arith.constant 10 : i32
      %dma_wait3A_802 = arith.constant 0 : i32
      %dma_wait3A_803 = arith.constant 0 : i32
      %dma_wait3A_804 = tpu.memref_slice %arg12[%dma_wait3A_801, %dma_wait3A_802, %dma_wait3A_803] : memref<16x8x64xf32, #tpu.memory_space<vmem>> -> memref<1x8x64xf32, #tpu.memory_space<vmem>>
      %dma_wait3A_805 = tpu.memref_squeeze %dma_wait3A_804 : memref<1x8x64xf32, #tpu.memory_space<vmem>> -> memref<8x64xf32, #tpu.memory_space<vmem>>
      %dma_wait3A_806 = arith.constant 0 : i32
      %dma_wait3A_807 = tpu.memref_slice %arg4[%multiple_of3A_341, %dma_wait3A_806] : memref<1000000x64xf32, #tpu.memory_space<hbm>> -> memref<8x64xf32, #tpu.memory_space<hbm>>
      %dma_wait3A_808 = arith.constant 0 : i32
      %dma_wait3A_809 = arith.constant 0 : i32
      %dma_wait3A_810 = tpu.memref_slice %arg12[%dma_wait3A_801, %dma_wait3A_808, %dma_wait3A_809] : memref<16x8x64xf32, #tpu.memory_space<vmem>> -> memref<1x8x64xf32, #tpu.memory_space<vmem>>
      %dma_wait3A_811 = tpu.memref_squeeze %dma_wait3A_810 : memref<1x8x64xf32, #tpu.memory_space<vmem>> -> memref<8x64xf32, #tpu.memory_space<vmem>>
      %dma_wait3A_812 = arith.constant 0 : i32
      %dma_wait3A_813 = tpu.memref_slice %arg4[%multiple_of3A_341, %dma_wait3A_812] : memref<1000000x64xf32, #tpu.memory_space<hbm>> -> memref<8x64xf32, #tpu.memory_space<hbm>>
      tpu.wait_dma2 semaphore(%arg18 : memref<!tpu.dma_semaphore, #tpu.memory_space<semaphore_mem>>) src(%dma_wait3A_813 : memref<8x64xf32, #tpu.memory_space<hbm>>) dst(%dma_wait3A_811 : memref<8x64xf32, #tpu.memory_space<vmem>>)
      %dma_wait3A_814 = arith.constant 10 : i32
      %dma_wait3A_815 = arith.constant 0 : i32
      %dma_wait3A_816 = arith.constant 0 : i32
      %dma_wait3A_817 = tpu.memref_slice %arg13[%dma_wait3A_814, %dma_wait3A_815, %dma_wait3A_816] : memref<16x8x64xf32, #tpu.memory_space<vmem>> -> memref<1x8x64xf32, #tpu.memory_space<vmem>>
      %dma_wait3A_818 = tpu.memref_squeeze %dma_wait3A_817 : memref<1x8x64xf32, #tpu.memory_space<vmem>> -> memref<8x64xf32, #tpu.memory_space<vmem>>
      %dma_wait3A_819 = arith.constant 0 : i32
      %dma_wait3A_820 = tpu.memref_slice %arg6[%multiple_of3A_357, %dma_wait3A_819] : memref<1000000x64xf32, #tpu.memory_space<hbm>> -> memref<8x64xf32, #tpu.memory_space<hbm>>
      %dma_wait3A_821 = arith.constant 0 : i32
      %dma_wait3A_822 = arith.constant 0 : i32
      %dma_wait3A_823 = tpu.memref_slice %arg13[%dma_wait3A_814, %dma_wait3A_821, %dma_wait3A_822] : memref<16x8x64xf32, #tpu.memory_space<vmem>> -> memref<1x8x64xf32, #tpu.memory_space<vmem>>
      %dma_wait3A_824 = tpu.memref_squeeze %dma_wait3A_823 : memref<1x8x64xf32, #tpu.memory_space<vmem>> -> memref<8x64xf32, #tpu.memory_space<vmem>>
      %dma_wait3A_825 = arith.constant 0 : i32
      %dma_wait3A_826 = tpu.memref_slice %arg6[%multiple_of3A_357, %dma_wait3A_825] : memref<1000000x64xf32, #tpu.memory_space<hbm>> -> memref<8x64xf32, #tpu.memory_space<hbm>>
      tpu.wait_dma2 semaphore(%arg18 : memref<!tpu.dma_semaphore, #tpu.memory_space<semaphore_mem>>) src(%dma_wait3A_826 : memref<8x64xf32, #tpu.memory_space<hbm>>) dst(%dma_wait3A_824 : memref<8x64xf32, #tpu.memory_space<vmem>>)
      %dma_wait3A_827 = arith.constant 11 : i32
      %dma_wait3A_828 = arith.constant 0 : i32
      %dma_wait3A_829 = arith.constant 0 : i32
      %dma_wait3A_830 = tpu.memref_slice %arg12[%dma_wait3A_827, %dma_wait3A_828, %dma_wait3A_829] : memref<16x8x64xf32, #tpu.memory_space<vmem>> -> memref<1x8x64xf32, #tpu.memory_space<vmem>>
      %dma_wait3A_831 = tpu.memref_squeeze %dma_wait3A_830 : memref<1x8x64xf32, #tpu.memory_space<vmem>> -> memref<8x64xf32, #tpu.memory_space<vmem>>
      %dma_wait3A_832 = arith.constant 0 : i32
      %dma_wait3A_833 = tpu.memref_slice %arg4[%multiple_of3A_373, %dma_wait3A_832] : memref<1000000x64xf32, #tpu.memory_space<hbm>> -> memref<8x64xf32, #tpu.memory_space<hbm>>
      %dma_wait3A_834 = arith.constant 0 : i32
      %dma_wait3A_835 = arith.constant 0 : i32
      %dma_wait3A_836 = tpu.memref_slice %arg12[%dma_wait3A_827, %dma_wait3A_834, %dma_wait3A_835] : memref<16x8x64xf32, #tpu.memory_space<vmem>> -> memref<1x8x64xf32, #tpu.memory_space<vmem>>
      %dma_wait3A_837 = tpu.memref_squeeze %dma_wait3A_836 : memref<1x8x64xf32, #tpu.memory_space<vmem>> -> memref<8x64xf32, #tpu.memory_space<vmem>>
      %dma_wait3A_838 = arith.constant 0 : i32
      %dma_wait3A_839 = tpu.memref_slice %arg4[%multiple_of3A_373, %dma_wait3A_838] : memref<1000000x64xf32, #tpu.memory_space<hbm>> -> memref<8x64xf32, #tpu.memory_space<hbm>>
      tpu.wait_dma2 semaphore(%arg18 : memref<!tpu.dma_semaphore, #tpu.memory_space<semaphore_mem>>) src(%dma_wait3A_839 : memref<8x64xf32, #tpu.memory_space<hbm>>) dst(%dma_wait3A_837 : memref<8x64xf32, #tpu.memory_space<vmem>>)
      %dma_wait3A_840 = arith.constant 11 : i32
      %dma_wait3A_841 = arith.constant 0 : i32
      %dma_wait3A_842 = arith.constant 0 : i32
      %dma_wait3A_843 = tpu.memref_slice %arg13[%dma_wait3A_840, %dma_wait3A_841, %dma_wait3A_842] : memref<16x8x64xf32, #tpu.memory_space<vmem>> -> memref<1x8x64xf32, #tpu.memory_space<vmem>>
      %dma_wait3A_844 = tpu.memref_squeeze %dma_wait3A_843 : memref<1x8x64xf32, #tpu.memory_space<vmem>> -> memref<8x64xf32, #tpu.memory_space<vmem>>
      %dma_wait3A_845 = arith.constant 0 : i32
      %dma_wait3A_846 = tpu.memref_slice %arg6[%multiple_of3A_389, %dma_wait3A_845] : memref<1000000x64xf32, #tpu.memory_space<hbm>> -> memref<8x64xf32, #tpu.memory_space<hbm>>
      %dma_wait3A_847 = arith.constant 0 : i32
      %dma_wait3A_848 = arith.constant 0 : i32
      %dma_wait3A_849 = tpu.memref_slice %arg13[%dma_wait3A_840, %dma_wait3A_847, %dma_wait3A_848] : memref<16x8x64xf32, #tpu.memory_space<vmem>> -> memref<1x8x64xf32, #tpu.memory_space<vmem>>
      %dma_wait3A_850 = tpu.memref_squeeze %dma_wait3A_849 : memref<1x8x64xf32, #tpu.memory_space<vmem>> -> memref<8x64xf32, #tpu.memory_space<vmem>>
      %dma_wait3A_851 = arith.constant 0 : i32
      %dma_wait3A_852 = tpu.memref_slice %arg6[%multiple_of3A_389, %dma_wait3A_851] : memref<1000000x64xf32, #tpu.memory_space<hbm>> -> memref<8x64xf32, #tpu.memory_space<hbm>>
      tpu.wait_dma2 semaphore(%arg18 : memref<!tpu.dma_semaphore, #tpu.memory_space<semaphore_mem>>) src(%dma_wait3A_852 : memref<8x64xf32, #tpu.memory_space<hbm>>) dst(%dma_wait3A_850 : memref<8x64xf32, #tpu.memory_space<vmem>>)
      %dma_wait3A_853 = arith.constant 12 : i32
      %dma_wait3A_854 = arith.constant 0 : i32
      %dma_wait3A_855 = arith.constant 0 : i32
      %dma_wait3A_856 = tpu.memref_slice %arg12[%dma_wait3A_853, %dma_wait3A_854, %dma_wait3A_855] : memref<16x8x64xf32, #tpu.memory_space<vmem>> -> memref<1x8x64xf32, #tpu.memory_space<vmem>>
      %dma_wait3A_857 = tpu.memref_squeeze %dma_wait3A_856 : memref<1x8x64xf32, #tpu.memory_space<vmem>> -> memref<8x64xf32, #tpu.memory_space<vmem>>
      %dma_wait3A_858 = arith.constant 0 : i32
      %dma_wait3A_859 = tpu.memref_slice %arg4[%multiple_of3A_405, %dma_wait3A_858] : memref<1000000x64xf32, #tpu.memory_space<hbm>> -> memref<8x64xf32, #tpu.memory_space<hbm>>
      %dma_wait3A_860 = arith.constant 0 : i32
      %dma_wait3A_861 = arith.constant 0 : i32
      %dma_wait3A_862 = tpu.memref_slice %arg12[%dma_wait3A_853, %dma_wait3A_860, %dma_wait3A_861] : memref<16x8x64xf32, #tpu.memory_space<vmem>> -> memref<1x8x64xf32, #tpu.memory_space<vmem>>
      %dma_wait3A_863 = tpu.memref_squeeze %dma_wait3A_862 : memref<1x8x64xf32, #tpu.memory_space<vmem>> -> memref<8x64xf32, #tpu.memory_space<vmem>>
      %dma_wait3A_864 = arith.constant 0 : i32
      %dma_wait3A_865 = tpu.memref_slice %arg4[%multiple_of3A_405, %dma_wait3A_864] : memref<1000000x64xf32, #tpu.memory_space<hbm>> -> memref<8x64xf32, #tpu.memory_space<hbm>>
      tpu.wait_dma2 semaphore(%arg18 : memref<!tpu.dma_semaphore, #tpu.memory_space<semaphore_mem>>) src(%dma_wait3A_865 : memref<8x64xf32, #tpu.memory_space<hbm>>) dst(%dma_wait3A_863 : memref<8x64xf32, #tpu.memory_space<vmem>>)
      %dma_wait3A_866 = arith.constant 12 : i32
      %dma_wait3A_867 = arith.constant 0 : i32
      %dma_wait3A_868 = arith.constant 0 : i32
      %dma_wait3A_869 = tpu.memref_slice %arg13[%dma_wait3A_866, %dma_wait3A_867, %dma_wait3A_868] : memref<16x8x64xf32, #tpu.memory_space<vmem>> -> memref<1x8x64xf32, #tpu.memory_space<vmem>>
      %dma_wait3A_870 = tpu.memref_squeeze %dma_wait3A_869 : memref<1x8x64xf32, #tpu.memory_space<vmem>> -> memref<8x64xf32, #tpu.memory_space<vmem>>
      %dma_wait3A_871 = arith.constant 0 : i32
      %dma_wait3A_872 = tpu.memref_slice %arg6[%multiple_of3A_421, %dma_wait3A_871] : memref<1000000x64xf32, #tpu.memory_space<hbm>> -> memref<8x64xf32, #tpu.memory_space<hbm>>
      %dma_wait3A_873 = arith.constant 0 : i32
      %dma_wait3A_874 = arith.constant 0 : i32
      %dma_wait3A_875 = tpu.memref_slice %arg13[%dma_wait3A_866, %dma_wait3A_873, %dma_wait3A_874] : memref<16x8x64xf32, #tpu.memory_space<vmem>> -> memref<1x8x64xf32, #tpu.memory_space<vmem>>
      %dma_wait3A_876 = tpu.memref_squeeze %dma_wait3A_875 : memref<1x8x64xf32, #tpu.memory_space<vmem>> -> memref<8x64xf32, #tpu.memory_space<vmem>>
      %dma_wait3A_877 = arith.constant 0 : i32
      %dma_wait3A_878 = tpu.memref_slice %arg6[%multiple_of3A_421, %dma_wait3A_877] : memref<1000000x64xf32, #tpu.memory_space<hbm>> -> memref<8x64xf32, #tpu.memory_space<hbm>>
      tpu.wait_dma2 semaphore(%arg18 : memref<!tpu.dma_semaphore, #tpu.memory_space<semaphore_mem>>) src(%dma_wait3A_878 : memref<8x64xf32, #tpu.memory_space<hbm>>) dst(%dma_wait3A_876 : memref<8x64xf32, #tpu.memory_space<vmem>>)
      %dma_wait3A_879 = arith.constant 13 : i32
      %dma_wait3A_880 = arith.constant 0 : i32
      %dma_wait3A_881 = arith.constant 0 : i32
      %dma_wait3A_882 = tpu.memref_slice %arg12[%dma_wait3A_879, %dma_wait3A_880, %dma_wait3A_881] : memref<16x8x64xf32, #tpu.memory_space<vmem>> -> memref<1x8x64xf32, #tpu.memory_space<vmem>>
      %dma_wait3A_883 = tpu.memref_squeeze %dma_wait3A_882 : memref<1x8x64xf32, #tpu.memory_space<vmem>> -> memref<8x64xf32, #tpu.memory_space<vmem>>
      %dma_wait3A_884 = arith.constant 0 : i32
      %dma_wait3A_885 = tpu.memref_slice %arg4[%multiple_of3A_437, %dma_wait3A_884] : memref<1000000x64xf32, #tpu.memory_space<hbm>> -> memref<8x64xf32, #tpu.memory_space<hbm>>
      %dma_wait3A_886 = arith.constant 0 : i32
      %dma_wait3A_887 = arith.constant 0 : i32
      %dma_wait3A_888 = tpu.memref_slice %arg12[%dma_wait3A_879, %dma_wait3A_886, %dma_wait3A_887] : memref<16x8x64xf32, #tpu.memory_space<vmem>> -> memref<1x8x64xf32, #tpu.memory_space<vmem>>
      %dma_wait3A_889 = tpu.memref_squeeze %dma_wait3A_888 : memref<1x8x64xf32, #tpu.memory_space<vmem>> -> memref<8x64xf32, #tpu.memory_space<vmem>>
      %dma_wait3A_890 = arith.constant 0 : i32
      %dma_wait3A_891 = tpu.memref_slice %arg4[%multiple_of3A_437, %dma_wait3A_890] : memref<1000000x64xf32, #tpu.memory_space<hbm>> -> memref<8x64xf32, #tpu.memory_space<hbm>>
      tpu.wait_dma2 semaphore(%arg18 : memref<!tpu.dma_semaphore, #tpu.memory_space<semaphore_mem>>) src(%dma_wait3A_891 : memref<8x64xf32, #tpu.memory_space<hbm>>) dst(%dma_wait3A_889 : memref<8x64xf32, #tpu.memory_space<vmem>>)
      %dma_wait3A_892 = arith.constant 13 : i32
      %dma_wait3A_893 = arith.constant 0 : i32
      %dma_wait3A_894 = arith.constant 0 : i32
      %dma_wait3A_895 = tpu.memref_slice %arg13[%dma_wait3A_892, %dma_wait3A_893, %dma_wait3A_894] : memref<16x8x64xf32, #tpu.memory_space<vmem>> -> memref<1x8x64xf32, #tpu.memory_space<vmem>>
      %dma_wait3A_896 = tpu.memref_squeeze %dma_wait3A_895 : memref<1x8x64xf32, #tpu.memory_space<vmem>> -> memref<8x64xf32, #tpu.memory_space<vmem>>
      %dma_wait3A_897 = arith.constant 0 : i32
      %dma_wait3A_898 = tpu.memref_slice %arg6[%multiple_of3A_453, %dma_wait3A_897] : memref<1000000x64xf32, #tpu.memory_space<hbm>> -> memref<8x64xf32, #tpu.memory_space<hbm>>
      %dma_wait3A_899 = arith.constant 0 : i32
      %dma_wait3A_900 = arith.constant 0 : i32
      %dma_wait3A_901 = tpu.memref_slice %arg13[%dma_wait3A_892, %dma_wait3A_899, %dma_wait3A_900] : memref<16x8x64xf32, #tpu.memory_space<vmem>> -> memref<1x8x64xf32, #tpu.memory_space<vmem>>
      %dma_wait3A_902 = tpu.memref_squeeze %dma_wait3A_901 : memref<1x8x64xf32, #tpu.memory_space<vmem>> -> memref<8x64xf32, #tpu.memory_space<vmem>>
      %dma_wait3A_903 = arith.constant 0 : i32
      %dma_wait3A_904 = tpu.memref_slice %arg6[%multiple_of3A_453, %dma_wait3A_903] : memref<1000000x64xf32, #tpu.memory_space<hbm>> -> memref<8x64xf32, #tpu.memory_space<hbm>>
      tpu.wait_dma2 semaphore(%arg18 : memref<!tpu.dma_semaphore, #tpu.memory_space<semaphore_mem>>) src(%dma_wait3A_904 : memref<8x64xf32, #tpu.memory_space<hbm>>) dst(%dma_wait3A_902 : memref<8x64xf32, #tpu.memory_space<vmem>>)
      %dma_wait3A_905 = arith.constant 14 : i32
      %dma_wait3A_906 = arith.constant 0 : i32
      %dma_wait3A_907 = arith.constant 0 : i32
      %dma_wait3A_908 = tpu.memref_slice %arg12[%dma_wait3A_905, %dma_wait3A_906, %dma_wait3A_907] : memref<16x8x64xf32, #tpu.memory_space<vmem>> -> memref<1x8x64xf32, #tpu.memory_space<vmem>>
      %dma_wait3A_909 = tpu.memref_squeeze %dma_wait3A_908 : memref<1x8x64xf32, #tpu.memory_space<vmem>> -> memref<8x64xf32, #tpu.memory_space<vmem>>
      %dma_wait3A_910 = arith.constant 0 : i32
      %dma_wait3A_911 = tpu.memref_slice %arg4[%multiple_of3A_469, %dma_wait3A_910] : memref<1000000x64xf32, #tpu.memory_space<hbm>> -> memref<8x64xf32, #tpu.memory_space<hbm>>
      %dma_wait3A_912 = arith.constant 0 : i32
      %dma_wait3A_913 = arith.constant 0 : i32
      %dma_wait3A_914 = tpu.memref_slice %arg12[%dma_wait3A_905, %dma_wait3A_912, %dma_wait3A_913] : memref<16x8x64xf32, #tpu.memory_space<vmem>> -> memref<1x8x64xf32, #tpu.memory_space<vmem>>
      %dma_wait3A_915 = tpu.memref_squeeze %dma_wait3A_914 : memref<1x8x64xf32, #tpu.memory_space<vmem>> -> memref<8x64xf32, #tpu.memory_space<vmem>>
      %dma_wait3A_916 = arith.constant 0 : i32
      %dma_wait3A_917 = tpu.memref_slice %arg4[%multiple_of3A_469, %dma_wait3A_916] : memref<1000000x64xf32, #tpu.memory_space<hbm>> -> memref<8x64xf32, #tpu.memory_space<hbm>>
      tpu.wait_dma2 semaphore(%arg18 : memref<!tpu.dma_semaphore, #tpu.memory_space<semaphore_mem>>) src(%dma_wait3A_917 : memref<8x64xf32, #tpu.memory_space<hbm>>) dst(%dma_wait3A_915 : memref<8x64xf32, #tpu.memory_space<vmem>>)
      %dma_wait3A_918 = arith.constant 14 : i32
      %dma_wait3A_919 = arith.constant 0 : i32
      %dma_wait3A_920 = arith.constant 0 : i32
      %dma_wait3A_921 = tpu.memref_slice %arg13[%dma_wait3A_918, %dma_wait3A_919, %dma_wait3A_920] : memref<16x8x64xf32, #tpu.memory_space<vmem>> -> memref<1x8x64xf32, #tpu.memory_space<vmem>>
      %dma_wait3A_922 = tpu.memref_squeeze %dma_wait3A_921 : memref<1x8x64xf32, #tpu.memory_space<vmem>> -> memref<8x64xf32, #tpu.memory_space<vmem>>
      %dma_wait3A_923 = arith.constant 0 : i32
      %dma_wait3A_924 = tpu.memref_slice %arg6[%multiple_of3A_485, %dma_wait3A_923] : memref<1000000x64xf32, #tpu.memory_space<hbm>> -> memref<8x64xf32, #tpu.memory_space<hbm>>
      %dma_wait3A_925 = arith.constant 0 : i32
      %dma_wait3A_926 = arith.constant 0 : i32
      %dma_wait3A_927 = tpu.memref_slice %arg13[%dma_wait3A_918, %dma_wait3A_925, %dma_wait3A_926] : memref<16x8x64xf32, #tpu.memory_space<vmem>> -> memref<1x8x64xf32, #tpu.memory_space<vmem>>
      %dma_wait3A_928 = tpu.memref_squeeze %dma_wait3A_927 : memref<1x8x64xf32, #tpu.memory_space<vmem>> -> memref<8x64xf32, #tpu.memory_space<vmem>>
      %dma_wait3A_929 = arith.constant 0 : i32
      %dma_wait3A_930 = tpu.memref_slice %arg6[%multiple_of3A_485, %dma_wait3A_929] : memref<1000000x64xf32, #tpu.memory_space<hbm>> -> memref<8x64xf32, #tpu.memory_space<hbm>>
      tpu.wait_dma2 semaphore(%arg18 : memref<!tpu.dma_semaphore, #tpu.memory_space<semaphore_mem>>) src(%dma_wait3A_930 : memref<8x64xf32, #tpu.memory_space<hbm>>) dst(%dma_wait3A_928 : memref<8x64xf32, #tpu.memory_space<vmem>>)
      %dma_wait3A_931 = arith.constant 15 : i32
      %dma_wait3A_932 = arith.constant 0 : i32
      %dma_wait3A_933 = arith.constant 0 : i32
      %dma_wait3A_934 = tpu.memref_slice %arg12[%dma_wait3A_931, %dma_wait3A_932, %dma_wait3A_933] : memref<16x8x64xf32, #tpu.memory_space<vmem>> -> memref<1x8x64xf32, #tpu.memory_space<vmem>>
      %dma_wait3A_935 = tpu.memref_squeeze %dma_wait3A_934 : memref<1x8x64xf32, #tpu.memory_space<vmem>> -> memref<8x64xf32, #tpu.memory_space<vmem>>
      %dma_wait3A_936 = arith.constant 0 : i32
      %dma_wait3A_937 = tpu.memref_slice %arg4[%multiple_of3A_501, %dma_wait3A_936] : memref<1000000x64xf32, #tpu.memory_space<hbm>> -> memref<8x64xf32, #tpu.memory_space<hbm>>
      %dma_wait3A_938 = arith.constant 0 : i32
      %dma_wait3A_939 = arith.constant 0 : i32
      %dma_wait3A_940 = tpu.memref_slice %arg12[%dma_wait3A_931, %dma_wait3A_938, %dma_wait3A_939] : memref<16x8x64xf32, #tpu.memory_space<vmem>> -> memref<1x8x64xf32, #tpu.memory_space<vmem>>
      %dma_wait3A_941 = tpu.memref_squeeze %dma_wait3A_940 : memref<1x8x64xf32, #tpu.memory_space<vmem>> -> memref<8x64xf32, #tpu.memory_space<vmem>>
      %dma_wait3A_942 = arith.constant 0 : i32
      %dma_wait3A_943 = tpu.memref_slice %arg4[%multiple_of3A_501, %dma_wait3A_942] : memref<1000000x64xf32, #tpu.memory_space<hbm>> -> memref<8x64xf32, #tpu.memory_space<hbm>>
      tpu.wait_dma2 semaphore(%arg18 : memref<!tpu.dma_semaphore, #tpu.memory_space<semaphore_mem>>) src(%dma_wait3A_943 : memref<8x64xf32, #tpu.memory_space<hbm>>) dst(%dma_wait3A_941 : memref<8x64xf32, #tpu.memory_space<vmem>>)
      %dma_wait3A_944 = arith.constant 15 : i32
      %dma_wait3A_945 = arith.constant 0 : i32
      %dma_wait3A_946 = arith.constant 0 : i32
      %dma_wait3A_947 = tpu.memref_slice %arg13[%dma_wait3A_944, %dma_wait3A_945, %dma_wait3A_946] : memref<16x8x64xf32, #tpu.memory_space<vmem>> -> memref<1x8x64xf32, #tpu.memory_space<vmem>>
      %dma_wait3A_948 = tpu.memref_squeeze %dma_wait3A_947 : memref<1x8x64xf32, #tpu.memory_space<vmem>> -> memref<8x64xf32, #tpu.memory_space<vmem>>
      %dma_wait3A_949 = arith.constant 0 : i32
      %dma_wait3A_950 = tpu.memref_slice %arg6[%multiple_of3A_517, %dma_wait3A_949] : memref<1000000x64xf32, #tpu.memory_space<hbm>> -> memref<8x64xf32, #tpu.memory_space<hbm>>
      %dma_wait3A_951 = arith.constant 0 : i32
      %dma_wait3A_952 = arith.constant 0 : i32
      %dma_wait3A_953 = tpu.memref_slice %arg13[%dma_wait3A_944, %dma_wait3A_951, %dma_wait3A_952] : memref<16x8x64xf32, #tpu.memory_space<vmem>> -> memref<1x8x64xf32, #tpu.memory_space<vmem>>
      %dma_wait3A_954 = tpu.memref_squeeze %dma_wait3A_953 : memref<1x8x64xf32, #tpu.memory_space<vmem>> -> memref<8x64xf32, #tpu.memory_space<vmem>>
      %dma_wait3A_955 = arith.constant 0 : i32
      %dma_wait3A_956 = tpu.memref_slice %arg6[%multiple_of3A_517, %dma_wait3A_955] : memref<1000000x64xf32, #tpu.memory_space<hbm>> -> memref<8x64xf32, #tpu.memory_space<hbm>>
      tpu.wait_dma2 semaphore(%arg18 : memref<!tpu.dma_semaphore, #tpu.memory_space<semaphore_mem>>) src(%dma_wait3A_956 : memref<8x64xf32, #tpu.memory_space<hbm>>) dst(%dma_wait3A_954 : memref<8x64xf32, #tpu.memory_space<vmem>>)
      %dma_wait3A_957 = arith.constant 0 : i32
      %dma_wait3A_958 = arith.constant 0 : i32
      %dma_wait3A_959 = tpu.memref_slice %arg5[%dma_wait3A_957, %dma_wait3A_958] : memref<7813x128xf32, #tpu.memory_space<hbm>> -> memref<7813x128xf32, #tpu.memory_space<hbm>>
      tpu.wait_indirect_dma semaphore(%arg18 : memref<!tpu.dma_semaphore, #tpu.memory_space<semaphore_mem>>) src(%dma_wait3A_959 : memref<7813x128xf32, #tpu.memory_space<hbm>>) dst(%arg14 : memref<16x128xf32, #tpu.memory_space<vmem>>)
      %dma_wait3A_960 = arith.constant 0 : i32
      %dma_wait3A_961 = arith.constant 0 : i32
      %dma_wait3A_962 = tpu.memref_slice %arg7[%dma_wait3A_960, %dma_wait3A_961] : memref<7813x128xf32, #tpu.memory_space<hbm>> -> memref<7813x128xf32, #tpu.memory_space<hbm>>
      tpu.wait_indirect_dma semaphore(%arg18 : memref<!tpu.dma_semaphore, #tpu.memory_space<semaphore_mem>>) src(%dma_wait3A_962 : memref<7813x128xf32, #tpu.memory_space<hbm>>) dst(%arg15 : memref<16x128xf32, #tpu.memory_space<vmem>>)
      %and3A_963 = arith.andi %get3A_16, %broadcast_in_dim3A_3 : vector<16xi32>
      %and3A_964 = arith.andi %get3A_20, %broadcast_in_dim3A_3 : vector<16xi32>
      %broadcast_in_dim3A_965 = arith.constant 0.000000e+00 : f32
      %broadcast_in_dim3A_966 = vector.broadcast %broadcast_in_dim3A_965 : f32 to vector<16xf32>
      %broadcast_in_dim3A_967 = arith.constant 0 : i32
      %broadcast_in_dim3A_968 = vector.broadcast %broadcast_in_dim3A_967 : i32 to vector<16xi32>
      %gather3A = tpu.vector_load_idx %arg12[%iota3A, %and3A_963, %broadcast_in_dim3A_968] : memref<16x8x64xf32, #tpu.memory_space<vmem>>[vector<16xi32>, vector<16xi32>, vector<16xi32>], vector<16xf32>,
      %gather3A_969 = tpu.vector_load_idx %arg13[%iota3A, %and3A_964, %broadcast_in_dim3A_968] : memref<16x8x64xf32, #tpu.memory_space<vmem>>[vector<16xi32>, vector<16xi32>, vector<16xi32>], vector<16xf32>,
      %mul3A_970 = arith.mulf %gather3A, %gather3A_969 : vector<16xf32>
      %add3A_971 = arith.addf %broadcast_in_dim3A_966, %mul3A_970 : vector<16xf32>
      %broadcast_in_dim3A_972 = arith.constant 1 : i32
      %broadcast_in_dim3A_973 = vector.broadcast %broadcast_in_dim3A_972 : i32 to vector<16xi32>
      %gather3A_974 = tpu.vector_load_idx %arg12[%iota3A, %and3A_963, %broadcast_in_dim3A_973] : memref<16x8x64xf32, #tpu.memory_space<vmem>>[vector<16xi32>, vector<16xi32>, vector<16xi32>], vector<16xf32>,
      %gather3A_975 = tpu.vector_load_idx %arg13[%iota3A, %and3A_964, %broadcast_in_dim3A_973] : memref<16x8x64xf32, #tpu.memory_space<vmem>>[vector<16xi32>, vector<16xi32>, vector<16xi32>], vector<16xf32>,
      %mul3A_976 = arith.mulf %gather3A_974, %gather3A_975 : vector<16xf32>
      %add3A_977 = arith.addf %add3A_971, %mul3A_976 : vector<16xf32>
      %broadcast_in_dim3A_978 = arith.constant 2 : i32
      %broadcast_in_dim3A_979 = vector.broadcast %broadcast_in_dim3A_978 : i32 to vector<16xi32>
      %gather3A_980 = tpu.vector_load_idx %arg12[%iota3A, %and3A_963, %broadcast_in_dim3A_979] : memref<16x8x64xf32, #tpu.memory_space<vmem>>[vector<16xi32>, vector<16xi32>, vector<16xi32>], vector<16xf32>,
      %gather3A_981 = tpu.vector_load_idx %arg13[%iota3A, %and3A_964, %broadcast_in_dim3A_979] : memref<16x8x64xf32, #tpu.memory_space<vmem>>[vector<16xi32>, vector<16xi32>, vector<16xi32>], vector<16xf32>,
      %mul3A_982 = arith.mulf %gather3A_980, %gather3A_981 : vector<16xf32>
      %add3A_983 = arith.addf %add3A_977, %mul3A_982 : vector<16xf32>
      %broadcast_in_dim3A_984 = arith.constant 3 : i32
      %broadcast_in_dim3A_985 = vector.broadcast %broadcast_in_dim3A_984 : i32 to vector<16xi32>
      %gather3A_986 = tpu.vector_load_idx %arg12[%iota3A, %and3A_963, %broadcast_in_dim3A_985] : memref<16x8x64xf32, #tpu.memory_space<vmem>>[vector<16xi32>, vector<16xi32>, vector<16xi32>], vector<16xf32>,
      %gather3A_987 = tpu.vector_load_idx %arg13[%iota3A, %and3A_964, %broadcast_in_dim3A_985] : memref<16x8x64xf32, #tpu.memory_space<vmem>>[vector<16xi32>, vector<16xi32>, vector<16xi32>], vector<16xf32>,
      %mul3A_988 = arith.mulf %gather3A_986, %gather3A_987 : vector<16xf32>
      %add3A_989 = arith.addf %add3A_983, %mul3A_988 : vector<16xf32>
      %broadcast_in_dim3A_990 = arith.constant 4 : i32
      %broadcast_in_dim3A_991 = vector.broadcast %broadcast_in_dim3A_990 : i32 to vector<16xi32>
      %gather3A_992 = tpu.vector_load_idx %arg12[%iota3A, %and3A_963, %broadcast_in_dim3A_991] : memref<16x8x64xf32, #tpu.memory_space<vmem>>[vector<16xi32>, vector<16xi32>, vector<16xi32>], vector<16xf32>,
      %gather3A_993 = tpu.vector_load_idx %arg13[%iota3A, %and3A_964, %broadcast_in_dim3A_991] : memref<16x8x64xf32, #tpu.memory_space<vmem>>[vector<16xi32>, vector<16xi32>, vector<16xi32>], vector<16xf32>,
      %mul3A_994 = arith.mulf %gather3A_992, %gather3A_993 : vector<16xf32>
      %add3A_995 = arith.addf %add3A_989, %mul3A_994 : vector<16xf32>
      %broadcast_in_dim3A_996 = arith.constant 5 : i32
      %broadcast_in_dim3A_997 = vector.broadcast %broadcast_in_dim3A_996 : i32 to vector<16xi32>
      %gather3A_998 = tpu.vector_load_idx %arg12[%iota3A, %and3A_963, %broadcast_in_dim3A_997] : memref<16x8x64xf32, #tpu.memory_space<vmem>>[vector<16xi32>, vector<16xi32>, vector<16xi32>], vector<16xf32>,
      %gather3A_999 = tpu.vector_load_idx %arg13[%iota3A, %and3A_964, %broadcast_in_dim3A_997] : memref<16x8x64xf32, #tpu.memory_space<vmem>>[vector<16xi32>, vector<16xi32>, vector<16xi32>], vector<16xf32>,
      %mul3A_1000 = arith.mulf %gather3A_998, %gather3A_999 : vector<16xf32>
      %add3A_1001 = arith.addf %add3A_995, %mul3A_1000 : vector<16xf32>
      %broadcast_in_dim3A_1002 = arith.constant 6 : i32
      %broadcast_in_dim3A_1003 = vector.broadcast %broadcast_in_dim3A_1002 : i32 to vector<16xi32>
      %gather3A_1004 = tpu.vector_load_idx %arg12[%iota3A, %and3A_963, %broadcast_in_dim3A_1003] : memref<16x8x64xf32, #tpu.memory_space<vmem>>[vector<16xi32>, vector<16xi32>, vector<16xi32>], vector<16xf32>,
      %gather3A_1005 = tpu.vector_load_idx %arg13[%iota3A, %and3A_964, %broadcast_in_dim3A_1003] : memref<16x8x64xf32, #tpu.memory_space<vmem>>[vector<16xi32>, vector<16xi32>, vector<16xi32>], vector<16xf32>,
      %mul3A_1006 = arith.mulf %gather3A_1004, %gather3A_1005 : vector<16xf32>
      %add3A_1007 = arith.addf %add3A_1001, %mul3A_1006 : vector<16xf32>
      %broadcast_in_dim3A_1008 = arith.constant 7 : i32
      %broadcast_in_dim3A_1009 = vector.broadcast %broadcast_in_dim3A_1008 : i32 to vector<16xi32>
      %gather3A_1010 = tpu.vector_load_idx %arg12[%iota3A, %and3A_963, %broadcast_in_dim3A_1009] : memref<16x8x64xf32, #tpu.memory_space<vmem>>[vector<16xi32>, vector<16xi32>, vector<16xi32>], vector<16xf32>,
      %gather3A_1011 = tpu.vector_load_idx %arg13[%iota3A, %and3A_964, %broadcast_in_dim3A_1009] : memref<16x8x64xf32, #tpu.memory_space<vmem>>[vector<16xi32>, vector<16xi32>, vector<16xi32>], vector<16xf32>,
      %mul3A_1012 = arith.mulf %gather3A_1010, %gather3A_1011 : vector<16xf32>
      %add3A_1013 = arith.addf %add3A_1007, %mul3A_1012 : vector<16xf32>
      %broadcast_in_dim3A_1014 = arith.constant 8 : i32
      %broadcast_in_dim3A_1015 = vector.broadcast %broadcast_in_dim3A_1014 : i32 to vector<16xi32>
      %gather3A_1016 = tpu.vector_load_idx %arg12[%iota3A, %and3A_963, %broadcast_in_dim3A_1015] : memref<16x8x64xf32, #tpu.memory_space<vmem>>[vector<16xi32>, vector<16xi32>, vector<16xi32>], vector<16xf32>,
      %gather3A_1017 = tpu.vector_load_idx %arg13[%iota3A, %and3A_964, %broadcast_in_dim3A_1015] : memref<16x8x64xf32, #tpu.memory_space<vmem>>[vector<16xi32>, vector<16xi32>, vector<16xi32>], vector<16xf32>,
      %mul3A_1018 = arith.mulf %gather3A_1016, %gather3A_1017 : vector<16xf32>
      %add3A_1019 = arith.addf %add3A_1013, %mul3A_1018 : vector<16xf32>
      %broadcast_in_dim3A_1020 = arith.constant 9 : i32
      %broadcast_in_dim3A_1021 = vector.broadcast %broadcast_in_dim3A_1020 : i32 to vector<16xi32>
      %gather3A_1022 = tpu.vector_load_idx %arg12[%iota3A, %and3A_963, %broadcast_in_dim3A_1021] : memref<16x8x64xf32, #tpu.memory_space<vmem>>[vector<16xi32>, vector<16xi32>, vector<16xi32>], vector<16xf32>,
      %gather3A_1023 = tpu.vector_load_idx %arg13[%iota3A, %and3A_964, %broadcast_in_dim3A_1021] : memref<16x8x64xf32, #tpu.memory_space<vmem>>[vector<16xi32>, vector<16xi32>, vector<16xi32>], vector<16xf32>,
      %mul3A_1024 = arith.mulf %gather3A_1022, %gather3A_1023 : vector<16xf32>
      %add3A_1025 = arith.addf %add3A_1019, %mul3A_1024 : vector<16xf32>
      %broadcast_in_dim3A_1026 = arith.constant 10 : i32
      %broadcast_in_dim3A_1027 = vector.broadcast %broadcast_in_dim3A_1026 : i32 to vector<16xi32>
      %gather3A_1028 = tpu.vector_load_idx %arg12[%iota3A, %and3A_963, %broadcast_in_dim3A_1027] : memref<16x8x64xf32, #tpu.memory_space<vmem>>[vector<16xi32>, vector<16xi32>, vector<16xi32>], vector<16xf32>,
      %gather3A_1029 = tpu.vector_load_idx %arg13[%iota3A, %and3A_964, %broadcast_in_dim3A_1027] : memref<16x8x64xf32, #tpu.memory_space<vmem>>[vector<16xi32>, vector<16xi32>, vector<16xi32>], vector<16xf32>,
      %mul3A_1030 = arith.mulf %gather3A_1028, %gather3A_1029 : vector<16xf32>
      %add3A_1031 = arith.addf %add3A_1025, %mul3A_1030 : vector<16xf32>
      %broadcast_in_dim3A_1032 = arith.constant 11 : i32
      %broadcast_in_dim3A_1033 = vector.broadcast %broadcast_in_dim3A_1032 : i32 to vector<16xi32>
      %gather3A_1034 = tpu.vector_load_idx %arg12[%iota3A, %and3A_963, %broadcast_in_dim3A_1033] : memref<16x8x64xf32, #tpu.memory_space<vmem>>[vector<16xi32>, vector<16xi32>, vector<16xi32>], vector<16xf32>,
      %gather3A_1035 = tpu.vector_load_idx %arg13[%iota3A, %and3A_964, %broadcast_in_dim3A_1033] : memref<16x8x64xf32, #tpu.memory_space<vmem>>[vector<16xi32>, vector<16xi32>, vector<16xi32>], vector<16xf32>,
      %mul3A_1036 = arith.mulf %gather3A_1034, %gather3A_1035 : vector<16xf32>
      %add3A_1037 = arith.addf %add3A_1031, %mul3A_1036 : vector<16xf32>
      %broadcast_in_dim3A_1038 = arith.constant 12 : i32
      %broadcast_in_dim3A_1039 = vector.broadcast %broadcast_in_dim3A_1038 : i32 to vector<16xi32>
      %gather3A_1040 = tpu.vector_load_idx %arg12[%iota3A, %and3A_963, %broadcast_in_dim3A_1039] : memref<16x8x64xf32, #tpu.memory_space<vmem>>[vector<16xi32>, vector<16xi32>, vector<16xi32>], vector<16xf32>,
      %gather3A_1041 = tpu.vector_load_idx %arg13[%iota3A, %and3A_964, %broadcast_in_dim3A_1039] : memref<16x8x64xf32, #tpu.memory_space<vmem>>[vector<16xi32>, vector<16xi32>, vector<16xi32>], vector<16xf32>,
      %mul3A_1042 = arith.mulf %gather3A_1040, %gather3A_1041 : vector<16xf32>
      %add3A_1043 = arith.addf %add3A_1037, %mul3A_1042 : vector<16xf32>
      %broadcast_in_dim3A_1044 = arith.constant 13 : i32
      %broadcast_in_dim3A_1045 = vector.broadcast %broadcast_in_dim3A_1044 : i32 to vector<16xi32>
      %gather3A_1046 = tpu.vector_load_idx %arg12[%iota3A, %and3A_963, %broadcast_in_dim3A_1045] : memref<16x8x64xf32, #tpu.memory_space<vmem>>[vector<16xi32>, vector<16xi32>, vector<16xi32>], vector<16xf32>,
      %gather3A_1047 = tpu.vector_load_idx %arg13[%iota3A, %and3A_964, %broadcast_in_dim3A_1045] : memref<16x8x64xf32, #tpu.memory_space<vmem>>[vector<16xi32>, vector<16xi32>, vector<16xi32>], vector<16xf32>,
      %mul3A_1048 = arith.mulf %gather3A_1046, %gather3A_1047 : vector<16xf32>
      %add3A_1049 = arith.addf %add3A_1043, %mul3A_1048 : vector<16xf32>
      %broadcast_in_dim3A_1050 = arith.constant 14 : i32
      %broadcast_in_dim3A_1051 = vector.broadcast %broadcast_in_dim3A_1050 : i32 to vector<16xi32>
      %gather3A_1052 = tpu.vector_load_idx %arg12[%iota3A, %and3A_963, %broadcast_in_dim3A_1051] : memref<16x8x64xf32, #tpu.memory_space<vmem>>[vector<16xi32>, vector<16xi32>, vector<16xi32>], vector<16xf32>,
      %gather3A_1053 = tpu.vector_load_idx %arg13[%iota3A, %and3A_964, %broadcast_in_dim3A_1051] : memref<16x8x64xf32, #tpu.memory_space<vmem>>[vector<16xi32>, vector<16xi32>, vector<16xi32>], vector<16xf32>,
      %mul3A_1054 = arith.mulf %gather3A_1052, %gather3A_1053 : vector<16xf32>
      %add3A_1055 = arith.addf %add3A_1049, %mul3A_1054 : vector<16xf32>
      %broadcast_in_dim3A_1056 = arith.constant 15 : i32
      %broadcast_in_dim3A_1057 = vector.broadcast %broadcast_in_dim3A_1056 : i32 to vector<16xi32>
      %gather3A_1058 = tpu.vector_load_idx %arg12[%iota3A, %and3A_963, %broadcast_in_dim3A_1057] : memref<16x8x64xf32, #tpu.memory_space<vmem>>[vector<16xi32>, vector<16xi32>, vector<16xi32>], vector<16xf32>,
      %gather3A_1059 = tpu.vector_load_idx %arg13[%iota3A, %and3A_964, %broadcast_in_dim3A_1057] : memref<16x8x64xf32, #tpu.memory_space<vmem>>[vector<16xi32>, vector<16xi32>, vector<16xi32>], vector<16xf32>,
      %mul3A_1060 = arith.mulf %gather3A_1058, %gather3A_1059 : vector<16xf32>
      %add3A_1061 = arith.addf %add3A_1055, %mul3A_1060 : vector<16xf32>
      %broadcast_in_dim3A_1062 = arith.constant 16 : i32
      %broadcast_in_dim3A_1063 = vector.broadcast %broadcast_in_dim3A_1062 : i32 to vector<16xi32>
      %gather3A_1064 = tpu.vector_load_idx %arg12[%iota3A, %and3A_963, %broadcast_in_dim3A_1063] : memref<16x8x64xf32, #tpu.memory_space<vmem>>[vector<16xi32>, vector<16xi32>, vector<16xi32>], vector<16xf32>,
      %gather3A_1065 = tpu.vector_load_idx %arg13[%iota3A, %and3A_964, %broadcast_in_dim3A_1063] : memref<16x8x64xf32, #tpu.memory_space<vmem>>[vector<16xi32>, vector<16xi32>, vector<16xi32>], vector<16xf32>,
      %mul3A_1066 = arith.mulf %gather3A_1064, %gather3A_1065 : vector<16xf32>
      %add3A_1067 = arith.addf %add3A_1061, %mul3A_1066 : vector<16xf32>
      %broadcast_in_dim3A_1068 = arith.constant 17 : i32
      %broadcast_in_dim3A_1069 = vector.broadcast %broadcast_in_dim3A_1068 : i32 to vector<16xi32>
      %gather3A_1070 = tpu.vector_load_idx %arg12[%iota3A, %and3A_963, %broadcast_in_dim3A_1069] : memref<16x8x64xf32, #tpu.memory_space<vmem>>[vector<16xi32>, vector<16xi32>, vector<16xi32>], vector<16xf32>,
      %gather3A_1071 = tpu.vector_load_idx %arg13[%iota3A, %and3A_964, %broadcast_in_dim3A_1069] : memref<16x8x64xf32, #tpu.memory_space<vmem>>[vector<16xi32>, vector<16xi32>, vector<16xi32>], vector<16xf32>,
      %mul3A_1072 = arith.mulf %gather3A_1070, %gather3A_1071 : vector<16xf32>
      %add3A_1073 = arith.addf %add3A_1067, %mul3A_1072 : vector<16xf32>
      %broadcast_in_dim3A_1074 = arith.constant 18 : i32
      %broadcast_in_dim3A_1075 = vector.broadcast %broadcast_in_dim3A_1074 : i32 to vector<16xi32>
      %gather3A_1076 = tpu.vector_load_idx %arg12[%iota3A, %and3A_963, %broadcast_in_dim3A_1075] : memref<16x8x64xf32, #tpu.memory_space<vmem>>[vector<16xi32>, vector<16xi32>, vector<16xi32>], vector<16xf32>,
      %gather3A_1077 = tpu.vector_load_idx %arg13[%iota3A, %and3A_964, %broadcast_in_dim3A_1075] : memref<16x8x64xf32, #tpu.memory_space<vmem>>[vector<16xi32>, vector<16xi32>, vector<16xi32>], vector<16xf32>,
      %mul3A_1078 = arith.mulf %gather3A_1076, %gather3A_1077 : vector<16xf32>
      %add3A_1079 = arith.addf %add3A_1073, %mul3A_1078 : vector<16xf32>
      %broadcast_in_dim3A_1080 = arith.constant 19 : i32
      %broadcast_in_dim3A_1081 = vector.broadcast %broadcast_in_dim3A_1080 : i32 to vector<16xi32>
      %gather3A_1082 = tpu.vector_load_idx %arg12[%iota3A, %and3A_963, %broadcast_in_dim3A_1081] : memref<16x8x64xf32, #tpu.memory_space<vmem>>[vector<16xi32>, vector<16xi32>, vector<16xi32>], vector<16xf32>,
      %gather3A_1083 = tpu.vector_load_idx %arg13[%iota3A, %and3A_964, %broadcast_in_dim3A_1081] : memref<16x8x64xf32, #tpu.memory_space<vmem>>[vector<16xi32>, vector<16xi32>, vector<16xi32>], vector<16xf32>,
      %mul3A_1084 = arith.mulf %gather3A_1082, %gather3A_1083 : vector<16xf32>
      %add3A_1085 = arith.addf %add3A_1079, %mul3A_1084 : vector<16xf32>
      %broadcast_in_dim3A_1086 = arith.constant 20 : i32
      %broadcast_in_dim3A_1087 = vector.broadcast %broadcast_in_dim3A_1086 : i32 to vector<16xi32>
      %gather3A_1088 = tpu.vector_load_idx %arg12[%iota3A, %and3A_963, %broadcast_in_dim3A_1087] : memref<16x8x64xf32, #tpu.memory_space<vmem>>[vector<16xi32>, vector<16xi32>, vector<16xi32>], vector<16xf32>,
      %gather3A_1089 = tpu.vector_load_idx %arg13[%iota3A, %and3A_964, %broadcast_in_dim3A_1087] : memref<16x8x64xf32, #tpu.memory_space<vmem>>[vector<16xi32>, vector<16xi32>, vector<16xi32>], vector<16xf32>,
      %mul3A_1090 = arith.mulf %gather3A_1088, %gather3A_1089 : vector<16xf32>
      %add3A_1091 = arith.addf %add3A_1085, %mul3A_1090 : vector<16xf32>
      %broadcast_in_dim3A_1092 = arith.constant 21 : i32
      %broadcast_in_dim3A_1093 = vector.broadcast %broadcast_in_dim3A_1092 : i32 to vector<16xi32>
      %gather3A_1094 = tpu.vector_load_idx %arg12[%iota3A, %and3A_963, %broadcast_in_dim3A_1093] : memref<16x8x64xf32, #tpu.memory_space<vmem>>[vector<16xi32>, vector<16xi32>, vector<16xi32>], vector<16xf32>,
      %gather3A_1095 = tpu.vector_load_idx %arg13[%iota3A, %and3A_964, %broadcast_in_dim3A_1093] : memref<16x8x64xf32, #tpu.memory_space<vmem>>[vector<16xi32>, vector<16xi32>, vector<16xi32>], vector<16xf32>,
      %mul3A_1096 = arith.mulf %gather3A_1094, %gather3A_1095 : vector<16xf32>
      %add3A_1097 = arith.addf %add3A_1091, %mul3A_1096 : vector<16xf32>
      %broadcast_in_dim3A_1098 = arith.constant 22 : i32
      %broadcast_in_dim3A_1099 = vector.broadcast %broadcast_in_dim3A_1098 : i32 to vector<16xi32>
      %gather3A_1100 = tpu.vector_load_idx %arg12[%iota3A, %and3A_963, %broadcast_in_dim3A_1099] : memref<16x8x64xf32, #tpu.memory_space<vmem>>[vector<16xi32>, vector<16xi32>, vector<16xi32>], vector<16xf32>,
      %gather3A_1101 = tpu.vector_load_idx %arg13[%iota3A, %and3A_964, %broadcast_in_dim3A_1099] : memref<16x8x64xf32, #tpu.memory_space<vmem>>[vector<16xi32>, vector<16xi32>, vector<16xi32>], vector<16xf32>,
      %mul3A_1102 = arith.mulf %gather3A_1100, %gather3A_1101 : vector<16xf32>
      %add3A_1103 = arith.addf %add3A_1097, %mul3A_1102 : vector<16xf32>
      %broadcast_in_dim3A_1104 = arith.constant 23 : i32
      %broadcast_in_dim3A_1105 = vector.broadcast %broadcast_in_dim3A_1104 : i32 to vector<16xi32>
      %gather3A_1106 = tpu.vector_load_idx %arg12[%iota3A, %and3A_963, %broadcast_in_dim3A_1105] : memref<16x8x64xf32, #tpu.memory_space<vmem>>[vector<16xi32>, vector<16xi32>, vector<16xi32>], vector<16xf32>,
      %gather3A_1107 = tpu.vector_load_idx %arg13[%iota3A, %and3A_964, %broadcast_in_dim3A_1105] : memref<16x8x64xf32, #tpu.memory_space<vmem>>[vector<16xi32>, vector<16xi32>, vector<16xi32>], vector<16xf32>,
      %mul3A_1108 = arith.mulf %gather3A_1106, %gather3A_1107 : vector<16xf32>
      %add3A_1109 = arith.addf %add3A_1103, %mul3A_1108 : vector<16xf32>
      %broadcast_in_dim3A_1110 = arith.constant 24 : i32
      %broadcast_in_dim3A_1111 = vector.broadcast %broadcast_in_dim3A_1110 : i32 to vector<16xi32>
      %gather3A_1112 = tpu.vector_load_idx %arg12[%iota3A, %and3A_963, %broadcast_in_dim3A_1111] : memref<16x8x64xf32, #tpu.memory_space<vmem>>[vector<16xi32>, vector<16xi32>, vector<16xi32>], vector<16xf32>,
      %gather3A_1113 = tpu.vector_load_idx %arg13[%iota3A, %and3A_964, %broadcast_in_dim3A_1111] : memref<16x8x64xf32, #tpu.memory_space<vmem>>[vector<16xi32>, vector<16xi32>, vector<16xi32>], vector<16xf32>,
      %mul3A_1114 = arith.mulf %gather3A_1112, %gather3A_1113 : vector<16xf32>
      %add3A_1115 = arith.addf %add3A_1109, %mul3A_1114 : vector<16xf32>
      %broadcast_in_dim3A_1116 = arith.constant 25 : i32
      %broadcast_in_dim3A_1117 = vector.broadcast %broadcast_in_dim3A_1116 : i32 to vector<16xi32>
      %gather3A_1118 = tpu.vector_load_idx %arg12[%iota3A, %and3A_963, %broadcast_in_dim3A_1117] : memref<16x8x64xf32, #tpu.memory_space<vmem>>[vector<16xi32>, vector<16xi32>, vector<16xi32>], vector<16xf32>,
      %gather3A_1119 = tpu.vector_load_idx %arg13[%iota3A, %and3A_964, %broadcast_in_dim3A_1117] : memref<16x8x64xf32, #tpu.memory_space<vmem>>[vector<16xi32>, vector<16xi32>, vector<16xi32>], vector<16xf32>,
      %mul3A_1120 = arith.mulf %gather3A_1118, %gather3A_1119 : vector<16xf32>
      %add3A_1121 = arith.addf %add3A_1115, %mul3A_1120 : vector<16xf32>
      %broadcast_in_dim3A_1122 = arith.constant 26 : i32
      %broadcast_in_dim3A_1123 = vector.broadcast %broadcast_in_dim3A_1122 : i32 to vector<16xi32>
      %gather3A_1124 = tpu.vector_load_idx %arg12[%iota3A, %and3A_963, %broadcast_in_dim3A_1123] : memref<16x8x64xf32, #tpu.memory_space<vmem>>[vector<16xi32>, vector<16xi32>, vector<16xi32>], vector<16xf32>,
      %gather3A_1125 = tpu.vector_load_idx %arg13[%iota3A, %and3A_964, %broadcast_in_dim3A_1123] : memref<16x8x64xf32, #tpu.memory_space<vmem>>[vector<16xi32>, vector<16xi32>, vector<16xi32>], vector<16xf32>,
      %mul3A_1126 = arith.mulf %gather3A_1124, %gather3A_1125 : vector<16xf32>
      %add3A_1127 = arith.addf %add3A_1121, %mul3A_1126 : vector<16xf32>
      %broadcast_in_dim3A_1128 = arith.constant 27 : i32
      %broadcast_in_dim3A_1129 = vector.broadcast %broadcast_in_dim3A_1128 : i32 to vector<16xi32>
      %gather3A_1130 = tpu.vector_load_idx %arg12[%iota3A, %and3A_963, %broadcast_in_dim3A_1129] : memref<16x8x64xf32, #tpu.memory_space<vmem>>[vector<16xi32>, vector<16xi32>, vector<16xi32>], vector<16xf32>,
      %gather3A_1131 = tpu.vector_load_idx %arg13[%iota3A, %and3A_964, %broadcast_in_dim3A_1129] : memref<16x8x64xf32, #tpu.memory_space<vmem>>[vector<16xi32>, vector<16xi32>, vector<16xi32>], vector<16xf32>,
      %mul3A_1132 = arith.mulf %gather3A_1130, %gather3A_1131 : vector<16xf32>
      %add3A_1133 = arith.addf %add3A_1127, %mul3A_1132 : vector<16xf32>
      %broadcast_in_dim3A_1134 = arith.constant 28 : i32
      %broadcast_in_dim3A_1135 = vector.broadcast %broadcast_in_dim3A_1134 : i32 to vector<16xi32>
      %gather3A_1136 = tpu.vector_load_idx %arg12[%iota3A, %and3A_963, %broadcast_in_dim3A_1135] : memref<16x8x64xf32, #tpu.memory_space<vmem>>[vector<16xi32>, vector<16xi32>, vector<16xi32>], vector<16xf32>,
      %gather3A_1137 = tpu.vector_load_idx %arg13[%iota3A, %and3A_964, %broadcast_in_dim3A_1135] : memref<16x8x64xf32, #tpu.memory_space<vmem>>[vector<16xi32>, vector<16xi32>, vector<16xi32>], vector<16xf32>,
      %mul3A_1138 = arith.mulf %gather3A_1136, %gather3A_1137 : vector<16xf32>
      %add3A_1139 = arith.addf %add3A_1133, %mul3A_1138 : vector<16xf32>
      %broadcast_in_dim3A_1140 = arith.constant 29 : i32
      %broadcast_in_dim3A_1141 = vector.broadcast %broadcast_in_dim3A_1140 : i32 to vector<16xi32>
      %gather3A_1142 = tpu.vector_load_idx %arg12[%iota3A, %and3A_963, %broadcast_in_dim3A_1141] : memref<16x8x64xf32, #tpu.memory_space<vmem>>[vector<16xi32>, vector<16xi32>, vector<16xi32>], vector<16xf32>,
      %gather3A_1143 = tpu.vector_load_idx %arg13[%iota3A, %and3A_964, %broadcast_in_dim3A_1141] : memref<16x8x64xf32, #tpu.memory_space<vmem>>[vector<16xi32>, vector<16xi32>, vector<16xi32>], vector<16xf32>,
      %mul3A_1144 = arith.mulf %gather3A_1142, %gather3A_1143 : vector<16xf32>
      %add3A_1145 = arith.addf %add3A_1139, %mul3A_1144 : vector<16xf32>
      %broadcast_in_dim3A_1146 = arith.constant 30 : i32
      %broadcast_in_dim3A_1147 = vector.broadcast %broadcast_in_dim3A_1146 : i32 to vector<16xi32>
      %gather3A_1148 = tpu.vector_load_idx %arg12[%iota3A, %and3A_963, %broadcast_in_dim3A_1147] : memref<16x8x64xf32, #tpu.memory_space<vmem>>[vector<16xi32>, vector<16xi32>, vector<16xi32>], vector<16xf32>,
      %gather3A_1149 = tpu.vector_load_idx %arg13[%iota3A, %and3A_964, %broadcast_in_dim3A_1147] : memref<16x8x64xf32, #tpu.memory_space<vmem>>[vector<16xi32>, vector<16xi32>, vector<16xi32>], vector<16xf32>,
      %mul3A_1150 = arith.mulf %gather3A_1148, %gather3A_1149 : vector<16xf32>
      %add3A_1151 = arith.addf %add3A_1145, %mul3A_1150 : vector<16xf32>
      %broadcast_in_dim3A_1152 = arith.constant 31 : i32
      %broadcast_in_dim3A_1153 = vector.broadcast %broadcast_in_dim3A_1152 : i32 to vector<16xi32>
      %gather3A_1154 = tpu.vector_load_idx %arg12[%iota3A, %and3A_963, %broadcast_in_dim3A_1153] : memref<16x8x64xf32, #tpu.memory_space<vmem>>[vector<16xi32>, vector<16xi32>, vector<16xi32>], vector<16xf32>,
      %gather3A_1155 = tpu.vector_load_idx %arg13[%iota3A, %and3A_964, %broadcast_in_dim3A_1153] : memref<16x8x64xf32, #tpu.memory_space<vmem>>[vector<16xi32>, vector<16xi32>, vector<16xi32>], vector<16xf32>,
      %mul3A_1156 = arith.mulf %gather3A_1154, %gather3A_1155 : vector<16xf32>
      %add3A_1157 = arith.addf %add3A_1151, %mul3A_1156 : vector<16xf32>
      %broadcast_in_dim3A_1158 = arith.constant 32 : i32
      %broadcast_in_dim3A_1159 = vector.broadcast %broadcast_in_dim3A_1158 : i32 to vector<16xi32>
      %gather3A_1160 = tpu.vector_load_idx %arg12[%iota3A, %and3A_963, %broadcast_in_dim3A_1159] : memref<16x8x64xf32, #tpu.memory_space<vmem>>[vector<16xi32>, vector<16xi32>, vector<16xi32>], vector<16xf32>,
      %gather3A_1161 = tpu.vector_load_idx %arg13[%iota3A, %and3A_964, %broadcast_in_dim3A_1159] : memref<16x8x64xf32, #tpu.memory_space<vmem>>[vector<16xi32>, vector<16xi32>, vector<16xi32>], vector<16xf32>,
      %mul3A_1162 = arith.mulf %gather3A_1160, %gather3A_1161 : vector<16xf32>
      %add3A_1163 = arith.addf %add3A_1157, %mul3A_1162 : vector<16xf32>
      %broadcast_in_dim3A_1164 = arith.constant 33 : i32
      %broadcast_in_dim3A_1165 = vector.broadcast %broadcast_in_dim3A_1164 : i32 to vector<16xi32>
      %gather3A_1166 = tpu.vector_load_idx %arg12[%iota3A, %and3A_963, %broadcast_in_dim3A_1165] : memref<16x8x64xf32, #tpu.memory_space<vmem>>[vector<16xi32>, vector<16xi32>, vector<16xi32>], vector<16xf32>,
      %gather3A_1167 = tpu.vector_load_idx %arg13[%iota3A, %and3A_964, %broadcast_in_dim3A_1165] : memref<16x8x64xf32, #tpu.memory_space<vmem>>[vector<16xi32>, vector<16xi32>, vector<16xi32>], vector<16xf32>,
      %mul3A_1168 = arith.mulf %gather3A_1166, %gather3A_1167 : vector<16xf32>
      %add3A_1169 = arith.addf %add3A_1163, %mul3A_1168 : vector<16xf32>
      %broadcast_in_dim3A_1170 = arith.constant 34 : i32
      %broadcast_in_dim3A_1171 = vector.broadcast %broadcast_in_dim3A_1170 : i32 to vector<16xi32>
      %gather3A_1172 = tpu.vector_load_idx %arg12[%iota3A, %and3A_963, %broadcast_in_dim3A_1171] : memref<16x8x64xf32, #tpu.memory_space<vmem>>[vector<16xi32>, vector<16xi32>, vector<16xi32>], vector<16xf32>,
      %gather3A_1173 = tpu.vector_load_idx %arg13[%iota3A, %and3A_964, %broadcast_in_dim3A_1171] : memref<16x8x64xf32, #tpu.memory_space<vmem>>[vector<16xi32>, vector<16xi32>, vector<16xi32>], vector<16xf32>,
      %mul3A_1174 = arith.mulf %gather3A_1172, %gather3A_1173 : vector<16xf32>
      %add3A_1175 = arith.addf %add3A_1169, %mul3A_1174 : vector<16xf32>
      %broadcast_in_dim3A_1176 = arith.constant 35 : i32
      %broadcast_in_dim3A_1177 = vector.broadcast %broadcast_in_dim3A_1176 : i32 to vector<16xi32>
      %gather3A_1178 = tpu.vector_load_idx %arg12[%iota3A, %and3A_963, %broadcast_in_dim3A_1177] : memref<16x8x64xf32, #tpu.memory_space<vmem>>[vector<16xi32>, vector<16xi32>, vector<16xi32>], vector<16xf32>,
      %gather3A_1179 = tpu.vector_load_idx %arg13[%iota3A, %and3A_964, %broadcast_in_dim3A_1177] : memref<16x8x64xf32, #tpu.memory_space<vmem>>[vector<16xi32>, vector<16xi32>, vector<16xi32>], vector<16xf32>,
      %mul3A_1180 = arith.mulf %gather3A_1178, %gather3A_1179 : vector<16xf32>
      %add3A_1181 = arith.addf %add3A_1175, %mul3A_1180 : vector<16xf32>
      %broadcast_in_dim3A_1182 = arith.constant 36 : i32
      %broadcast_in_dim3A_1183 = vector.broadcast %broadcast_in_dim3A_1182 : i32 to vector<16xi32>
      %gather3A_1184 = tpu.vector_load_idx %arg12[%iota3A, %and3A_963, %broadcast_in_dim3A_1183] : memref<16x8x64xf32, #tpu.memory_space<vmem>>[vector<16xi32>, vector<16xi32>, vector<16xi32>], vector<16xf32>,
      %gather3A_1185 = tpu.vector_load_idx %arg13[%iota3A, %and3A_964, %broadcast_in_dim3A_1183] : memref<16x8x64xf32, #tpu.memory_space<vmem>>[vector<16xi32>, vector<16xi32>, vector<16xi32>], vector<16xf32>,
      %mul3A_1186 = arith.mulf %gather3A_1184, %gather3A_1185 : vector<16xf32>
      %add3A_1187 = arith.addf %add3A_1181, %mul3A_1186 : vector<16xf32>
      %broadcast_in_dim3A_1188 = arith.constant 37 : i32
      %broadcast_in_dim3A_1189 = vector.broadcast %broadcast_in_dim3A_1188 : i32 to vector<16xi32>
      %gather3A_1190 = tpu.vector_load_idx %arg12[%iota3A, %and3A_963, %broadcast_in_dim3A_1189] : memref<16x8x64xf32, #tpu.memory_space<vmem>>[vector<16xi32>, vector<16xi32>, vector<16xi32>], vector<16xf32>,
      %gather3A_1191 = tpu.vector_load_idx %arg13[%iota3A, %and3A_964, %broadcast_in_dim3A_1189] : memref<16x8x64xf32, #tpu.memory_space<vmem>>[vector<16xi32>, vector<16xi32>, vector<16xi32>], vector<16xf32>,
      %mul3A_1192 = arith.mulf %gather3A_1190, %gather3A_1191 : vector<16xf32>
      %add3A_1193 = arith.addf %add3A_1187, %mul3A_1192 : vector<16xf32>
      %broadcast_in_dim3A_1194 = arith.constant 38 : i32
      %broadcast_in_dim3A_1195 = vector.broadcast %broadcast_in_dim3A_1194 : i32 to vector<16xi32>
      %gather3A_1196 = tpu.vector_load_idx %arg12[%iota3A, %and3A_963, %broadcast_in_dim3A_1195] : memref<16x8x64xf32, #tpu.memory_space<vmem>>[vector<16xi32>, vector<16xi32>, vector<16xi32>], vector<16xf32>,
      %gather3A_1197 = tpu.vector_load_idx %arg13[%iota3A, %and3A_964, %broadcast_in_dim3A_1195] : memref<16x8x64xf32, #tpu.memory_space<vmem>>[vector<16xi32>, vector<16xi32>, vector<16xi32>], vector<16xf32>,
      %mul3A_1198 = arith.mulf %gather3A_1196, %gather3A_1197 : vector<16xf32>
      %add3A_1199 = arith.addf %add3A_1193, %mul3A_1198 : vector<16xf32>
      %broadcast_in_dim3A_1200 = arith.constant 39 : i32
      %broadcast_in_dim3A_1201 = vector.broadcast %broadcast_in_dim3A_1200 : i32 to vector<16xi32>
      %gather3A_1202 = tpu.vector_load_idx %arg12[%iota3A, %and3A_963, %broadcast_in_dim3A_1201] : memref<16x8x64xf32, #tpu.memory_space<vmem>>[vector<16xi32>, vector<16xi32>, vector<16xi32>], vector<16xf32>,
      %gather3A_1203 = tpu.vector_load_idx %arg13[%iota3A, %and3A_964, %broadcast_in_dim3A_1201] : memref<16x8x64xf32, #tpu.memory_space<vmem>>[vector<16xi32>, vector<16xi32>, vector<16xi32>], vector<16xf32>,
      %mul3A_1204 = arith.mulf %gather3A_1202, %gather3A_1203 : vector<16xf32>
      %add3A_1205 = arith.addf %add3A_1199, %mul3A_1204 : vector<16xf32>
      %broadcast_in_dim3A_1206 = arith.constant 40 : i32
      %broadcast_in_dim3A_1207 = vector.broadcast %broadcast_in_dim3A_1206 : i32 to vector<16xi32>
      %gather3A_1208 = tpu.vector_load_idx %arg12[%iota3A, %and3A_963, %broadcast_in_dim3A_1207] : memref<16x8x64xf32, #tpu.memory_space<vmem>>[vector<16xi32>, vector<16xi32>, vector<16xi32>], vector<16xf32>,
      %gather3A_1209 = tpu.vector_load_idx %arg13[%iota3A, %and3A_964, %broadcast_in_dim3A_1207] : memref<16x8x64xf32, #tpu.memory_space<vmem>>[vector<16xi32>, vector<16xi32>, vector<16xi32>], vector<16xf32>,
      %mul3A_1210 = arith.mulf %gather3A_1208, %gather3A_1209 : vector<16xf32>
      %add3A_1211 = arith.addf %add3A_1205, %mul3A_1210 : vector<16xf32>
      %broadcast_in_dim3A_1212 = arith.constant 41 : i32
      %broadcast_in_dim3A_1213 = vector.broadcast %broadcast_in_dim3A_1212 : i32 to vector<16xi32>
      %gather3A_1214 = tpu.vector_load_idx %arg12[%iota3A, %and3A_963, %broadcast_in_dim3A_1213] : memref<16x8x64xf32, #tpu.memory_space<vmem>>[vector<16xi32>, vector<16xi32>, vector<16xi32>], vector<16xf32>,
      %gather3A_1215 = tpu.vector_load_idx %arg13[%iota3A, %and3A_964, %broadcast_in_dim3A_1213] : memref<16x8x64xf32, #tpu.memory_space<vmem>>[vector<16xi32>, vector<16xi32>, vector<16xi32>], vector<16xf32>,
      %mul3A_1216 = arith.mulf %gather3A_1214, %gather3A_1215 : vector<16xf32>
      %add3A_1217 = arith.addf %add3A_1211, %mul3A_1216 : vector<16xf32>
      %broadcast_in_dim3A_1218 = arith.constant 42 : i32
      %broadcast_in_dim3A_1219 = vector.broadcast %broadcast_in_dim3A_1218 : i32 to vector<16xi32>
      %gather3A_1220 = tpu.vector_load_idx %arg12[%iota3A, %and3A_963, %broadcast_in_dim3A_1219] : memref<16x8x64xf32, #tpu.memory_space<vmem>>[vector<16xi32>, vector<16xi32>, vector<16xi32>], vector<16xf32>,
      %gather3A_1221 = tpu.vector_load_idx %arg13[%iota3A, %and3A_964, %broadcast_in_dim3A_1219] : memref<16x8x64xf32, #tpu.memory_space<vmem>>[vector<16xi32>, vector<16xi32>, vector<16xi32>], vector<16xf32>,
      %mul3A_1222 = arith.mulf %gather3A_1220, %gather3A_1221 : vector<16xf32>
      %add3A_1223 = arith.addf %add3A_1217, %mul3A_1222 : vector<16xf32>
      %broadcast_in_dim3A_1224 = arith.constant 43 : i32
      %broadcast_in_dim3A_1225 = vector.broadcast %broadcast_in_dim3A_1224 : i32 to vector<16xi32>
      %gather3A_1226 = tpu.vector_load_idx %arg12[%iota3A, %and3A_963, %broadcast_in_dim3A_1225] : memref<16x8x64xf32, #tpu.memory_space<vmem>>[vector<16xi32>, vector<16xi32>, vector<16xi32>], vector<16xf32>,
      %gather3A_1227 = tpu.vector_load_idx %arg13[%iota3A, %and3A_964, %broadcast_in_dim3A_1225] : memref<16x8x64xf32, #tpu.memory_space<vmem>>[vector<16xi32>, vector<16xi32>, vector<16xi32>], vector<16xf32>,
      %mul3A_1228 = arith.mulf %gather3A_1226, %gather3A_1227 : vector<16xf32>
      %add3A_1229 = arith.addf %add3A_1223, %mul3A_1228 : vector<16xf32>
      %broadcast_in_dim3A_1230 = arith.constant 44 : i32
      %broadcast_in_dim3A_1231 = vector.broadcast %broadcast_in_dim3A_1230 : i32 to vector<16xi32>
      %gather3A_1232 = tpu.vector_load_idx %arg12[%iota3A, %and3A_963, %broadcast_in_dim3A_1231] : memref<16x8x64xf32, #tpu.memory_space<vmem>>[vector<16xi32>, vector<16xi32>, vector<16xi32>], vector<16xf32>,
      %gather3A_1233 = tpu.vector_load_idx %arg13[%iota3A, %and3A_964, %broadcast_in_dim3A_1231] : memref<16x8x64xf32, #tpu.memory_space<vmem>>[vector<16xi32>, vector<16xi32>, vector<16xi32>], vector<16xf32>,
      %mul3A_1234 = arith.mulf %gather3A_1232, %gather3A_1233 : vector<16xf32>
      %add3A_1235 = arith.addf %add3A_1229, %mul3A_1234 : vector<16xf32>
      %broadcast_in_dim3A_1236 = arith.constant 45 : i32
      %broadcast_in_dim3A_1237 = vector.broadcast %broadcast_in_dim3A_1236 : i32 to vector<16xi32>
      %gather3A_1238 = tpu.vector_load_idx %arg12[%iota3A, %and3A_963, %broadcast_in_dim3A_1237] : memref<16x8x64xf32, #tpu.memory_space<vmem>>[vector<16xi32>, vector<16xi32>, vector<16xi32>], vector<16xf32>,
      %gather3A_1239 = tpu.vector_load_idx %arg13[%iota3A, %and3A_964, %broadcast_in_dim3A_1237] : memref<16x8x64xf32, #tpu.memory_space<vmem>>[vector<16xi32>, vector<16xi32>, vector<16xi32>], vector<16xf32>,
      %mul3A_1240 = arith.mulf %gather3A_1238, %gather3A_1239 : vector<16xf32>
      %add3A_1241 = arith.addf %add3A_1235, %mul3A_1240 : vector<16xf32>
      %broadcast_in_dim3A_1242 = arith.constant 46 : i32
      %broadcast_in_dim3A_1243 = vector.broadcast %broadcast_in_dim3A_1242 : i32 to vector<16xi32>
      %gather3A_1244 = tpu.vector_load_idx %arg12[%iota3A, %and3A_963, %broadcast_in_dim3A_1243] : memref<16x8x64xf32, #tpu.memory_space<vmem>>[vector<16xi32>, vector<16xi32>, vector<16xi32>], vector<16xf32>,
      %gather3A_1245 = tpu.vector_load_idx %arg13[%iota3A, %and3A_964, %broadcast_in_dim3A_1243] : memref<16x8x64xf32, #tpu.memory_space<vmem>>[vector<16xi32>, vector<16xi32>, vector<16xi32>], vector<16xf32>,
      %mul3A_1246 = arith.mulf %gather3A_1244, %gather3A_1245 : vector<16xf32>
      %add3A_1247 = arith.addf %add3A_1241, %mul3A_1246 : vector<16xf32>
      %broadcast_in_dim3A_1248 = arith.constant 47 : i32
      %broadcast_in_dim3A_1249 = vector.broadcast %broadcast_in_dim3A_1248 : i32 to vector<16xi32>
      %gather3A_1250 = tpu.vector_load_idx %arg12[%iota3A, %and3A_963, %broadcast_in_dim3A_1249] : memref<16x8x64xf32, #tpu.memory_space<vmem>>[vector<16xi32>, vector<16xi32>, vector<16xi32>], vector<16xf32>,
      %gather3A_1251 = tpu.vector_load_idx %arg13[%iota3A, %and3A_964, %broadcast_in_dim3A_1249] : memref<16x8x64xf32, #tpu.memory_space<vmem>>[vector<16xi32>, vector<16xi32>, vector<16xi32>], vector<16xf32>,
      %mul3A_1252 = arith.mulf %gather3A_1250, %gather3A_1251 : vector<16xf32>
      %add3A_1253 = arith.addf %add3A_1247, %mul3A_1252 : vector<16xf32>
      %broadcast_in_dim3A_1254 = arith.constant 48 : i32
      %broadcast_in_dim3A_1255 = vector.broadcast %broadcast_in_dim3A_1254 : i32 to vector<16xi32>
      %gather3A_1256 = tpu.vector_load_idx %arg12[%iota3A, %and3A_963, %broadcast_in_dim3A_1255] : memref<16x8x64xf32, #tpu.memory_space<vmem>>[vector<16xi32>, vector<16xi32>, vector<16xi32>], vector<16xf32>,
      %gather3A_1257 = tpu.vector_load_idx %arg13[%iota3A, %and3A_964, %broadcast_in_dim3A_1255] : memref<16x8x64xf32, #tpu.memory_space<vmem>>[vector<16xi32>, vector<16xi32>, vector<16xi32>], vector<16xf32>,
      %mul3A_1258 = arith.mulf %gather3A_1256, %gather3A_1257 : vector<16xf32>
      %add3A_1259 = arith.addf %add3A_1253, %mul3A_1258 : vector<16xf32>
      %broadcast_in_dim3A_1260 = arith.constant 49 : i32
      %broadcast_in_dim3A_1261 = vector.broadcast %broadcast_in_dim3A_1260 : i32 to vector<16xi32>
      %gather3A_1262 = tpu.vector_load_idx %arg12[%iota3A, %and3A_963, %broadcast_in_dim3A_1261] : memref<16x8x64xf32, #tpu.memory_space<vmem>>[vector<16xi32>, vector<16xi32>, vector<16xi32>], vector<16xf32>,
      %gather3A_1263 = tpu.vector_load_idx %arg13[%iota3A, %and3A_964, %broadcast_in_dim3A_1261] : memref<16x8x64xf32, #tpu.memory_space<vmem>>[vector<16xi32>, vector<16xi32>, vector<16xi32>], vector<16xf32>,
      %mul3A_1264 = arith.mulf %gather3A_1262, %gather3A_1263 : vector<16xf32>
      %add3A_1265 = arith.addf %add3A_1259, %mul3A_1264 : vector<16xf32>
      %broadcast_in_dim3A_1266 = arith.constant 50 : i32
      %broadcast_in_dim3A_1267 = vector.broadcast %broadcast_in_dim3A_1266 : i32 to vector<16xi32>
      %gather3A_1268 = tpu.vector_load_idx %arg12[%iota3A, %and3A_963, %broadcast_in_dim3A_1267] : memref<16x8x64xf32, #tpu.memory_space<vmem>>[vector<16xi32>, vector<16xi32>, vector<16xi32>], vector<16xf32>,
      %gather3A_1269 = tpu.vector_load_idx %arg13[%iota3A, %and3A_964, %broadcast_in_dim3A_1267] : memref<16x8x64xf32, #tpu.memory_space<vmem>>[vector<16xi32>, vector<16xi32>, vector<16xi32>], vector<16xf32>,
      %mul3A_1270 = arith.mulf %gather3A_1268, %gather3A_1269 : vector<16xf32>
      %add3A_1271 = arith.addf %add3A_1265, %mul3A_1270 : vector<16xf32>
      %broadcast_in_dim3A_1272 = arith.constant 51 : i32
      %broadcast_in_dim3A_1273 = vector.broadcast %broadcast_in_dim3A_1272 : i32 to vector<16xi32>
      %gather3A_1274 = tpu.vector_load_idx %arg12[%iota3A, %and3A_963, %broadcast_in_dim3A_1273] : memref<16x8x64xf32, #tpu.memory_space<vmem>>[vector<16xi32>, vector<16xi32>, vector<16xi32>], vector<16xf32>,
      %gather3A_1275 = tpu.vector_load_idx %arg13[%iota3A, %and3A_964, %broadcast_in_dim3A_1273] : memref<16x8x64xf32, #tpu.memory_space<vmem>>[vector<16xi32>, vector<16xi32>, vector<16xi32>], vector<16xf32>,
      %mul3A_1276 = arith.mulf %gather3A_1274, %gather3A_1275 : vector<16xf32>
      %add3A_1277 = arith.addf %add3A_1271, %mul3A_1276 : vector<16xf32>
      %broadcast_in_dim3A_1278 = arith.constant 52 : i32
      %broadcast_in_dim3A_1279 = vector.broadcast %broadcast_in_dim3A_1278 : i32 to vector<16xi32>
      %gather3A_1280 = tpu.vector_load_idx %arg12[%iota3A, %and3A_963, %broadcast_in_dim3A_1279] : memref<16x8x64xf32, #tpu.memory_space<vmem>>[vector<16xi32>, vector<16xi32>, vector<16xi32>], vector<16xf32>,
      %gather3A_1281 = tpu.vector_load_idx %arg13[%iota3A, %and3A_964, %broadcast_in_dim3A_1279] : memref<16x8x64xf32, #tpu.memory_space<vmem>>[vector<16xi32>, vector<16xi32>, vector<16xi32>], vector<16xf32>,
      %mul3A_1282 = arith.mulf %gather3A_1280, %gather3A_1281 : vector<16xf32>
      %add3A_1283 = arith.addf %add3A_1277, %mul3A_1282 : vector<16xf32>
      %broadcast_in_dim3A_1284 = arith.constant 53 : i32
      %broadcast_in_dim3A_1285 = vector.broadcast %broadcast_in_dim3A_1284 : i32 to vector<16xi32>
      %gather3A_1286 = tpu.vector_load_idx %arg12[%iota3A, %and3A_963, %broadcast_in_dim3A_1285] : memref<16x8x64xf32, #tpu.memory_space<vmem>>[vector<16xi32>, vector<16xi32>, vector<16xi32>], vector<16xf32>,
      %gather3A_1287 = tpu.vector_load_idx %arg13[%iota3A, %and3A_964, %broadcast_in_dim3A_1285] : memref<16x8x64xf32, #tpu.memory_space<vmem>>[vector<16xi32>, vector<16xi32>, vector<16xi32>], vector<16xf32>,
      %mul3A_1288 = arith.mulf %gather3A_1286, %gather3A_1287 : vector<16xf32>
      %add3A_1289 = arith.addf %add3A_1283, %mul3A_1288 : vector<16xf32>
      %broadcast_in_dim3A_1290 = arith.constant 54 : i32
      %broadcast_in_dim3A_1291 = vector.broadcast %broadcast_in_dim3A_1290 : i32 to vector<16xi32>
      %gather3A_1292 = tpu.vector_load_idx %arg12[%iota3A, %and3A_963, %broadcast_in_dim3A_1291] : memref<16x8x64xf32, #tpu.memory_space<vmem>>[vector<16xi32>, vector<16xi32>, vector<16xi32>], vector<16xf32>,
      %gather3A_1293 = tpu.vector_load_idx %arg13[%iota3A, %and3A_964, %broadcast_in_dim3A_1291] : memref<16x8x64xf32, #tpu.memory_space<vmem>>[vector<16xi32>, vector<16xi32>, vector<16xi32>], vector<16xf32>,
      %mul3A_1294 = arith.mulf %gather3A_1292, %gather3A_1293 : vector<16xf32>
      %add3A_1295 = arith.addf %add3A_1289, %mul3A_1294 : vector<16xf32>
      %broadcast_in_dim3A_1296 = arith.constant 55 : i32
      %broadcast_in_dim3A_1297 = vector.broadcast %broadcast_in_dim3A_1296 : i32 to vector<16xi32>
      %gather3A_1298 = tpu.vector_load_idx %arg12[%iota3A, %and3A_963, %broadcast_in_dim3A_1297] : memref<16x8x64xf32, #tpu.memory_space<vmem>>[vector<16xi32>, vector<16xi32>, vector<16xi32>], vector<16xf32>,
      %gather3A_1299 = tpu.vector_load_idx %arg13[%iota3A, %and3A_964, %broadcast_in_dim3A_1297] : memref<16x8x64xf32, #tpu.memory_space<vmem>>[vector<16xi32>, vector<16xi32>, vector<16xi32>], vector<16xf32>,
      %mul3A_1300 = arith.mulf %gather3A_1298, %gather3A_1299 : vector<16xf32>
      %add3A_1301 = arith.addf %add3A_1295, %mul3A_1300 : vector<16xf32>
      %broadcast_in_dim3A_1302 = arith.constant 56 : i32
      %broadcast_in_dim3A_1303 = vector.broadcast %broadcast_in_dim3A_1302 : i32 to vector<16xi32>
      %gather3A_1304 = tpu.vector_load_idx %arg12[%iota3A, %and3A_963, %broadcast_in_dim3A_1303] : memref<16x8x64xf32, #tpu.memory_space<vmem>>[vector<16xi32>, vector<16xi32>, vector<16xi32>], vector<16xf32>,
      %gather3A_1305 = tpu.vector_load_idx %arg13[%iota3A, %and3A_964, %broadcast_in_dim3A_1303] : memref<16x8x64xf32, #tpu.memory_space<vmem>>[vector<16xi32>, vector<16xi32>, vector<16xi32>], vector<16xf32>,
      %mul3A_1306 = arith.mulf %gather3A_1304, %gather3A_1305 : vector<16xf32>
      %add3A_1307 = arith.addf %add3A_1301, %mul3A_1306 : vector<16xf32>
      %broadcast_in_dim3A_1308 = arith.constant 57 : i32
      %broadcast_in_dim3A_1309 = vector.broadcast %broadcast_in_dim3A_1308 : i32 to vector<16xi32>
      %gather3A_1310 = tpu.vector_load_idx %arg12[%iota3A, %and3A_963, %broadcast_in_dim3A_1309] : memref<16x8x64xf32, #tpu.memory_space<vmem>>[vector<16xi32>, vector<16xi32>, vector<16xi32>], vector<16xf32>,
      %gather3A_1311 = tpu.vector_load_idx %arg13[%iota3A, %and3A_964, %broadcast_in_dim3A_1309] : memref<16x8x64xf32, #tpu.memory_space<vmem>>[vector<16xi32>, vector<16xi32>, vector<16xi32>], vector<16xf32>,
      %mul3A_1312 = arith.mulf %gather3A_1310, %gather3A_1311 : vector<16xf32>
      %add3A_1313 = arith.addf %add3A_1307, %mul3A_1312 : vector<16xf32>
      %broadcast_in_dim3A_1314 = arith.constant 58 : i32
      %broadcast_in_dim3A_1315 = vector.broadcast %broadcast_in_dim3A_1314 : i32 to vector<16xi32>
      %gather3A_1316 = tpu.vector_load_idx %arg12[%iota3A, %and3A_963, %broadcast_in_dim3A_1315] : memref<16x8x64xf32, #tpu.memory_space<vmem>>[vector<16xi32>, vector<16xi32>, vector<16xi32>], vector<16xf32>,
      %gather3A_1317 = tpu.vector_load_idx %arg13[%iota3A, %and3A_964, %broadcast_in_dim3A_1315] : memref<16x8x64xf32, #tpu.memory_space<vmem>>[vector<16xi32>, vector<16xi32>, vector<16xi32>], vector<16xf32>,
      %mul3A_1318 = arith.mulf %gather3A_1316, %gather3A_1317 : vector<16xf32>
      %add3A_1319 = arith.addf %add3A_1313, %mul3A_1318 : vector<16xf32>
      %broadcast_in_dim3A_1320 = arith.constant 59 : i32
      %broadcast_in_dim3A_1321 = vector.broadcast %broadcast_in_dim3A_1320 : i32 to vector<16xi32>
      %gather3A_1322 = tpu.vector_load_idx %arg12[%iota3A, %and3A_963, %broadcast_in_dim3A_1321] : memref<16x8x64xf32, #tpu.memory_space<vmem>>[vector<16xi32>, vector<16xi32>, vector<16xi32>], vector<16xf32>,
      %gather3A_1323 = tpu.vector_load_idx %arg13[%iota3A, %and3A_964, %broadcast_in_dim3A_1321] : memref<16x8x64xf32, #tpu.memory_space<vmem>>[vector<16xi32>, vector<16xi32>, vector<16xi32>], vector<16xf32>,
      %mul3A_1324 = arith.mulf %gather3A_1322, %gather3A_1323 : vector<16xf32>
      %add3A_1325 = arith.addf %add3A_1319, %mul3A_1324 : vector<16xf32>
      %broadcast_in_dim3A_1326 = arith.constant 60 : i32
      %broadcast_in_dim3A_1327 = vector.broadcast %broadcast_in_dim3A_1326 : i32 to vector<16xi32>
      %gather3A_1328 = tpu.vector_load_idx %arg12[%iota3A, %and3A_963, %broadcast_in_dim3A_1327] : memref<16x8x64xf32, #tpu.memory_space<vmem>>[vector<16xi32>, vector<16xi32>, vector<16xi32>], vector<16xf32>,
      %gather3A_1329 = tpu.vector_load_idx %arg13[%iota3A, %and3A_964, %broadcast_in_dim3A_1327] : memref<16x8x64xf32, #tpu.memory_space<vmem>>[vector<16xi32>, vector<16xi32>, vector<16xi32>], vector<16xf32>,
      %mul3A_1330 = arith.mulf %gather3A_1328, %gather3A_1329 : vector<16xf32>
      %add3A_1331 = arith.addf %add3A_1325, %mul3A_1330 : vector<16xf32>
      %broadcast_in_dim3A_1332 = arith.constant 61 : i32
      %broadcast_in_dim3A_1333 = vector.broadcast %broadcast_in_dim3A_1332 : i32 to vector<16xi32>
      %gather3A_1334 = tpu.vector_load_idx %arg12[%iota3A, %and3A_963, %broadcast_in_dim3A_1333] : memref<16x8x64xf32, #tpu.memory_space<vmem>>[vector<16xi32>, vector<16xi32>, vector<16xi32>], vector<16xf32>,
      %gather3A_1335 = tpu.vector_load_idx %arg13[%iota3A, %and3A_964, %broadcast_in_dim3A_1333] : memref<16x8x64xf32, #tpu.memory_space<vmem>>[vector<16xi32>, vector<16xi32>, vector<16xi32>], vector<16xf32>,
      %mul3A_1336 = arith.mulf %gather3A_1334, %gather3A_1335 : vector<16xf32>
      %add3A_1337 = arith.addf %add3A_1331, %mul3A_1336 : vector<16xf32>
      %broadcast_in_dim3A_1338 = arith.constant 62 : i32
      %broadcast_in_dim3A_1339 = vector.broadcast %broadcast_in_dim3A_1338 : i32 to vector<16xi32>
      %gather3A_1340 = tpu.vector_load_idx %arg12[%iota3A, %and3A_963, %broadcast_in_dim3A_1339] : memref<16x8x64xf32, #tpu.memory_space<vmem>>[vector<16xi32>, vector<16xi32>, vector<16xi32>], vector<16xf32>,
      %gather3A_1341 = tpu.vector_load_idx %arg13[%iota3A, %and3A_964, %broadcast_in_dim3A_1339] : memref<16x8x64xf32, #tpu.memory_space<vmem>>[vector<16xi32>, vector<16xi32>, vector<16xi32>], vector<16xf32>,
      %mul3A_1342 = arith.mulf %gather3A_1340, %gather3A_1341 : vector<16xf32>
      %add3A_1343 = arith.addf %add3A_1337, %mul3A_1342 : vector<16xf32>
      %broadcast_in_dim3A_1344 = arith.constant 63 : i32
      %broadcast_in_dim3A_1345 = vector.broadcast %broadcast_in_dim3A_1344 : i32 to vector<16xi32>
      %gather3A_1346 = tpu.vector_load_idx %arg12[%iota3A, %and3A_963, %broadcast_in_dim3A_1345] : memref<16x8x64xf32, #tpu.memory_space<vmem>>[vector<16xi32>, vector<16xi32>, vector<16xi32>], vector<16xf32>,
      %gather3A_1347 = tpu.vector_load_idx %arg13[%iota3A, %and3A_964, %broadcast_in_dim3A_1345] : memref<16x8x64xf32, #tpu.memory_space<vmem>>[vector<16xi32>, vector<16xi32>, vector<16xi32>], vector<16xf32>,
      %mul3A_1348 = arith.mulf %gather3A_1346, %gather3A_1347 : vector<16xf32>
      %add3A_1349 = arith.addf %add3A_1343, %mul3A_1348 : vector<16xf32>
      %and3A_1350 = arith.andi %get3A_16, %broadcast_in_dim3A_5 : vector<16xi32>
      %gather3A_1351 = tpu.vector_load_idx %arg14[%iota3A, %and3A_1350] : memref<16x128xf32, #tpu.memory_space<vmem>>[vector<16xi32>, vector<16xi32>], vector<16xf32>,
      %and3A_1352 = arith.andi %get3A_20, %broadcast_in_dim3A_5 : vector<16xi32>
      %gather3A_1353 = tpu.vector_load_idx %arg15[%iota3A, %and3A_1352] : memref<16x128xf32, #tpu.memory_space<vmem>>[vector<16xi32>, vector<16xi32>], vector<16xf32>,
      %add3A_1354 = arith.addf %add3A_1349, %gather3A_1351 : vector<16xf32>
      %add3A_1355 = arith.addf %add3A_1354, %gather3A_1353 : vector<16xf32>
      %add3A_1356 = arith.addf %add3A_1355, %get3A_6 : vector<16xf32>
      %mul3A_1357 = arith.constant 16 : i32
      %mul3A_1358 = arith.muli %scan3A_12, %mul3A_1357 : i32
      %swap3A = arith.index_cast %mul3A_1358 : i32 to index
      %swap3A_1359 = tpu.vector_load %arg16[%swap3A] {strides = array<i32>} : memref<512xf32, #tpu.memory_space<vmem>>, vector<16xf32>,
      tpu.vector_store %arg16[%swap3A], %add3A_1356 {strides = array<i32>} : memref<512xf32, #tpu.memory_space<vmem>>, vector<16xf32>,
    }
    %scan3A_11 = arith.constant 32 : i32
    "tpu.region"() ({
      %run_scoped3A = tpu.sem_alloc : memref<!tpu.dma_semaphore, #tpu.memory_space<semaphore_mem>>
      %dma_start3A = tpu.memref_slice %arg9[%mul3A_2] : memref<16384xf32, #tpu.memory_space<hbm>> -> memref<512xf32, #tpu.memory_space<hbm>>
      %dma_start3A_12 = tpu.memref_slice %arg9[%mul3A_2] : memref<16384xf32, #tpu.memory_space<hbm>> -> memref<512xf32, #tpu.memory_space<hbm>>
      tpu.enqueue_dma source(%arg16 : memref<512xf32, #tpu.memory_space<vmem>>) target(%dma_start3A_12 : memref<512xf32, #tpu.memory_space<hbm>>) target_semaphore(%run_scoped3A : memref<!tpu.dma_semaphore, #tpu.memory_space<semaphore_mem>>)
      %dma_wait3A = tpu.memref_slice %arg9[%mul3A_2] : memref<16384xf32, #tpu.memory_space<hbm>> -> memref<512xf32, #tpu.memory_space<hbm>>
      %dma_wait3A_13 = tpu.memref_slice %arg9[%mul3A_2] : memref<16384xf32, #tpu.memory_space<hbm>> -> memref<512xf32, #tpu.memory_space<hbm>>
      tpu.wait_dma2 semaphore(%run_scoped3A : memref<!tpu.dma_semaphore, #tpu.memory_space<semaphore_mem>>) src(%arg16 : memref<512xf32, #tpu.memory_space<vmem>>) dst(%dma_wait3A_13 : memref<512xf32, #tpu.memory_space<hbm>>)
      tpu.yield
    }) : () -> ()
    return
  }
}

</mosaic_0001>

<sc_bundles>
// kernel: kernel.3.cloned.1.call-start
scs
__scs_entry_jumppad:
0x0: {  	(pc) =	sbr.rel $0x88, $3  }
0x1: {  	(tag) =	ssettag $0x0;
	lr =	simm.s32 $0x1  }
0x2: {  	[smem:$0x3F9A] =	sst lr;
	_ =	strace $0xD0000000  }
0x3: {  	_ = 	snop  }
0x4: {  	_ = 	snop  }
0x5: {  	_ = 	snop  }
0x6: {  	_ = 	snop  }
0x7: {  	_ = 	snop  }
__scs_overlays_trampoline_lowered:
0x8: {  	[smem:$0x3FA9] =	sst s0  }
0x9: {  	[smem:$0x3FAA] =	sst s1  }
0xa: {  	[smem:$0x3FAB] =	sst s2  }
0xb: {  	[smem:$0x3FAC] =	sst s3  }
0xc: {  	[smem:$0x3FAD] =	sst s4  }
0xd: {  	[smem:$0x3FAE] =	sst s5  }
0xe: {  	[smem:$0x3FAF] =	sst s6  }
0xf: {  	[smem:$0x3FB0] =	sst s7  }
0x10: {  	[smem:$0x3FB1] =	sst s8  }
0x11: {  	[smem:$0x3FB2] =	sst s9;
	s0 =	simm.s32 @!p0 $0x0  }
0x12: {  	s1 =	sld [smem:$0x3F98];
	s0 =	simm.s32 @p0 $0x1  }
0x13: {  	[smem:$0x3FB3] =	sst s0;
	s0 =	simm.s32 @!p1 $0x0  }
0x14: {  	s2 =	sld [smem:$0x3F97];
	s0 =	simm.s32 @p1 $0x1  }
0x15: {  	[smem:$0x3FB4] =	sst s0;
	s0 =	simm.s32 @!p2 $0x0  }
0x16: {  	s3 =	sld [smem:$0x3FDB];
	s0 =	simm.s32 @p2 $0x1  }
0x17: {  	s4 =	simm.s32 $0x1BF5;
	[smem:$0x3FB6] =	sst s0  }
0x18: {  	s0 =	sld [smem:$0x3F99];
	_ =	swait.ge [sflag:s4], $0x0  }
0x19: {  	s7 =	sld [smem:$0x3F9A]  }
0x1a: {  	s8 =	sadd.s32 $0xFFFFE003, lr  }
0x1b: {  	s9 =	sadd.s32 $0xFFFFFEF7, lr;
	s5 =	simm.s32 $0xFFFFFFFF;
	p2 =	slt.u32 s8, $0xFFFFF086  }
0x1c: {  	p1 =	slt.u32 s9, $0xF7A;
	s5 =	simm.s32 @!p2 $0x0  }
0x1d: {  	s5 =	simm.s32 @p1 $0x1;
	p0 =	seq.s32 s7, s2  }
0x1e: {  	s7 =	smul.u32 @!p0 $0xF7A, s2;
	p2 =	seq.s32 @!p0 s5, $0x0  }
0x1f: {  	s9 =	smul.u32 $0xF7A, s1;
	s8 =	simm.s32 @!p0 $0x1BF5;
	p2 =	por !p2, p0  }
0x20: {  	[sflag:s8] =	ssyncset.s32 @!p0 $0xFFFFF086;
	s6 =	sadd.s32 @!p0 s3, s7;
	s7 =	simm.s32 @!p0 $0x108  }
0x21: {  	s3 =	sadd.s32 s3, s9;
	s6 =	sadd.s32 @!p0 $0x88, s6;
	s7 =	simm.s32 @p2 $0x1082  }
0x22: {  	[simem:s7], [sflag:s8] =	dma.local @!p0 [hbm:s6], $0xF7A  }
0x23: {  	s9 =	sor.u32 $0xD0000000, s2;
	s6 =	simm.s32 $0x108;
	_ =	swait.ge @!p0 [sflag:s8], $0x0  }
0x24: {  	s3 =	sadd.s32 $0x88, s3;
	s6 =	simm.s32 @!p1 $0x1082;
	[sflag:s4] =	ssyncset.s32 $0xFFFFF086  }
0x25: {  	[simem:s6], [sflag:s4] =	dma.local [hbm:s3], $0xF7A  }
0x26: {  	[smem:$0x3F9A] =	sst s1;
	(tag) =	ssettag s2;
	_ =	strace s9  }
0x27: {  	s1 =	sld [smem:$0x3FAA]  }
0x28: {  	s2 =	sld [smem:$0x3FAB]  }
0x29: {  	s4 =	sld [smem:$0x3FAD]  }
0x2a: {  	p0 =	seq.s32 s5, $0x0;
	s5 =	sld [smem:$0x3FAE]  }
0x2b: {  	s6 =	sld [smem:$0x3FAF]  }
0x2c: {  	s7 =	sld [smem:$0x3FB0]  }
0x2d: {  	s3 =	simm.s32 $0x108;
	s8 =	sld [smem:$0x3FB1]  }
0x2e: {  	s3 =	simm.s32 @!p0 $0x1082;
	s9 =	sld [smem:$0x3FB2]  }
0x2f: {  	lr =	sadd.s32 s0, s3;
	s0 =	sld [smem:$0x3FA9]  }
0x30: {  	s3 =	sld [smem:$0x3FAC]  }
0x31: {  	[smem:$0x3FB5] =	sst s10  }
0x32: {  	s10 =	sld [smem:$0x3FB3];
	_ =	sdelay $0x3  }
0x33: {  	p0 =	seq.s32 s10, $0x1;
	s10 =	sld [smem:$0x3FB5];
	_ =	sdelay $0x3  }
0x34: {  	[smem:$0x3FB5] =	sst s10  }
0x35: {  	s10 =	sld [smem:$0x3FB4];
	_ =	sdelay $0x3  }
0x36: {  	p1 =	seq.s32 s10, $0x1;
	s10 =	sld [smem:$0x3FB5];
	_ =	sdelay $0x3  }
0x37: {  	[smem:$0x3FB5] =	sst s10  }
0x38: {  	s10 =	sld [smem:$0x3FB6]  }
0x39: {  	_ = 	snop;
	(pc) =	sbr.ind lr, $3  }
0x3a: {  	_ = 	snop  }
0x3b: {  	_ = 	snop  }
0x3c: {  	p2 =	seq.s32 s10, $0x1;
	s10 =	sld [smem:$0x3FB5]  }
0x3d: {  	_ =	shalt  }
0x3e: {  	_ =	shalt  }
0x3f: {  	_ =	shalt  }
0x40: {  	_ =	shalt  }
0x41: {  	_ =	shalt  }
0x42: {  	_ =	shalt  }
0x43: {  	_ =	shalt  }
0x44: {  	_ =	shalt  }
0x45: {  	_ =	shalt  }
0x46: {  	_ =	shalt  }
0x47: {  	_ =	shalt  }
0x48: {  	_ =	shalt  }
0x49: {  	_ =	shalt  }
0x4a: {  	_ =	shalt  }
0x4b: {  	_ =	shalt  }
0x4c: {  	_ =	shalt  }
0x4d: {  	_ =	shalt  }
0x4e: {  	_ =	shalt  }
0x4f: {  	_ =	shalt  }
0x50: {  	_ =	shalt  }
0x51: {  	_ =	shalt  }
0x52: {  	_ =	shalt  }
0x53: {  	_ =	shalt  }
0x54: {  	_ =	shalt  }
0x55: {  	_ =	shalt  }
0x56: {  	_ =	shalt  }
0x57: {  	_ =	shalt  }
0x58: {  	_ =	shalt  }
0x59: {  	_ =	shalt  }
0x5a: {  	_ =	shalt  }
0x5b: {  	_ =	shalt  }
0x5c: {  	_ =	shalt  }
0x5d: {  	_ =	shalt  }
0x5e: {  	_ =	shalt  }
0x5f: {  	_ =	shalt  }
0x60: {  	_ =	shalt  }
0x61: {  	_ =	shalt  }
0x62: {  	_ =	shalt  }
0x63: {  	_ =	shalt  }
0x64: {  	_ =	shalt  }
0x65: {  	_ =	shalt  }
0x66: {  	_ =	shalt  }
0x67: {  	_ =	shalt  }
0x68: {  	_ =	shalt  }
0x69: {  	_ =	shalt  }
0x6a: {  	_ =	shalt  }
0x6b: {  	_ =	shalt  }
0x6c: {  	_ =	shalt  }
0x6d: {  	_ =	shalt  }
0x6e: {  	_ =	shalt  }
0x6f: {  	_ =	shalt  }
0x70: {  	_ =	shalt  }
0x71: {  	_ =	shalt  }
0x72: {  	_ =	shalt  }
0x73: {  	_ =	shalt  }
0x74: {  	_ =	shalt  }
0x75: {  	_ =	shalt  }
0x76: {  	_ =	shalt  }
0x77: {  	_ =	shalt  }
0x78: {  	_ =	shalt  }
0x79: {  	_ =	shalt  }
0x7a: {  	_ =	shalt  }
0x7b: {  	_ =	shalt  }
0x7c: {  	_ =	shalt  }
0x7d: {  	_ =	shalt  }
0x7e: {  	_ =	shalt  }
0x7f: {  	_ =	shalt  }
0x80: {  	_ =	shalt  }
0x81: {  	_ =	shalt  }
0x82: {  	_ =	shalt  }
0x83: {  	_ =	shalt  }
0x84: {  	_ =	shalt  }
0x85: {  	_ =	shalt  }
0x86: {  	_ =	shalt  }
0x87: {  	_ =	shalt  }
.Lfunc_end0:
.L_simem_size_0:
called_computation_lowered:
.L_overlay_start_0:
0x88: {  	s2 =	sld [smem:$0x3FD9]  }
0x89: {  	s3 =	sld [smem:$0x3FFE];
	_ =	sdelay $0x1  }
0x8a: {  	s1 =	srdreg.scid  }
0x8b: {  	s0 =	sand.u32 $0x1, s1  }
0x8c: {  	s17 =	sshll.u32 s0, $0xA;
	s2 =	sadd.s32 s3, s2  }
0x8d: {  	s2 =	sadd.s32 s2, s17  }
0x8e: {  	[smem:$0x3FC1] =	sst s2  }
0x8f: {  	_ = 	snop  }
0x90: {  	s2 =	sld [smem:$0x3FC9]  }
0x91: {  	s18 =	sld [smem:$0x3FC8]  }
0x92: {  	s4 =	sld [smem:$0x3FD0];
	(tm) =	ssettm $0x1  }
0x93: {  	s5 =	sld [smem:$0x3FFB];
	_ =	sdelay $0x3  }
0x94: {  	_ =	strace s5  }
0x95: {  	s5 =	sld [smem:$0x3FFC];
	_ =	sdelay $0x3  }
0x96: {  	_ =	strace s5  }
0x97: {  	s5 =	sld [smem:$0x3FFD];
	_ =	sdelay $0x3  }
0x98: {  	_ =	strace s5  }
0x99: {  	_ =	strace $0x8FFFFFFF  }
0x9a: {  	s19 =	sld [smem:$0x3FDB];
	_ =	sdelay $0x1  }
0x9b: {  	s6 =	simm.s32 $_scs_section_size  }
0x9c: {  	s7 =	simm.s32 $_size__tile_overlayer_lowered;
	s8 =	simm.s32 $_tile_overlayer_lowered  }
0x9d: {  	s22 =	simm.s32 $0x1BFF;
	s21 =	sshll.u32 s8, $0x1;
	s5 =	sadd.s32 s6, s19  }
0x9e: {  	s9 =	simm.s32 $0x0;
	s20 =	sshll.u32 s7, $0x1;
	s7 =	sadd.s32 s21, s5  }
0x9f: {  	[timem:s9], [sflag:s22] =	dma.local [hbm:s7], s20  }
0xa0: {  	_ =	swait.ge [sflag:s22], s20  }
0xa1: {  	s6 =	ssub.s32 $0x0, s20;
	[sflag:s22] =	ssyncset.done $0x0  }
0xa2: {  	[sflag:s22] =	ssyncadd.s32 s6;
	_ =	sdelay $0x1  }
0xa3: {  	s23 =	simm.s32 $0x1B8B  }
0xa4: {  	_ =	swait.ge [sflag:s23], $0x1  }
0xa5: {  	[sflag:s23] =	ssyncset.done $0x0  }
0xa6: {  	s25 =	simm.s32 $0x1B8E;
	s24 =	sld [smem:$0x3FFE];
	[sflag:s23] =	ssyncadd.s32 $0xFFFFFFFF  }
0xa7: {  	s26 =	simm.s32 $execute0_lowered;
	[smem:$0x3FD2] =	sst s25  }
0xa8: {  	s7 =	sshll.u32 s26, $0x1;
	_ =	strace $0x80000046;
	[dreg:$0x1] =	wrdreg $0xFFFFFFFF  }
0xa9: {  	s28 =	simm.s32 $_size_execute0_lowered;
	s5 =	sadd.s32 s5, s7;
	[dreg:$0x0] =	wrdreg $0x0  }
0xaa: {  	s7 =	sshll.u32 s28, $0x1;
	[dreg:$0x2] =	wrdreg s5  }
0xab: {  	[dreg:$0x3] =	wrdreg s7  }
0xac: {  	[dreg:$0x4] =	wrdreg $0xC0  }
0xad: {  	_ =	task [dreg:s9], $0x5FFFF  }
0xae: {  	[dreg:$0x1] =	wrdreg $0xFFFFFFFF  }
0xaf: {  	[dreg:$0x0] =	wrdreg $0x60  }
0xb0: {  	[dreg:$0x2] =	wrdreg s2  }
0xb1: {  	[dreg:$0x3] =	wrdreg s18  }
0xb2: {  	[dreg:$0x4] =	wrdreg s24  }
0xb3: {  	[dreg:$0x5] =	wrdreg s4  }
0xb4: {  	[dreg:$0x6] =	wrdreg $0x9  }
0xb5: {  	_ =	task.clear_ibuf [dreg:s9], $0x7FFFF;
	_ =	strace $0x90000046  }
0xb6: {  	s29 =	simm.s32 $0x9;
	_ =	strace $0x80000048  }
0xb7: {  	_ =	swait.ge [sflag:s29], $0x1  }
0xb8: {  	[sflag:s29] =	ssyncadd.s32 $0xFFFFFFFF  }
0xb9: {  	_ =	strace $0x90000048  }
0xba: {  	_ =	sfence  }
0xbb: {  	s30 =	sld [smem:$0x0];
	_ =	sdelay $0x2  }
0xbc: {  	s31 =	sshll.u32 s1, $0xD;
	s1 =	sshrl.u32 s1, $0x2  }
0xbd: {  	s3 =	sand.u32 $0x4000, s31;
	s1 =	sadd.s32 s1, s30  }
0xbe: {  	s0 =	sor.u32 s3, s0;
	s1 =	sshll.u32 s1, $0x11  }
0xbf: {  	s0 =	sor.u32 s1, s0  }
0xc0: {  	s0 =	sadd.s32 $0x8F2B, s0  }
0xc1: {  	[sflag:s0] =	ssyncadd.remote.s32 $0x1  }
0xc2: {  	_ =	sfence.sel $0xFFFF  }
0xc3: {  	[dreg:$0x0] =	wrdreg $0xFFFFFFFF;
	(pc) =	sbr.abs _section_cstart, $3  }
0xc4: {  	[dreg:$0x1] =	wrdreg $0xFFFFFFFF  }
0xc5: {  	_ =	task.clear_ibuf [dreg:s9], $0x2FFFF;
	_ =	strace $0x9FFFFFFF  }
0xc6: {  	(tm) =	ssettm $0x7FFFFFFF  }
0xc7: {  	_ =	shalt  }
tec
execute0_lowered:
.L_overlay_start_1:
0x0: {  	(tag) =	ssettag $0x1  }
0x1: {  	s4 =	rddreg [dreg:$0x0]  }
0x2: {  	s5 =	rddreg [dreg:$0x1]  }
0x3: {  	s2 =	rddreg [dreg:$0x2]  }
0x4: {  	s6 =	rddreg [dreg:$0x3]  }
0x5: {  	s0 =	rddreg [dreg:$0x4];
	s1 =	simm.s32 $0x0  }
0x6: {  	[smem:$0x7FF] =	sst s1;
	s3 =	sadd.s32 $0x3D600, s2  }
0x7: {  	s25 =	sadd.s32 $0x1EC00, s2;
	_ =	strace $0x80000047;
	[dreg:$0x5] =	wrdreg s3  }
0x8: {  	s26 =	sadd.s32 $0xF7FA00, s2;
	[dreg:$0x6] =	wrdreg s25  }
0x9: {  	s28 =	sadd.s32 $0x200, s2;
	[dreg:$0x7] =	wrdreg s26  }
0xa: {  	s29 =	simm.s32 $0x800;
	[dreg:$0x8] =	wrdreg s28  }
0xb: {  	s30 =	simm.s32 $0x4800;
	[dreg:$0x9] =	wrdreg s29  }
0xc: {  	s31 =	simm.s32 $0xC00;
	[dreg:$0xa] =	wrdreg s30  }
0xd: {  	s7 =	simm.s32 $0x4C00;
	[dreg:$0xb] =	wrdreg s31  }
0xe: {  	s8 =	simm.s32 $0x1000;
	[dreg:$0xc] =	wrdreg s7  }
0xf: {  	s9 =	simm.s32 $0x5000;
	[dreg:$0xd] =	wrdreg s8  }
0x10: {  	s10 =	simm.s32 $0x1400;
	[dreg:$0xe] =	wrdreg s9  }
0x11: {  	s11 =	simm.s32 $0x5400;
	[dreg:$0xf] =	wrdreg s10  }
0x12: {  	s12 =	simm.s32 $0x1800;
	[dreg:$0x10] =	wrdreg s11  }
0x13: {  	s13 =	simm.s32 $0x5800;
	[dreg:$0x11] =	wrdreg s12  }
0x14: {  	v0 =	vlaneseq.u32;
	s14 =	simm.s32 $0x1C00;
	[dreg:$0x12] =	wrdreg s13  }
0x15: {  	s15 =	simm.s32 $0x5C00;
	v0 =	vmul.u32 $0x400, v0;
	[dreg:$0x13] =	wrdreg s14  }
0x16: {  	s16 =	simm.s32 $0x6000;
	[dreg:$0x14] =	wrdreg s15  }
0x17: {  	vm0 =	vmmov $0xffff;
	s17 =	simm.s32 $0x2400;
	[dreg:$0x16] =	wrdreg s16;
	v1 =	vor.u32 $0x1, v0;
	[tilespmem:$0x1FFF0] =	vst v0  }
0x18: {  	s18 =	simm.s32 $0x6400;
	[dreg:$0x17] =	wrdreg s17;
	v45 =	vor.u32 $0x2, v0;
	v46 =	vor.u32 $0x3, v0;
	v47 =	vor.u32 $0x4, v0;
	[tilespmem:$0x1FEB0] =	vst v1  }
0x19: {  	s19 =	simm.s32 $0x2800;
	[dreg:$0x18] =	wrdreg s18;
	v48 =	vor.u32 $0x5, v0;
	v49 =	vor.u32 $0x6, v0;
	v50 =	vor.u32 $0x7, v0;
	[tilespmem:$0x1FEC0] =	vst v45  }
0x1a: {  	s20 =	simm.s32 $0x6800;
	s22 =	simm.s32 $0x2C00;
	[dreg:$0x19] =	wrdreg s19;
	v51 =	vor.u32 $0x8, v0;
	v52 =	vor.u32 $0x9, v0;
	v53 =	vor.u32 $0xA, v0;
	[tilespmem:$0x1FED0] =	vst v46  }
0x1b: {  	s23 =	simm.s32 $0x6C00;
	s24 =	simm.s32 $0x3000;
	[dreg:$0x1a] =	wrdreg s20;
	v54 =	vor.u32 $0xB, v0;
	v55 =	vor.u32 $0xC, v0;
	v56 =	vor.u32 $0xD, v0;
	[tilespmem:$0x1FEE0] =	vst v47  }
0x1c: {  	s2 =	sadd.s32 $0x1EC1E00, s2;
	[dreg:$0x1b] =	wrdreg s22;
	v57 =	vor.u32 $0xE, v0;
	v58 =	vor.u32 $0xF, v0;
	v59 =	vor.u32 $0x10, v0;
	[tilespmem:$0x1FEF0] =	vst v48  }
0x1d: {  	s7 =	srdreg.scid;
	s8 =	simm.s32 $0x2000;
	[dreg:$0x1c] =	wrdreg s23;
	v60 =	vor.u32 $0x11, v0;
	v61 =	vor.u32 $0x12, v0;
	v62 =	vor.u32 $0x13, v0;
	[tilespmem:$0x1FF00] =	vst v49  }
0x1e: {  	[dreg:$0x1d] =	wrdreg s24;
	s25 =	simm.s32 $0x7000;
	s26 =	simm.s32 $0x3400;
	v63 =	vor.u32 $0x14, v0;
	v22 =	vor.u32 $0x15, v0;
	v23 =	vor.u32 $0x16, v0;
	[tilespmem:$0x1FF10] =	vst v50  }
0x1f: {  	s28 =	simm.s32 $0x7400;
	s29 =	simm.s32 $0x3800;
	[dreg:$0x15] =	wrdreg s8;
	v24 =	vor.u32 $0x17, v0;
	v25 =	vor.u32 $0x18, v0;
	v26 =	vor.u32 $0x19, v0;
	[tilespmem:$0x1FF20] =	vst v51  }
0x20: {  	s30 =	simm.s32 $0x7800;
	s11 =	simm.s32 $0x3C00;
	v27 =	vor.u32 $0x1A, v0;
	v28 =	vor.u32 $0x1B, v0;
	v29 =	vor.u32 $0x1C, v0;
	[dreg:$0x1e] =	wrdreg s25;
	[tilespmem:$0x1FF30] =	vst v52  }
0x21: {  	s12 =	simm.s32 $0x7C00;
	s13 =	simm.s32 $0x4000;
	v30 =	vor.u32 $0x1D, v0;
	v31 =	vor.u32 $0x1E, v0;
	v32 =	vor.u32 $0x1F, v0;
	[dreg:$0x1f] =	wrdreg s26;
	[tilespmem:$0x1FF40] =	vst v53  }
0x22: {  	s3 =	stileid.u32;
	s31 =	simm.s32 $0x8000;
	v33 =	vor.u32 $0x20, v0;
	v34 =	vor.u32 $0x21, v0;
	v35 =	vor.u32 $0x22, v0;
	[smem:$0x7F7] =	sst s28;
	[tilespmem:$0x1FF50] =	vst v54  }
0x23: {  	s14 =	simm.s32 $0x8C00;
	s15 =	simm.s32 $0x1;
	v36 =	vor.u32 $0x23, v0;
	v37 =	vor.u32 $0x24, v0;
	v38 =	vor.u32 $0x25, v0;
	[smem:$0x7F8] =	sst s29;
	[tilespmem:$0x1FF60] =	vst v55  }
0x24: {  	s16 =	simm.s32 $0x9400;
	s17 =	simm.s32 $0x0;
	v39 =	vor.u32 $0x26, v0;
	v40 =	vor.u32 $0x27, v0;
	v41 =	vor.u32 $0x28, v0;
	[smem:$0x7F9] =	sst s30;
	[tilespmem:$0x1FF70] =	vst v56  }
0x25: {  	s7 =	sand.u32 $0x1, s7;
	s21 =	sshll.u32 s3, $0x7;
	v42 =	vor.u32 $0x29, v0;
	v43 =	vor.u32 $0x2A, v0;
	v44 =	vor.u32 $0x2B, v0;
	[smem:$0x7FA] =	sst s11;
	[tilespmem:$0x1FF80] =	vst v57  }
0x26: {  	s8 =	simm.s32 $0x2;
	s11 =	simm.s32 $0x400;
	[smem:$0x7FB] =	sst s12;
	[tilespmem:$0x1FF90] =	vst v58;
	v45 =	vor.u32 $0x2C, v0;
	v46 =	vor.u32 $0x2D, v0;
	v47 =	vor.u32 $0x2E, v0  }
0x27: {  	s12 =	simm.s32 $0x4400;
	[smem:$0x7FC] =	sst s13;
	s9 =	ssub.s32 $0x2, s7;
	[tilespmem:$0x1FFA0] =	vst v59;
	v48 =	vor.u32 $0x2F, v0;
	v49 =	vor.u32 $0x30, v0;
	v50 =	vor.u32 $0x31, v0  }
0x28: {  	[smem:$0x7FD] =	sst s31;
	[tilespmem:$0x1FFB0] =	vst v60;
	s7 =	sshll.u32 s7, $0x6;
	v51 =	vor.u32 $0x32, v0;
	v52 =	vor.u32 $0x33, v0;
	v53 =	vor.u32 $0x34, v0;
	s10 =	sshrl.u32 s9, $0x1  }
0x29: {  	s13 =	simm.s32 $0x8400;
	[tilespmem:$0x1FFC0] =	vst v61;
	v54 =	vor.u32 $0x35, v0;
	v55 =	vor.u32 $0x36, v0;
	v56 =	vor.u32 $0x37, v0;
	s7 =	sor.u32 s7, s21;
	s9 =	ssub.s32 s9, s10  }
0x2a: {  	[tilespmem:$0x1FFD0] =	vst v62;
	v57 =	vor.u32 $0x38, v0;
	v58 =	vor.u32 $0x39, v0;
	v59 =	vor.u32 $0x3A, v0;
	s4 =	sadd.s32 s4, s7;
	s5 =	sadd.s32 s5, s7;
	s6 =	sadd.s32 s6, s7  }
0x2b: {  	[tilespmem:$0x1FFE0] =	vst v63;
	v60 =	vor.u32 $0x3B, v0;
	v61 =	vor.u32 $0x3C, v0;
	v62 =	vor.u32 $0x3D, v0;
	s10 =	simm.s32 $0x9600;
	s7 =	smax.u32 s9, $0x1;
	s9 =	simm.s32 $0x200  }
.LBB2_1:
0x2c: {  	[tilespmem:s1], [sflag:$0x2] =	stream.linear.gather [hbm4b:s4+s1], $0x200, $0x38;
	[tilespmem:$0x9680] =	vst v63  }
0x2d: {  	_ =	swait.ge [sflag:s8], $0x200  }
0x2e: {  	[sflag:s8] =	ssyncset.done $0x0  }
0x2f: {  	[sflag:s8] =	ssyncadd.s32 $0xFFFFFE00  }
0x30: {  	[tilespmem:s9], [sflag:$0x2] =	stream.linear.gather [hbm4b:s5+s1], $0x200, $0x38;
	[tilespmem:$0x9680] =	vst v63  }
0x31: {  	_ =	swait.ge [sflag:s8], $0x200  }
0x32: {  	[sflag:s8] =	ssyncset.done $0x0  }
0x33: {  	[sflag:s8] =	ssyncadd.s32 $0xFFFFFE00  }
0x34: {  	[tilespmem:s10], [sflag:$0x2] =	stream.linear.gather [hbm4b:s2+s1], $0x80, $0x38;
	[tilespmem:$0x9680] =	vst v63  }
0x35: {  	_ =	swait.ge [sflag:s8], $0x80  }
0x36: {  	[sflag:s8] =	ssyncset.done $0x0  }
0x37: {  	s18 =	simm.s32 $0x0;
	[sflag:s8] =	ssyncadd.s32 $0xFFFFFF80  }
0x38: {  	v14 =	vld [tilespmem:s18+$0x0];
	_ =	sdelay $0x1  }
0x39: {  	v13 =	vld [tilespmem:s18+$0x200];
	_ =	sdelay $0x2  }
0x3a: {  	v0 =	vand.u32 $0xFFFFFFF8, v14  }
0x3b: {  	s19 =	rddreg [dreg:$0x5];
	v0 =	vshll.u32 v0, $0x4  }
0x3c: {  	v1 =	vand.u32 $0xFFFFFFF8, v13;
	v0 =	vadd.s32 s19, v0  }
0x3d: {  	s20 =	rddreg [dreg:$0x7];
	v1 =	vshll.u32 v1, $0x4;
	(v2sf) =	vpush v0, $0x0  }
0x3e: {  	v1 =	vadd.s32 s20, v1  }
0x3f: {  	(v2sf) =	vpush v1, $0x0;
	_ =	sdelay $0x1  }
0x40: {  	(v2sf) =	vpush v0, $0x1;
	_ =	sdelay $0x1  }
0x41: {  	(v2sf) =	vpush v1, $0x1;
	_ =	sdelay $0x1  }
0x42: {  	(v2sf) =	vpush v0, $0x2;
	_ =	sdelay $0x1  }
0x43: {  	(v2sf) =	vpush v1, $0x2;
	_ =	sdelay $0x1  }
0x44: {  	(v2sf) =	vpush v0, $0x3;
	_ =	sdelay $0x1  }
0x45: {  	(v2sf) =	vpush v1, $0x3  }
0x46: {  	s30 =	spop (v2sf)  }
0x47: {  	v2 =	vld [tilespmem:$0x9600];
	(v2sf) =	vpush v0, $0x4;
	[tilespmem:s11], [sflag:$0x1] =	stream.linear.gather [hbm4b:s30+s1], $0x400, $0x38  }
0x48: {  	s31 =	rddreg [dreg:$0x9];
	s22 =	spop (v2sf)  }
0x49: {  	(v2sf) =	vpush v1, $0x4;
	[tilespmem:s12], [sflag:$0x1] =	stream.linear.gather [hbm4b:s22+s1], $0x400, $0x38;
	[tilespmem:$0x9680] =	vst v63  }
0x4a: {  	s23 =	rddreg [dreg:$0xa];
	s21 =	spop (v2sf)  }
0x4b: {  	(v2sf) =	vpush v0, $0x5;
	[tilespmem:s31], [sflag:$0x1] =	stream.linear.gather [hbm4b:s21+s1], $0x400, $0x38;
	[tilespmem:$0x9680] =	vst v63  }
0x4c: {  	s24 =	rddreg [dreg:$0xb];
	s25 =	spop (v2sf)  }
0x4d: {  	(v2sf) =	vpush v1, $0x5;
	[tilespmem:s23], [sflag:$0x1] =	stream.linear.gather [hbm4b:s25+s1], $0x400, $0x38;
	[tilespmem:$0x9680] =	vst v63  }
0x4e: {  	s26 =	rddreg [dreg:$0xc];
	s28 =	spop (v2sf)  }
0x4f: {  	(v2sf) =	vpush v0, $0x6;
	[tilespmem:s24], [sflag:$0x1] =	stream.linear.gather [hbm4b:s28+s1], $0x400, $0x38;
	[tilespmem:$0x9680] =	vst v63  }
0x50: {  	s29 =	rddreg [dreg:$0xd];
	s30 =	spop (v2sf)  }
0x51: {  	(v2sf) =	vpush v1, $0x6;
	[tilespmem:s26], [sflag:$0x1] =	stream.linear.gather [hbm4b:s30+s1], $0x400, $0x38;
	[tilespmem:$0x9680] =	vst v63  }
0x52: {  	s31 =	rddreg [dreg:$0xe];
	s22 =	spop (v2sf)  }
0x53: {  	(v2sf) =	vpush v0, $0x7;
	[tilespmem:s29], [sflag:$0x1] =	stream.linear.gather [hbm4b:s22+s1], $0x400, $0x38;
	[tilespmem:$0x9680] =	vst v63  }
0x54: {  	s23 =	rddreg [dreg:$0xf];
	s24 =	spop (v2sf)  }
0x55: {  	(v2sf) =	vpush v1, $0x7;
	[tilespmem:s31], [sflag:$0x1] =	stream.linear.gather [hbm4b:s24+s1], $0x400, $0x38;
	[tilespmem:$0x9680] =	vst v63  }
0x56: {  	s25 =	rddreg [dreg:$0x10];
	s26 =	spop (v2sf)  }
0x57: {  	(v2sf) =	vpush v0, $0x8;
	[tilespmem:s23], [sflag:$0x1] =	stream.linear.gather [hbm4b:s26+s1], $0x400, $0x38;
	[tilespmem:$0x9680] =	vst v63  }
0x58: {  	s28 =	rddreg [dreg:$0x11];
	s29 =	spop (v2sf)  }
0x59: {  	(v2sf) =	vpush v1, $0x8;
	[tilespmem:s25], [sflag:$0x1] =	stream.linear.gather [hbm4b:s29+s1], $0x400, $0x38;
	[tilespmem:$0x9680] =	vst v63  }
0x5a: {  	s30 =	rddreg [dreg:$0x12];
	s31 =	spop (v2sf)  }
0x5b: {  	(v2sf) =	vpush v0, $0x9;
	[tilespmem:s28], [sflag:$0x1] =	stream.linear.gather [hbm4b:s31+s1], $0x400, $0x38;
	[tilespmem:$0x9680] =	vst v63  }
0x5c: {  	s22 =	rddreg [dreg:$0x13];
	s23 =	spop (v2sf)  }
0x5d: {  	(v2sf) =	vpush v1, $0x9;
	[tilespmem:s30], [sflag:$0x1] =	stream.linear.gather [hbm4b:s23+s1], $0x400, $0x38;
	[tilespmem:$0x9680] =	vst v63  }
0x5e: {  	s24 =	rddreg [dreg:$0x14];
	s25 =	spop (v2sf)  }
0x5f: {  	(v2sf) =	vpush v0, $0xA;
	[tilespmem:s22], [sflag:$0x1] =	stream.linear.gather [hbm4b:s25+s1], $0x400, $0x38;
	[tilespmem:$0x9680] =	vst v63  }
0x60: {  	s26 =	rddreg [dreg:$0x15];
	s28 =	spop (v2sf)  }
0x61: {  	(v2sf) =	vpush v1, $0xA;
	[tilespmem:s24], [sflag:$0x1] =	stream.linear.gather [hbm4b:s28+s1], $0x400, $0x38;
	[tilespmem:$0x9680] =	vst v63  }
0x62: {  	s29 =	rddreg [dreg:$0x16];
	s30 =	spop (v2sf)  }
0x63: {  	(v2sf) =	vpush v0, $0xB;
	[tilespmem:s26], [sflag:$0x1] =	stream.linear.gather [hbm4b:s30+s1], $0x400, $0x38;
	[tilespmem:$0x9680] =	vst v63  }
0x64: {  	s31 =	rddreg [dreg:$0x17];
	s22 =	spop (v2sf)  }
0x65: {  	(v2sf) =	vpush v1, $0xB;
	[tilespmem:s29], [sflag:$0x1] =	stream.linear.gather [hbm4b:s22+s1], $0x400, $0x38;
	[tilespmem:$0x9680] =	vst v63  }
0x66: {  	s23 =	rddreg [dreg:$0x18];
	s24 =	spop (v2sf)  }
0x67: {  	(v2sf) =	vpush v0, $0xC;
	[tilespmem:s31], [sflag:$0x1] =	stream.linear.gather [hbm4b:s24+s1], $0x400, $0x38;
	[tilespmem:$0x9680] =	vst v63  }
0x68: {  	s25 =	rddreg [dreg:$0x19];
	s26 =	spop (v2sf)  }
0x69: {  	(v2sf) =	vpush v1, $0xC;
	[tilespmem:s23], [sflag:$0x1] =	stream.linear.gather [hbm4b:s26+s1], $0x400, $0x38;
	[tilespmem:$0x9680] =	vst v63  }
0x6a: {  	s28 =	rddreg [dreg:$0x1a];
	s29 =	spop (v2sf)  }
0x6b: {  	(v2sf) =	vpush v0, $0xD;
	[tilespmem:s25], [sflag:$0x1] =	stream.linear.gather [hbm4b:s29+s1], $0x400, $0x38;
	[tilespmem:$0x9680] =	vst v63  }
0x6c: {  	s30 =	rddreg [dreg:$0x1b];
	s31 =	spop (v2sf)  }
0x6d: {  	(v2sf) =	vpush v1, $0xD;
	[tilespmem:s28], [sflag:$0x1] =	stream.linear.gather [hbm4b:s31+s1], $0x400, $0x38;
	[tilespmem:$0x9680] =	vst v63  }
0x6e: {  	s22 =	rddreg [dreg:$0x1c];
	s23 =	spop (v2sf)  }
0x6f: {  	(v2sf) =	vpush v0, $0xE;
	[tilespmem:s30], [sflag:$0x1] =	stream.linear.gather [hbm4b:s23+s1], $0x400, $0x38;
	[tilespmem:$0x9680] =	vst v63  }
0x70: {  	s24 =	rddreg [dreg:$0x1d];
	s25 =	spop (v2sf)  }
0x71: {  	(v2sf) =	vpush v1, $0xE;
	[tilespmem:s22], [sflag:$0x1] =	stream.linear.gather [hbm4b:s25+s1], $0x400, $0x38;
	[tilespmem:$0x9680] =	vst v63  }
0x72: {  	s26 =	rddreg [dreg:$0x1e];
	s28 =	spop (v2sf)  }
0x73: {  	(v2sf) =	vpush v0, $0xF;
	[tilespmem:s24], [sflag:$0x1] =	stream.linear.gather [hbm4b:s28+s1], $0x400, $0x38;
	[tilespmem:$0x9680] =	vst v63  }
0x74: {  	s29 =	rddreg [dreg:$0x1f];
	s30 =	spop (v2sf)  }
0x75: {  	(v2sf) =	vpush v1, $0xF;
	[tilespmem:s26], [sflag:$0x1] =	stream.linear.gather [hbm4b:s30+s1], $0x400, $0x38;
	[tilespmem:$0x9680] =	vst v63  }
0x76: {  	s31 =	sld [smem:$0x7F7];
	s22 =	spop (v2sf)  }
0x77: {  	[tilespmem:s29], [sflag:$0x1] =	stream.linear.gather [hbm4b:s22+s1], $0x400, $0x38;
	[tilespmem:$0x9680] =	vst v63  }
0x78: {  	s23 =	sld [smem:$0x7F8];
	s24 =	spop (v2sf)  }
0x79: {  	[tilespmem:s31], [sflag:$0x1] =	stream.linear.gather [hbm4b:s24+s1], $0x400, $0x38;
	[tilespmem:$0x9680] =	vst v63  }
0x7a: {  	s25 =	sld [smem:$0x7F9];
	s26 =	spop (v2sf)  }
0x7b: {  	[tilespmem:s23], [sflag:$0x1] =	stream.linear.gather [hbm4b:s26+s1], $0x400, $0x38;
	[tilespmem:$0x9680] =	vst v63  }
0x7c: {  	s28 =	sld [smem:$0x7FA];
	s29 =	spop (v2sf)  }
0x7d: {  	[tilespmem:s25], [sflag:$0x1] =	stream.linear.gather [hbm4b:s29+s1], $0x400, $0x38;
	[tilespmem:$0x9680] =	vst v63  }
0x7e: {  	s30 =	sld [smem:$0x7FB];
	s31 =	spop (v2sf)  }
0x7f: {  	[tilespmem:s28], [sflag:$0x1] =	stream.linear.gather [hbm4b:s31+s1], $0x400, $0x38;
	[tilespmem:$0x9680] =	vst v63  }
0x80: {  	s22 =	sld [smem:$0x7FC];
	s23 =	spop (v2sf)  }
0x81: {  	[tilespmem:s30], [sflag:$0x1] =	stream.linear.gather [hbm4b:s23+s1], $0x400, $0x38;
	[tilespmem:$0x9680] =	vst v63  }
0x82: {  	v0 =	vshrl.u32 v14, $0x7;
	s24 =	sld [smem:$0x7FD];
	s25 =	spop (v2sf)  }
0x83: {  	[tilespmem:s22], [sflag:$0x1] =	stream.linear.gather [hbm4b:s25+s1], $0x400, $0x38;
	[tilespmem:$0x9680] =	vst v63  }
0x84: {  	v1 =	vshrl.u32 v13, $0x7;
	s28 =	spop (v2sf)  }
0x85: {  	[tilespmem:s24], [sflag:$0x1] =	stream.linear.gather [hbm4b:s28+s1], $0x400, $0x38;
	[tilespmem:$0x9680] =	vst v63  }
0x86: {  	s26 =	rddreg [dreg:$0x6]  }
0x87: {  	[tilespmem:s13], [sflag:$0x1] =	stream.indirect_vreg.gather [hbm4b:s26+s1], $0x80, v0, vm0, $0xb8;
	[tilespmem:$0x9680] =	vst v63  }
0x88: {  	[tilespmem:$0x1FEA0] =	vst v2;
	s29 =	rddreg [dreg:$0x8]  }
0x89: {  	[tilespmem:s14], [sflag:$0x1] =	stream.indirect_vreg.gather [hbm4b:s29+s1], $0x80, v1, vm0, $0xb8;
	[tilespmem:$0x9680] =	vst v63  }
0x8a: {  	_ =	swait.ge [sflag:s15], $0x400  }
0x8b: {  	[sflag:s15] =	ssyncset.done $0x0  }
0x8c: {  	[sflag:s15] =	ssyncadd.s32 $0xFFFFFC00  }
0x8d: {  	_ =	swait.ge [sflag:s15], $0x400  }
0x8e: {  	[sflag:s15] =	ssyncset.done $0x0  }
0x8f: {  	[sflag:s15] =	ssyncadd.s32 $0xFFFFFC00  }
0x90: {  	_ =	swait.ge [sflag:s15], $0x400  }
0x91: {  	[sflag:s15] =	ssyncset.done $0x0  }
0x92: {  	[sflag:s15] =	ssyncadd.s32 $0xFFFFFC00  }
0x93: {  	_ =	swait.ge [sflag:s15], $0x400  }
0x94: {  	[sflag:s15] =	ssyncset.done $0x0  }
0x95: {  	[sflag:s15] =	ssyncadd.s32 $0xFFFFFC00  }
0x96: {  	_ =	swait.ge [sflag:s15], $0x400  }
0x97: {  	[sflag:s15] =	ssyncset.done $0x0  }
0x98: {  	[sflag:s15] =	ssyncadd.s32 $0xFFFFFC00  }
0x99: {  	_ =	swait.ge [sflag:s15], $0x400  }
0x9a: {  	[sflag:s15] =	ssyncset.done $0x0  }
0x9b: {  	[sflag:s15] =	ssyncadd.s32 $0xFFFFFC00  }
0x9c: {  	_ =	swait.ge [sflag:s15], $0x400  }
0x9d: {  	[sflag:s15] =	ssyncset.done $0x0  }
0x9e: {  	[sflag:s15] =	ssyncadd.s32 $0xFFFFFC00  }
0x9f: {  	_ =	swait.ge [sflag:s15], $0x400  }
0xa0: {  	[sflag:s15] =	ssyncset.done $0x0  }
0xa1: {  	[sflag:s15] =	ssyncadd.s32 $0xFFFFFC00  }
0xa2: {  	_ =	swait.ge [sflag:s15], $0x400  }
0xa3: {  	[sflag:s15] =	ssyncset.done $0x0  }
0xa4: {  	[sflag:s15] =	ssyncadd.s32 $0xFFFFFC00  }
0xa5: {  	_ =	swait.ge [sflag:s15], $0x400  }
0xa6: {  	[sflag:s15] =	ssyncset.done $0x0  }
0xa7: {  	[sflag:s15] =	ssyncadd.s32 $0xFFFFFC00  }
0xa8: {  	_ =	swait.ge [sflag:s15], $0x400  }
0xa9: {  	[sflag:s15] =	ssyncset.done $0x0  }
0xaa: {  	[sflag:s15] =	ssyncadd.s32 $0xFFFFFC00  }
0xab: {  	_ =	swait.ge [sflag:s15], $0x400  }
0xac: {  	[sflag:s15] =	ssyncset.done $0x0  }
0xad: {  	[sflag:s15] =	ssyncadd.s32 $0xFFFFFC00  }
0xae: {  	_ =	swait.ge [sflag:s15], $0x400  }
0xaf: {  	[sflag:s15] =	ssyncset.done $0x0  }
0xb0: {  	[sflag:s15] =	ssyncadd.s32 $0xFFFFFC00  }
0xb1: {  	_ =	swait.ge [sflag:s15], $0x400  }
0xb2: {  	[sflag:s15] =	ssyncset.done $0x0  }
0xb3: {  	[sflag:s15] =	ssyncadd.s32 $0xFFFFFC00  }
0xb4: {  	_ =	swait.ge [sflag:s15], $0x400  }
0xb5: {  	[sflag:s15] =	ssyncset.done $0x0  }
0xb6: {  	[sflag:s15] =	ssyncadd.s32 $0xFFFFFC00  }
0xb7: {  	_ =	swait.ge [sflag:s15], $0x400  }
0xb8: {  	[sflag:s15] =	ssyncset.done $0x0  }
0xb9: {  	[sflag:s15] =	ssyncadd.s32 $0xFFFFFC00  }
0xba: {  	_ =	swait.ge [sflag:s15], $0x400  }
0xbb: {  	[sflag:s15] =	ssyncset.done $0x0  }
0xbc: {  	[sflag:s15] =	ssyncadd.s32 $0xFFFFFC00  }
0xbd: {  	_ =	swait.ge [sflag:s15], $0x400  }
0xbe: {  	[sflag:s15] =	ssyncset.done $0x0  }
0xbf: {  	[sflag:s15] =	ssyncadd.s32 $0xFFFFFC00  }
0xc0: {  	_ =	swait.ge [sflag:s15], $0x400  }
0xc1: {  	[sflag:s15] =	ssyncset.done $0x0  }
0xc2: {  	[sflag:s15] =	ssyncadd.s32 $0xFFFFFC00  }
0xc3: {  	_ =	swait.ge [sflag:s15], $0x400  }
0xc4: {  	[sflag:s15] =	ssyncset.done $0x0  }
0xc5: {  	[sflag:s15] =	ssyncadd.s32 $0xFFFFFC00  }
0xc6: {  	_ =	swait.ge [sflag:s15], $0x400  }
0xc7: {  	[sflag:s15] =	ssyncset.done $0x0  }
0xc8: {  	[sflag:s15] =	ssyncadd.s32 $0xFFFFFC00  }
0xc9: {  	_ =	swait.ge [sflag:s15], $0x400  }
0xca: {  	[sflag:s15] =	ssyncset.done $0x0  }
0xcb: {  	[sflag:s15] =	ssyncadd.s32 $0xFFFFFC00  }
0xcc: {  	_ =	swait.ge [sflag:s15], $0x400  }
0xcd: {  	[sflag:s15] =	ssyncset.done $0x0  }
0xce: {  	[sflag:s15] =	ssyncadd.s32 $0xFFFFFC00  }
0xcf: {  	_ =	swait.ge [sflag:s15], $0x400  }
0xd0: {  	[sflag:s15] =	ssyncset.done $0x0  }
0xd1: {  	[sflag:s15] =	ssyncadd.s32 $0xFFFFFC00  }
0xd2: {  	_ =	swait.ge [sflag:s15], $0x400  }
0xd3: {  	[sflag:s15] =	ssyncset.done $0x0  }
0xd4: {  	[sflag:s15] =	ssyncadd.s32 $0xFFFFFC00  }
0xd5: {  	_ =	swait.ge [sflag:s15], $0x400  }
0xd6: {  	[sflag:s15] =	ssyncset.done $0x0  }
0xd7: {  	[sflag:s15] =	ssyncadd.s32 $0xFFFFFC00  }
0xd8: {  	_ =	swait.ge [sflag:s15], $0x400  }
0xd9: {  	[sflag:s15] =	ssyncset.done $0x0  }
0xda: {  	[sflag:s15] =	ssyncadd.s32 $0xFFFFFC00  }
0xdb: {  	_ =	swait.ge [sflag:s15], $0x400  }
0xdc: {  	[sflag:s15] =	ssyncset.done $0x0  }
0xdd: {  	[sflag:s15] =	ssyncadd.s32 $0xFFFFFC00  }
0xde: {  	_ =	swait.ge [sflag:s15], $0x400  }
0xdf: {  	[sflag:s15] =	ssyncset.done $0x0  }
0xe0: {  	[sflag:s15] =	ssyncadd.s32 $0xFFFFFC00  }
0xe1: {  	_ =	swait.ge [sflag:s15], $0x400  }
0xe2: {  	[sflag:s15] =	ssyncset.done $0x0  }
0xe3: {  	[sflag:s15] =	ssyncadd.s32 $0xFFFFFC00  }
0xe4: {  	_ =	swait.ge [sflag:s15], $0x400  }
0xe5: {  	[sflag:s15] =	ssyncset.done $0x0  }
0xe6: {  	[sflag:s15] =	ssyncadd.s32 $0xFFFFFC00  }
0xe7: {  	_ =	swait.ge [sflag:s15], $0x400  }
0xe8: {  	[sflag:s15] =	ssyncset.done $0x0  }
0xe9: {  	[sflag:s15] =	ssyncadd.s32 $0xFFFFFC00  }
0xea: {  	_ =	swait.ge [sflag:s15], $0x800  }
0xeb: {  	v2 =	vld [tilespmem:$0x1FEB0];
	_ =	sdelay $0x2  }
0xec: {  	v0 =	vshll.u32 v14, $0x7  }
0xed: {  	v4 =	vand.u32 $0x380, v0  }
0xee: {  	[sflag:s15] =	ssyncset.done $0x0;
	v1 =	vor.u32 v2, v4  }
0xef: {  	[sflag:s15] =	ssyncadd.s32 $0xFFFFF800  }
0xf0: {  	v0 =	vshll.u32 v13, $0x7;
	v11 =	vld [tilespmem:$0x1FFF0];
	_ =	swait.ge [sflag:s15], $0x800  }
0xf1: {  	v5 =	vand.u32 $0x380, v0;
	[sflag:s15] =	ssyncset.done $0x0  }
0xf2: {  	[sflag:s15] =	ssyncadd.s32 $0xFFFFF800;
	v7 =	vor.u32 v2, v5;
	v2 =	vld [tilespmem:$0x1FEC0]  }
0xf3: {  	v15 =	vld.idx.msk [tilespmem:v1+s11+$0x0], $0xffff  }
0xf4: {  	v1 =	vld [tilespmem:$0x1FED0];
	_ =	sdelay $0x1  }
0xf5: {  	v0 =	vor.u32 v11, v4  }
0xf6: {  	v6 =	vor.u32 v11, v5  }
0xf7: {  	v8 =	vor.u32 v2, v4  }
0xf8: {  	v10 =	vor.u32 v1, v4;
	v63 =	vor.u32 v1, v5;
	v1 =	vld [tilespmem:$0x1FEE0];
	_ =	sdelay $0x1  }
0xf9: {  	v3 =	vld.idx.msk [tilespmem:v0+s11+$0x0], $0xffff  }
0xfa: {  	v6 =	vld.idx.msk [tilespmem:v6+s12+$0x0], $0xffff  }
0xfb: {  	v9 =	vor.u32 v2, v5;
	v16 =	vld.idx.msk [tilespmem:v8+s11+$0x0], $0xffff  }
0xfc: {  	v8 =	vld [tilespmem:$0x1FEF0];
	v0 =	vor.u32 v1, v4  }
0xfd: {  	v17 =	vld.idx.msk [tilespmem:v10+s11+$0x0], $0xffff  }
0xfe: {  	v1 =	vor.u32 v1, v5;
	v10 =	vld [tilespmem:$0x1FF00]  }
0xff: {  	v7 =	vld.idx.msk [tilespmem:v7+s12+$0x0], $0xffff  }
0x100: {  	v19 =	vld.idx.msk [tilespmem:v9+s12+$0x0], $0xffff  }
0x101: {  	v12 =	vld.idx.msk [tilespmem:v0+s11+$0x0], $0xffff  }
0x102: {  	v2 =	vor.u32 v8, v4;
	v0 =	vld [tilespmem:$0x1FF10]  }
0x103: {  	v9 =	vor.u32 v10, v4;
	v18 =	vld.idx.msk [tilespmem:v1+s12+$0x0], $0xffff  }
0x104: {  	v1 =	vld [tilespmem:$0x1FF20]  }
0x105: {  	v8 =	vor.u32 v8, v5  }
0x106: {  	v3 =	vmul.f32 v6, v3;
	v63 =	vld.idx.msk [tilespmem:v63+s12+$0x0], $0xffff;
	v6 =	vor.u32 v10, v5  }
0x107: {  	v7 =	vmul.f32 v7, v15;
	v15 =	vld.idx.msk [tilespmem:v2+s11+$0x0], $0xffff;
	v10 =	vor.u32 v0, v4  }
0x108: {  	v20 =	vor.u32 v0, v5;
	v0 =	vmul.f32 v19, v16;
	v16 =	vld.idx.msk [tilespmem:v9+s11+$0x0], $0xffff  }
0x109: {  	v3 =	vadd.f32 $0.0e+00, v3;
	v2 =	vor.u32 v1, v4;
	v9 =	vor.u32 v1, v5;
	v1 =	vld [tilespmem:$0x1FF30]  }
0x10a: {  	v8 =	vld.idx.msk [tilespmem:v8+s12+$0x0], $0xffff  }
0x10b: {  	v3 =	vadd.f32 v7, v3;
	v7 =	vld.idx.msk [tilespmem:v6+s12+$0x0], $0xffff  }
0x10c: {  	v63 =	vmul.f32 v63, v17;
	v17 =	vld.idx.msk [tilespmem:v10+s11+$0x0], $0xffff  }
0x10d: {  	v0 =	vadd.f32 v0, v3;
	v19 =	vld.idx.msk [tilespmem:v20+s12+$0x0], $0xffff  }
0x10e: {  	v6 =	vor.u32 v1, v4;
	v10 =	vor.u32 v1, v5;
	v1 =	vmul.f32 v18, v12;
	v12 =	vld [tilespmem:$0x1FF40]  }
0x10f: {  	v0 =	vadd.f32 v63, v0;
	v20 =	vld.idx.msk [tilespmem:v9+s12+$0x0], $0xffff  }
0x110: {  	v9 =	vld [tilespmem:$0x1FF50]  }
0x111: {  	v8 =	vmul.f32 v8, v15;
	v0 =	vadd.f32 v1, v0;
	v1 =	vld [tilespmem:$0x1FF60];
	_ =	sdelay $0x1  }
0x112: {  	v7 =	vmul.f32 v7, v16;
	v0 =	vadd.f32 v8, v0  }
0x113: {  	v18 =	vld.idx.msk [tilespmem:v2+s11+$0x0], $0xffff;
	v3 =	vor.u32 v12, v4;
	v63 =	vor.u32 v12, v5  }
0x114: {  	v2 =	vor.u32 v9, v4;
	v15 =	vld.idx.msk [tilespmem:v6+s11+$0x0], $0xffff;
	v6 =	vor.u32 v9, v5;
	v0 =	vadd.f32 v7, v0  }
0x115: {  	v12 =	vld [tilespmem:$0x1FF70];
	v9 =	vor.u32 v1, v4;
	v8 =	vor.u32 v1, v5;
	v1 =	vmul.f32 v19, v17  }
0x116: {  	v10 =	vld.idx.msk [tilespmem:v10+s12+$0x0], $0xffff  }
0x117: {  	v0 =	vadd.f32 v1, v0;
	v1 =	vld [tilespmem:$0x1FF90]  }
0x118: {  	v16 =	vld.idx.msk [tilespmem:v3+s11+$0x0], $0xffff  }
0x119: {  	v63 =	vld.idx.msk [tilespmem:v63+s12+$0x0], $0xffff  }
0x11a: {  	v3 =	vor.u32 v12, v4;
	v7 =	vor.u32 v12, v5;
	v12 =	vld [tilespmem:$0x1FF80]  }
0x11b: {  	v17 =	vld.idx.msk [tilespmem:v2+s11+$0x0], $0xffff  }
0x11c: {  	v19 =	vld.idx.msk [tilespmem:v6+s12+$0x0], $0xffff  }
0x11d: {  	v2 =	vmul.f32 v20, v18;
	v18 =	vld.idx.msk [tilespmem:v9+s11+$0x0], $0xffff  }
0x11e: {  	v20 =	vld.idx.msk [tilespmem:v8+s12+$0x0], $0xffff  }
0x11f: {  	v8 =	vor.u32 v1, v4;
	v6 =	vor.u32 v12, v4;
	v9 =	vor.u32 v12, v5;
	v12 =	vld.idx.msk [tilespmem:v3+s11+$0x0], $0xffff  }
0x120: {  	v10 =	vmul.f32 v10, v15;
	v0 =	vadd.f32 v2, v0;
	v3 =	vor.u32 v1, v5;
	v1 =	vld [tilespmem:$0x1FFA0]  }
0x121: {  	v2 =	vld [tilespmem:$0x1FFB0]  }
0x122: {  	v0 =	vadd.f32 v10, v0;
	v63 =	vmul.f32 v63, v16;
	v21 =	vld.idx.msk [tilespmem:v7+s12+$0x0], $0xffff;
	_ =	sdelay $0x1  }
0x123: {  	v0 =	vadd.f32 v63, v0;
	v16 =	vld.idx.msk [tilespmem:v8+s11+$0x0], $0xffff  }
0x124: {  	v8 =	vld [tilespmem:$0x1FFC0];
	v7 =	vor.u32 v1, v4;
	v10 =	vor.u32 v1, v5;
	v1 =	vmul.f32 v19, v17  }
0x125: {  	v15 =	vld.idx.msk [tilespmem:v6+s11+$0x0], $0xffff;
	v6 =	vor.u32 v2, v4  }
0x126: {  	v0 =	vadd.f32 v1, v0;
	v1 =	vmul.f32 v21, v12;
	v12 =	vld [tilespmem:$0x1FFD0]  }
0x127: {  	v9 =	vld.idx.msk [tilespmem:v9+s12+$0x0], $0xffff  }
0x128: {  	v19 =	vld.idx.msk [tilespmem:v3+s12+$0x0], $0xffff  }
0x129: {  	v17 =	vld.idx.msk [tilespmem:v7+s11+$0x0], $0xffff  }
0x12a: {  	v63 =	vor.u32 v2, v5;
	v2 =	vmul.f32 v20, v18;
	v3 =	vor.u32 v8, v4;
	v18 =	vld.idx.msk [tilespmem:v6+s11+$0x0], $0xffff  }
0x12b: {  	v7 =	vor.u32 v8, v5;
	v8 =	vor.u32 v12, v4;
	v6 =	vor.u32 v12, v5;
	v12 =	vld [tilespmem:$0x1FFE0];
	_ =	sdelay $0x1  }
0x12c: {  	v0 =	vadd.f32 v2, v0  }
0x12d: {  	v10 =	vld.idx.msk [tilespmem:v10+s12+$0x0], $0xffff  }
0x12e: {  	v9 =	vmul.f32 v9, v15;
	v0 =	vadd.f32 v1, v0  }
0x12f: {  	v63 =	vld.idx.msk [tilespmem:v63+s12+$0x0], $0xffff;
	v2 =	vor.u32 v12, v4  }
0x130: {  	v1 =	vmul.f32 v19, v16;
	v0 =	vadd.f32 v9, v0;
	v15 =	vld.idx.msk [tilespmem:v3+s11+$0x0], $0xffff;
	v3 =	vor.u32 v12, v5  }
0x131: {  	v9 =	vor.u32 v22, v5;
	v19 =	vld.idx.msk [tilespmem:v7+s12+$0x0], $0xffff  }
0x132: {  	v7 =	vor.u32 v22, v4;
	v10 =	vmul.f32 v10, v17;
	v0 =	vadd.f32 v1, v0;
	v12 =	vld.idx.msk [tilespmem:v8+s11+$0x0], $0xffff  }
0x133: {  	v8 =	vld.idx.msk [tilespmem:v6+s12+$0x0], $0xffff;
	v6 =	vor.u32 v23, v4  }
0x134: {  	v63 =	vmul.f32 v63, v18;
	v0 =	vadd.f32 v10, v0;
	v16 =	vld.idx.msk [tilespmem:v2+s11+$0x0], $0xffff;
	v2 =	vor.u32 v23, v5  }
0x135: {  	v18 =	vld.idx.msk [tilespmem:v3+s12+$0x0], $0xffff;
	v3 =	vor.u32 v24, v4  }
0x136: {  	v10 =	vor.u32 v24, v5;
	v9 =	vld.idx.msk [tilespmem:v9+s12+$0x0], $0xffff;
	v0 =	vadd.f32 v63, v0;
	v1 =	vmul.f32 v19, v15  }
0x137: {  	v63 =	vor.u32 v25, v5;
	v17 =	vld.idx.msk [tilespmem:v7+s11+$0x0], $0xffff  }
0x138: {  	v7 =	vor.u32 v25, v4;
	v15 =	vld.idx.msk [tilespmem:v6+s11+$0x0], $0xffff;
	v8 =	vmul.f32 v8, v12;
	v0 =	vadd.f32 v1, v0  }
0x139: {  	v19 =	vld.idx.msk [tilespmem:v2+s12+$0x0], $0xffff;
	v2 =	vor.u32 v26, v4  }
0x13a: {  	v0 =	vadd.f32 v8, v0;
	v12 =	vld.idx.msk [tilespmem:v3+s11+$0x0], $0xffff;
	v3 =	vor.u32 v26, v5;
	v1 =	vmul.f32 v18, v16  }
0x13b: {  	v10 =	vld.idx.msk [tilespmem:v10+s12+$0x0], $0xffff;
	v8 =	vor.u32 v27, v5  }
0x13c: {  	v6 =	vor.u32 v27, v4;
	v63 =	vld.idx.msk [tilespmem:v63+s12+$0x0], $0xffff;
	v9 =	vmul.f32 v9, v17;
	v0 =	vadd.f32 v1, v0  }
0x13d: {  	v16 =	vld.idx.msk [tilespmem:v7+s11+$0x0], $0xffff;
	v7 =	vor.u32 v28, v4  }
0x13e: {  	v0 =	vadd.f32 v9, v0;
	v17 =	vld.idx.msk [tilespmem:v2+s11+$0x0], $0xffff;
	v2 =	vor.u32 v28, v5;
	v1 =	vmul.f32 v19, v15  }
0x13f: {  	v9 =	vor.u32 v29, v5;
	v19 =	vld.idx.msk [tilespmem:v3+s12+$0x0], $0xffff  }
0x140: {  	v8 =	vld.idx.msk [tilespmem:v8+s12+$0x0], $0xffff;
	v3 =	vor.u32 v29, v4;
	v10 =	vmul.f32 v10, v12;
	v0 =	vadd.f32 v1, v0  }
0x141: {  	v15 =	vld.idx.msk [tilespmem:v6+s11+$0x0], $0xffff;
	v6 =	vor.u32 v30, v4  }
0x142: {  	v12 =	vld.idx.msk [tilespmem:v7+s11+$0x0], $0xffff;
	v7 =	vor.u32 v30, v5;
	v63 =	vmul.f32 v63, v16;
	v0 =	vadd.f32 v10, v0  }
0x143: {  	v18 =	vld.idx.msk [tilespmem:v2+s12+$0x0], $0xffff;
	v2 =	vor.u32 v31, v4  }
0x144: {  	v10 =	vor.u32 v31, v5;
	v9 =	vld.idx.msk [tilespmem:v9+s12+$0x0], $0xffff;
	v1 =	vmul.f32 v19, v17;
	v0 =	vadd.f32 v63, v0  }
0x145: {  	v16 =	vld.idx.msk [tilespmem:v3+s11+$0x0], $0xffff;
	v3 =	vor.u32 v32, v4  }
0x146: {  	v17 =	vld.idx.msk [tilespmem:v6+s11+$0x0], $0xffff;
	v8 =	vmul.f32 v8, v15;
	v63 =	vor.u32 v32, v5;
	v0 =	vadd.f32 v1, v0  }
0x147: {  	v20 =	vld.idx.msk [tilespmem:v7+s12+$0x0], $0xffff;
	v6 =	vor.u32 v33, v4  }
0x148: {  	v15 =	vld.idx.msk [tilespmem:v2+s11+$0x0], $0xffff;
	v2 =	vor.u32 v33, v5;
	v1 =	vmul.f32 v18, v12;
	v0 =	vadd.f32 v8, v0  }
0x149: {  	v7 =	vor.u32 v34, v4;
	v19 =	vld.idx.msk [tilespmem:v10+s12+$0x0], $0xffff  }
0x14a: {  	v12 =	vld.idx.msk [tilespmem:v3+s11+$0x0], $0xffff;
	v8 =	vor.u32 v34, v5;
	v9 =	vmul.f32 v9, v16;
	v0 =	vadd.f32 v1, v0  }
0x14b: {  	v3 =	vor.u32 v35, v4;
	v18 =	vld.idx.msk [tilespmem:v63+s12+$0x0], $0xffff  }
0x14c: {  	v16 =	vld.idx.msk [tilespmem:v6+s11+$0x0], $0xffff;
	v6 =	vor.u32 v35, v5;
	v1 =	vmul.f32 v20, v17;
	v0 =	vadd.f32 v9, v0  }
0x14d: {  	v10 =	vor.u32 v36, v4;
	v63 =	vld.idx.msk [tilespmem:v2+s12+$0x0], $0xffff  }
0x14e: {  	v17 =	vld.idx.msk [tilespmem:v7+s11+$0x0], $0xffff;
	v9 =	vor.u32 v36, v5;
	v2 =	vmul.f32 v19, v15;
	v0 =	vadd.f32 v1, v0  }
0x14f: {  	v7 =	vor.u32 v37, v4;
	v8 =	vld.idx.msk [tilespmem:v8+s12+$0x0], $0xffff  }
0x150: {  	v15 =	vld.idx.msk [tilespmem:v3+s11+$0x0], $0xffff;
	v3 =	vor.u32 v37, v5;
	v1 =	vmul.f32 v18, v12;
	v0 =	vadd.f32 v2, v0  }
0x151: {  	v19 =	vld.idx.msk [tilespmem:v6+s12+$0x0], $0xffff;
	v6 =	vor.u32 v38, v4  }
0x152: {  	v12 =	vld.idx.msk [tilespmem:v10+s11+$0x0], $0xffff;
	v10 =	vor.u32 v38, v5;
	v63 =	vmul.f32 v63, v16;
	v0 =	vadd.f32 v1, v0  }
0x153: {  	v2 =	vor.u32 v39, v4;
	v9 =	vld.idx.msk [tilespmem:v9+s12+$0x0], $0xffff  }
0x154: {  	v16 =	vld.idx.msk [tilespmem:v7+s11+$0x0], $0xffff;
	v7 =	vor.u32 v39, v5;
	v8 =	vmul.f32 v8, v17;
	v0 =	vadd.f32 v63, v0  }
0x155: {  	v18 =	vld.idx.msk [tilespmem:v3+s12+$0x0], $0xffff;
	v3 =	vor.u32 v40, v4  }
0x156: {  	v17 =	vld.idx.msk [tilespmem:v6+s11+$0x0], $0xffff;
	v1 =	vmul.f32 v19, v15;
	v63 =	vor.u32 v40, v5;
	v0 =	vadd.f32 v8, v0  }
0x157: {  	v6 =	vor.u32 v41, v4;
	v10 =	vld.idx.msk [tilespmem:v10+s12+$0x0], $0xffff  }
0x158: {  	v15 =	vld.idx.msk [tilespmem:v2+s11+$0x0], $0xffff;
	v8 =	vor.u32 v41, v5;
	v9 =	vmul.f32 v9, v12;
	v0 =	vadd.f32 v1, v0  }
0x159: {  	v2 =	vor.u32 v42, v4;
	v19 =	vld.idx.msk [tilespmem:v7+s12+$0x0], $0xffff  }
0x15a: {  	v12 =	vld.idx.msk [tilespmem:v3+s11+$0x0], $0xffff;
	v3 =	vor.u32 v42, v5;
	v1 =	vmul.f32 v18, v16;
	v0 =	vadd.f32 v9, v0  }
0x15b: {  	v7 =	vor.u32 v43, v4;
	v63 =	vld.idx.msk [tilespmem:v63+s12+$0x0], $0xffff  }
0x15c: {  	v16 =	vld.idx.msk [tilespmem:v6+s11+$0x0], $0xffff;
	v10 =	vmul.f32 v10, v17;
	v9 =	vor.u32 v43, v5;
	v0 =	vadd.f32 v1, v0  }
0x15d: {  	v6 =	vor.u32 v44, v4;
	v8 =	vld.idx.msk [tilespmem:v8+s12+$0x0], $0xffff  }
0x15e: {  	v17 =	vld.idx.msk [tilespmem:v2+s11+$0x0], $0xffff;
	v2 =	vor.u32 v44, v5;
	v1 =	vmul.f32 v19, v15;
	v0 =	vadd.f32 v10, v0  }
0x15f: {  	v18 =	vld.idx.msk [tilespmem:v3+s12+$0x0], $0xffff;
	v3 =	vor.u32 v45, v4  }
0x160: {  	v15 =	vld.idx.msk [tilespmem:v7+s11+$0x0], $0xffff;
	v10 =	vor.u32 v45, v5;
	v63 =	vmul.f32 v63, v12;
	v0 =	vadd.f32 v1, v0  }
0x161: {  	v7 =	vor.u32 v46, v4;
	v9 =	vld.idx.msk [tilespmem:v9+s12+$0x0], $0xffff  }
0x162: {  	v12 =	vld.idx.msk [tilespmem:v6+s11+$0x0], $0xffff;
	v6 =	vor.u32 v46, v5;
	v8 =	vmul.f32 v8, v16;
	v0 =	vadd.f32 v63, v0  }
0x163: {  	v19 =	vld.idx.msk [tilespmem:v2+s12+$0x0], $0xffff;
	v2 =	vor.u32 v47, v4  }
0x164: {  	v16 =	vld.idx.msk [tilespmem:v3+s11+$0x0], $0xffff;
	v1 =	vmul.f32 v18, v17;
	v63 =	vor.u32 v47, v5;
	v0 =	vadd.f32 v8, v0  }
0x165: {  	v3 =	vor.u32 v48, v4;
	v10 =	vld.idx.msk [tilespmem:v10+s12+$0x0], $0xffff  }
0x166: {  	v17 =	vld.idx.msk [tilespmem:v7+s11+$0x0], $0xffff;
	v8 =	vor.u32 v48, v5;
	v9 =	vmul.f32 v9, v15;
	v0 =	vadd.f32 v1, v0  }
0x167: {  	v18 =	vld.idx.msk [tilespmem:v6+s12+$0x0], $0xffff;
	v6 =	vor.u32 v49, v4  }
0x168: {  	v15 =	vld.idx.msk [tilespmem:v2+s11+$0x0], $0xffff;
	v2 =	vor.u32 v49, v5;
	v1 =	vmul.f32 v19, v12;
	v0 =	vadd.f32 v9, v0  }
0x169: {  	v7 =	vor.u32 v50, v4;
	v63 =	vld.idx.msk [tilespmem:v63+s12+$0x0], $0xffff  }
0x16a: {  	v12 =	vld.idx.msk [tilespmem:v3+s11+$0x0], $0xffff;
	v9 =	vor.u32 v50, v5;
	v10 =	vmul.f32 v10, v16;
	v0 =	vadd.f32 v1, v0  }
0x16b: {  	v3 =	vor.u32 v51, v4;
	v8 =	vld.idx.msk [tilespmem:v8+s12+$0x0], $0xffff  }
0x16c: {  	v16 =	vld.idx.msk [tilespmem:v6+s11+$0x0], $0xffff;
	v6 =	vor.u32 v51, v5;
	v1 =	vmul.f32 v18, v17;
	v0 =	vadd.f32 v10, v0  }
0x16d: {  	v18 =	vld.idx.msk [tilespmem:v2+s12+$0x0], $0xffff;
	v2 =	vor.u32 v52, v4  }
0x16e: {  	v17 =	vld.idx.msk [tilespmem:v7+s11+$0x0], $0xffff;
	v10 =	vor.u32 v52, v5;
	v63 =	vmul.f32 v63, v15;
	v0 =	vadd.f32 v1, v0  }
0x16f: {  	v7 =	vor.u32 v53, v4;
	v9 =	vld.idx.msk [tilespmem:v9+s12+$0x0], $0xffff  }
0x170: {  	v15 =	vld.idx.msk [tilespmem:v3+s11+$0x0], $0xffff;
	v3 =	vor.u32 v53, v5;
	v8 =	vmul.f32 v8, v12;
	v0 =	vadd.f32 v63, v0  }
0x171: {  	v19 =	vld.idx.msk [tilespmem:v6+s12+$0x0], $0xffff;
	v6 =	vor.u32 v54, v4  }
0x172: {  	v12 =	vld.idx.msk [tilespmem:v2+s11+$0x0], $0xffff;
	v1 =	vmul.f32 v18, v16;
	v63 =	vor.u32 v54, v5;
	v0 =	vadd.f32 v8, v0  }
0x173: {  	v2 =	vor.u32 v55, v4;
	v10 =	vld.idx.msk [tilespmem:v10+s12+$0x0], $0xffff  }
0x174: {  	v16 =	vld.idx.msk [tilespmem:v7+s11+$0x0], $0xffff;
	v8 =	vor.u32 v55, v5;
	v9 =	vmul.f32 v9, v17;
	v0 =	vadd.f32 v1, v0  }
0x175: {  	v18 =	vld.idx.msk [tilespmem:v3+s12+$0x0], $0xffff;
	v3 =	vor.u32 v56, v4  }
0x176: {  	v17 =	vld.idx.msk [tilespmem:v6+s11+$0x0], $0xffff;
	v6 =	vor.u32 v56, v5;
	v1 =	vmul.f32 v19, v15;
	v0 =	vadd.f32 v9, v0  }
0x177: {  	v7 =	vor.u32 v57, v4;
	v63 =	vld.idx.msk [tilespmem:v63+s12+$0x0], $0xffff  }
0x178: {  	v15 =	vld.idx.msk [tilespmem:v2+s11+$0x0], $0xffff;
	v9 =	vor.u32 v57, v5;
	v10 =	vmul.f32 v10, v12;
	v0 =	vadd.f32 v1, v0  }
0x179: {  	v2 =	vor.u32 v58, v4;
	v8 =	vld.idx.msk [tilespmem:v8+s12+$0x0], $0xffff  }
0x17a: {  	v12 =	vld.idx.msk [tilespmem:v3+s11+$0x0], $0xffff;
	v3 =	vor.u32 v58, v5;
	v1 =	vmul.f32 v18, v16;
	v0 =	vadd.f32 v10, v0  }
0x17b: {  	v18 =	vld.idx.msk [tilespmem:v6+s12+$0x0], $0xffff;
	v10 =	vor.u32 v59, v4  }
0x17c: {  	v16 =	vld.idx.msk [tilespmem:v7+s11+$0x0], $0xffff;
	v7 =	vor.u32 v59, v5;
	v63 =	vmul.f32 v63, v17;
	v0 =	vadd.f32 v1, v0  }
0x17d: {  	v6 =	vor.u32 v60, v4;
	v9 =	vld.idx.msk [tilespmem:v9+s12+$0x0], $0xffff  }
0x17e: {  	v17 =	vld.idx.msk [tilespmem:v2+s11+$0x0], $0xffff;
	v2 =	vor.u32 v60, v5;
	v8 =	vmul.f32 v8, v15;
	v0 =	vadd.f32 v63, v0  }
0x17f: {  	v3 =	vld.idx.msk [tilespmem:v3+s12+$0x0], $0xffff;
	v63 =	vor.u32 v61, v4  }
0x180: {  	v1 =	vmul.f32 v18, v12;
	v15 =	vld.idx.msk [tilespmem:v10+s11+$0x0], $0xffff;
	v10 =	vor.u32 v61, v5;
	v8 =	vadd.f32 v8, v0  }
0x181: {  	v19 =	vor.u32 v62, v4;
	v7 =	vld.idx.msk [tilespmem:v7+s12+$0x0], $0xffff;
	v18 =	vor.u32 v62, v5  }
0x182: {  	v12 =	vld.idx.msk [tilespmem:v6+s11+$0x0], $0xffff;
	v9 =	vmul.f32 v9, v16;
	v0 =	vor.u32 $0x3E, v11;
	v1 =	vadd.f32 v1, v8  }
0x183: {  	v2 =	vld.idx.msk [tilespmem:v2+s12+$0x0], $0xffff;
	v16 =	vor.u32 v0, v4  }
0x184: {  	v6 =	vor.u32 v0, v5;
	v8 =	vld.idx.msk [tilespmem:v63+s11+$0x0], $0xffff;
	v9 =	vadd.f32 v9, v1;
	v1 =	vor.u32 $0x3F, v11  }
0x185: {  	v3 =	vmul.f32 v3, v17;
	v10 =	vld.idx.msk [tilespmem:v10+s12+$0x0], $0xffff;
	v17 =	vor.u32 v1, v4  }
0x186: {  	v18 =	vld.idx.msk [tilespmem:v18+s12+$0x0], $0xffff;
	v5 =	vor.u32 v1, v5  }
0x187: {  	v11 =	vld.idx.msk [tilespmem:v19+s11+$0x0], $0xffff  }
0x188: {  	v7 =	vmul.f32 v7, v15;
	v4 =	vlaneseq.u32;
	v3 =	vadd.f32 v3, v9;
	v19 =	vld.idx.msk [tilespmem:v16+s11+$0x0], $0xffff  }
0x189: {  	v2 =	vmul.f32 v2, v12;
	v63 =	vmul.u32 $0x80, v4;
	v9 =	vld.idx.msk [tilespmem:v6+s12+$0x0], $0xffff  }
0x18a: {  	v3 =	vadd.f32 v7, v3;
	v7 =	vand.u32 $0x7F, v14;
	v6 =	vmul.f32 v10, v8;
	v10 =	vld.idx.msk [tilespmem:v17+s11+$0x0], $0xffff  }
0x18b: {  	s21 =	simm.s32 $0x10;
	v8 =	vor.u32 v63, v7;
	v7 =	vand.u32 $0x7F, v13;
	v5 =	vld.idx.msk [tilespmem:v5+s12+$0x0], $0xffff  }
0x18c: {  	v3 =	vadd.f32 v2, v3;
	v4 =	vor.u32 v63, v7;
	v7 =	vld [tilespmem:s21+$0x0];
	_ =	sdelay $0x1  }
0x18d: {  	v2 =	vmul.f32 v18, v11;
	v3 =	vadd.f32 v6, v3;
	v6 =	vld [tilespmem:s21+$0x200];
	_ =	sdelay $0x1  }
0x18e: {  	v9 =	vmul.f32 v9, v19;
	v2 =	vadd.f32 v2, v3;
	v3 =	vld.idx.msk [tilespmem:v8+s13+$0x0], $0xffff  }
0x18f: {  	v5 =	vmul.f32 v5, v10;
	v10 =	vld.idx.msk [tilespmem:v4+s14+$0x0], $0xffff;
	v4 =	vand.u32 $0xFFFFFFF8, v7  }
0x190: {  	s30 =	rddreg [dreg:$0x5];
	v2 =	vadd.f32 v9, v2;
	v4 =	vshll.u32 v4, $0x4  }
0x191: {  	v9 =	vand.u32 $0xFFFFFFF8, v6;
	v8 =	vadd.s32 s30, v4  }
0x192: {  	s31 =	rddreg [dreg:$0x7];
	v2 =	vadd.f32 v5, v2;
	v5 =	vshll.u32 v7, $0x7;
	v4 =	vshll.u32 v9, $0x4  }
0x193: {  	(v2sf) =	vpush v8, $0x0;
	v9 =	vadd.s32 s31, v4;
	v4 =	vand.u32 $0x380, v5  }
0x194: {  	v5 =	vshll.u32 v6, $0x7;
	v3 =	vadd.f32 v2, v3;
	(v2sf) =	vpush v9, $0x0  }
0x195: {  	v2 =	vand.u32 $0x7F, v7;
	v5 =	vand.u32 $0x380, v5;
	(v2sf) =	vpush v8, $0x1  }
0x196: {  	s19 =	simm.s32 $0x80;
	v10 =	vadd.f32 v3, v10;
	v3 =	vand.u32 $0x7F, v6;
	(v2sf) =	vpush v9, $0x1  }
.LBB2_2:
0x197: {  	_ =	sdelay $0x3  }
0x198: {  	(v2sf) =	vpush v8, $0x2;
	v11 =	vld [tilespmem:$0x1FEA0];
	_ =	sdelay $0x1  }
0x199: {  	(v2sf) =	vpush v9, $0x2;
	_ =	sdelay $0x1  }
0x19a: {  	(v2sf) =	vpush v8, $0x3  }
0x19b: {  	v10 =	vadd.f32 v10, v11  }
0x19c: {  	(v2sf) =	vpush v9, $0x3  }
0x19d: {  	[tilespmem:s18+$0x9400] =	vst v10;
	s23 =	spop (v2sf)  }
0x19e: {  	(v2sf) =	vpush v8, $0x4;
	[tilespmem:s11], [sflag:$0x1] =	stream.linear.gather [hbm4b:s23+s1], $0x400, $0x38;
	[tilespmem:$0x9680] =	vst v63  }
0x19f: {  	s24 =	rddreg [dreg:$0x9];
	s22 =	spop (v2sf)  }
0x1a0: {  	(v2sf) =	vpush v9, $0x4;
	[tilespmem:s12], [sflag:$0x1] =	stream.linear.gather [hbm4b:s22+s1], $0x400, $0x38;
	[tilespmem:$0x9680] =	vst v63  }
0x1a1: {  	s25 =	rddreg [dreg:$0xa];
	s23 =	spop (v2sf)  }
0x1a2: {  	(v2sf) =	vpush v8, $0x5;
	[tilespmem:s24], [sflag:$0x1] =	stream.linear.gather [hbm4b:s23+s1], $0x400, $0x38;
	[tilespmem:$0x9680] =	vst v63  }
0x1a3: {  	s26 =	rddreg [dreg:$0xb];
	s28 =	spop (v2sf)  }
0x1a4: {  	(v2sf) =	vpush v9, $0x5;
	[tilespmem:s25], [sflag:$0x1] =	stream.linear.gather [hbm4b:s28+s1], $0x400, $0x38;
	[tilespmem:$0x9680] =	vst v63  }
0x1a5: {  	s29 =	rddreg [dreg:$0xc];
	s30 =	spop (v2sf)  }
0x1a6: {  	(v2sf) =	vpush v8, $0x6;
	[tilespmem:s26], [sflag:$0x1] =	stream.linear.gather [hbm4b:s30+s1], $0x400, $0x38;
	[tilespmem:$0x9680] =	vst v63  }
0x1a7: {  	s31 =	rddreg [dreg:$0xd];
	s24 =	spop (v2sf)  }
0x1a8: {  	(v2sf) =	vpush v9, $0x6;
	[tilespmem:s29], [sflag:$0x1] =	stream.linear.gather [hbm4b:s24+s1], $0x400, $0x38;
	[tilespmem:$0x9680] =	vst v63  }
0x1a9: {  	s25 =	rddreg [dreg:$0xe];
	s26 =	spop (v2sf)  }
0x1aa: {  	(v2sf) =	vpush v8, $0x7;
	[tilespmem:s31], [sflag:$0x1] =	stream.linear.gather [hbm4b:s26+s1], $0x400, $0x38;
	[tilespmem:$0x9680] =	vst v63  }
0x1ab: {  	s28 =	rddreg [dreg:$0xf];
	s29 =	spop (v2sf)  }
0x1ac: {  	(v2sf) =	vpush v9, $0x7;
	[tilespmem:s25], [sflag:$0x1] =	stream.linear.gather [hbm4b:s29+s1], $0x400, $0x38;
	[tilespmem:$0x9680] =	vst v63  }
0x1ad: {  	s30 =	rddreg [dreg:$0x10];
	s31 =	spop (v2sf)  }
0x1ae: {  	(v2sf) =	vpush v8, $0x8;
	[tilespmem:s28], [sflag:$0x1] =	stream.linear.gather [hbm4b:s31+s1], $0x400, $0x38;
	[tilespmem:$0x9680] =	vst v63  }
0x1af: {  	s24 =	rddreg [dreg:$0x11];
	s25 =	spop (v2sf)  }
0x1b0: {  	(v2sf) =	vpush v9, $0x8;
	[tilespmem:s30], [sflag:$0x1] =	stream.linear.gather [hbm4b:s25+s1], $0x400, $0x38;
	[tilespmem:$0x9680] =	vst v63  }
0x1b1: {  	s26 =	rddreg [dreg:$0x12];
	s28 =	spop (v2sf)  }
0x1b2: {  	(v2sf) =	vpush v8, $0x9;
	[tilespmem:s24], [sflag:$0x1] =	stream.linear.gather [hbm4b:s28+s1], $0x400, $0x38;
	[tilespmem:$0x9680] =	vst v63  }
0x1b3: {  	s29 =	rddreg [dreg:$0x13];
	s30 =	spop (v2sf)  }
0x1b4: {  	(v2sf) =	vpush v9, $0x9;
	[tilespmem:s26], [sflag:$0x1] =	stream.linear.gather [hbm4b:s30+s1], $0x400, $0x38;
	[tilespmem:$0x9680] =	vst v63  }
0x1b5: {  	s31 =	rddreg [dreg:$0x14];
	s24 =	spop (v2sf)  }
0x1b6: {  	(v2sf) =	vpush v8, $0xA;
	[tilespmem:s29], [sflag:$0x1] =	stream.linear.gather [hbm4b:s24+s1], $0x400, $0x38;
	[tilespmem:$0x9680] =	vst v63  }
0x1b7: {  	s25 =	rddreg [dreg:$0x15];
	s26 =	spop (v2sf)  }
0x1b8: {  	(v2sf) =	vpush v9, $0xA;
	[tilespmem:s31], [sflag:$0x1] =	stream.linear.gather [hbm4b:s26+s1], $0x400, $0x38;
	[tilespmem:$0x9680] =	vst v63  }
0x1b9: {  	s28 =	rddreg [dreg:$0x16];
	s29 =	spop (v2sf)  }
0x1ba: {  	(v2sf) =	vpush v8, $0xB;
	[tilespmem:s25], [sflag:$0x1] =	stream.linear.gather [hbm4b:s29+s1], $0x400, $0x38;
	[tilespmem:$0x9680] =	vst v63  }
0x1bb: {  	s30 =	rddreg [dreg:$0x17];
	s31 =	spop (v2sf)  }
0x1bc: {  	(v2sf) =	vpush v9, $0xB;
	[tilespmem:s28], [sflag:$0x1] =	stream.linear.gather [hbm4b:s31+s1], $0x400, $0x38;
	[tilespmem:$0x9680] =	vst v63  }
0x1bd: {  	s24 =	rddreg [dreg:$0x18];
	s25 =	spop (v2sf)  }
0x1be: {  	(v2sf) =	vpush v8, $0xC;
	[tilespmem:s30], [sflag:$0x1] =	stream.linear.gather [hbm4b:s25+s1], $0x400, $0x38;
	[tilespmem:$0x9680] =	vst v63  }
0x1bf: {  	s26 =	rddreg [dreg:$0x19];
	s28 =	spop (v2sf)  }
0x1c0: {  	(v2sf) =	vpush v9, $0xC;
	[tilespmem:s24], [sflag:$0x1] =	stream.linear.gather [hbm4b:s28+s1], $0x400, $0x38;
	[tilespmem:$0x9680] =	vst v63  }
0x1c1: {  	s29 =	rddreg [dreg:$0x1a];
	s30 =	spop (v2sf)  }
0x1c2: {  	(v2sf) =	vpush v8, $0xD;
	[tilespmem:s26], [sflag:$0x1] =	stream.linear.gather [hbm4b:s30+s1], $0x400, $0x38;
	[tilespmem:$0x9680] =	vst v63  }
0x1c3: {  	s31 =	rddreg [dreg:$0x1b];
	s24 =	spop (v2sf)  }
0x1c4: {  	(v2sf) =	vpush v9, $0xD;
	[tilespmem:s29], [sflag:$0x1] =	stream.linear.gather [hbm4b:s24+s1], $0x400, $0x38;
	[tilespmem:$0x9680] =	vst v63  }
0x1c5: {  	s25 =	rddreg [dreg:$0x1c];
	s26 =	spop (v2sf)  }
0x1c6: {  	(v2sf) =	vpush v8, $0xE;
	[tilespmem:s31], [sflag:$0x1] =	stream.linear.gather [hbm4b:s26+s1], $0x400, $0x38;
	[tilespmem:$0x9680] =	vst v63  }
0x1c7: {  	s28 =	rddreg [dreg:$0x1d];
	s29 =	spop (v2sf)  }
0x1c8: {  	(v2sf) =	vpush v9, $0xE;
	[tilespmem:s25], [sflag:$0x1] =	stream.linear.gather [hbm4b:s29+s1], $0x400, $0x38;
	[tilespmem:$0x9680] =	vst v63  }
0x1c9: {  	s30 =	rddreg [dreg:$0x1e];
	s31 =	spop (v2sf)  }
0x1ca: {  	(v2sf) =	vpush v8, $0xF;
	[tilespmem:s28], [sflag:$0x1] =	stream.linear.gather [hbm4b:s31+s1], $0x400, $0x38;
	[tilespmem:$0x9680] =	vst v63  }
0x1cb: {  	s24 =	rddreg [dreg:$0x1f];
	s25 =	spop (v2sf)  }
0x1cc: {  	(v2sf) =	vpush v9, $0xF;
	[tilespmem:s30], [sflag:$0x1] =	stream.linear.gather [hbm4b:s25+s1], $0x400, $0x38;
	[tilespmem:$0x9680] =	vst v63  }
0x1cd: {  	s26 =	sld [smem:$0x7F7];
	s28 =	spop (v2sf)  }
0x1ce: {  	[tilespmem:s24], [sflag:$0x1] =	stream.linear.gather [hbm4b:s28+s1], $0x400, $0x38;
	[tilespmem:$0x9680] =	vst v63  }
0x1cf: {  	s29 =	sld [smem:$0x7F8];
	s30 =	spop (v2sf)  }
0x1d0: {  	[tilespmem:s26], [sflag:$0x1] =	stream.linear.gather [hbm4b:s30+s1], $0x400, $0x38;
	[tilespmem:$0x9680] =	vst v63  }
0x1d1: {  	s31 =	sld [smem:$0x7F9];
	s24 =	spop (v2sf)  }
0x1d2: {  	[tilespmem:s29], [sflag:$0x1] =	stream.linear.gather [hbm4b:s24+s1], $0x400, $0x38;
	[tilespmem:$0x9680] =	vst v63  }
0x1d3: {  	s25 =	sld [smem:$0x7FA];
	s26 =	spop (v2sf)  }
0x1d4: {  	[tilespmem:s31], [sflag:$0x1] =	stream.linear.gather [hbm4b:s26+s1], $0x400, $0x38;
	[tilespmem:$0x9680] =	vst v63  }
0x1d5: {  	s28 =	sld [smem:$0x7FB];
	s29 =	spop (v2sf)  }
0x1d6: {  	[tilespmem:s25], [sflag:$0x1] =	stream.linear.gather [hbm4b:s29+s1], $0x400, $0x38;
	[tilespmem:$0x9680] =	vst v63  }
0x1d7: {  	s30 =	sld [smem:$0x7FC];
	s31 =	spop (v2sf)  }
0x1d8: {  	[tilespmem:s28], [sflag:$0x1] =	stream.linear.gather [hbm4b:s31+s1], $0x400, $0x38;
	[tilespmem:$0x9680] =	vst v63  }
0x1d9: {  	v7 =	vshrl.u32 v7, $0x7;
	s24 =	sld [smem:$0x7FD];
	s25 =	spop (v2sf)  }
0x1da: {  	[tilespmem:s30], [sflag:$0x1] =	stream.linear.gather [hbm4b:s25+s1], $0x400, $0x38;
	[tilespmem:$0x9680] =	vst v63  }
0x1db: {  	v6 =	vshrl.u32 v6, $0x7;
	s28 =	spop (v2sf)  }
0x1dc: {  	[tilespmem:s24], [sflag:$0x1] =	stream.linear.gather [hbm4b:s28+s1], $0x400, $0x38;
	[tilespmem:$0x9680] =	vst v63  }
0x1dd: {  	s26 =	rddreg [dreg:$0x6]  }
0x1de: {  	[tilespmem:s13], [sflag:$0x1] =	stream.indirect_vreg.gather [hbm4b:s26+s1], $0x80, v7, vm0, $0xb8;
	[tilespmem:$0x9680] =	vst v63  }
0x1df: {  	s29 =	rddreg [dreg:$0x8]  }
0x1e0: {  	[tilespmem:s14], [sflag:$0x1] =	stream.indirect_vreg.gather [hbm4b:s29+s1], $0x80, v6, vm0, $0xb8;
	[tilespmem:$0x9680] =	vst v63  }
0x1e1: {  	_ =	swait.ge [sflag:s15], $0x400  }
0x1e2: {  	[sflag:s15] =	ssyncset.done $0x0  }
0x1e3: {  	[sflag:s15] =	ssyncadd.s32 $0xFFFFFC00  }
0x1e4: {  	_ =	swait.ge [sflag:s15], $0x400  }
0x1e5: {  	[sflag:s15] =	ssyncset.done $0x0  }
0x1e6: {  	[sflag:s15] =	ssyncadd.s32 $0xFFFFFC00  }
0x1e7: {  	_ =	swait.ge [sflag:s15], $0x400  }
0x1e8: {  	[sflag:s15] =	ssyncset.done $0x0  }
0x1e9: {  	[sflag:s15] =	ssyncadd.s32 $0xFFFFFC00  }
0x1ea: {  	_ =	swait.ge [sflag:s15], $0x400  }
0x1eb: {  	[sflag:s15] =	ssyncset.done $0x0  }
0x1ec: {  	[sflag:s15] =	ssyncadd.s32 $0xFFFFFC00  }
0x1ed: {  	_ =	swait.ge [sflag:s15], $0x400  }
0x1ee: {  	[sflag:s15] =	ssyncset.done $0x0  }
0x1ef: {  	[sflag:s15] =	ssyncadd.s32 $0xFFFFFC00  }
0x1f0: {  	_ =	swait.ge [sflag:s15], $0x400  }
0x1f1: {  	[sflag:s15] =	ssyncset.done $0x0  }
0x1f2: {  	[sflag:s15] =	ssyncadd.s32 $0xFFFFFC00  }
0x1f3: {  	_ =	swait.ge [sflag:s15], $0x400  }
0x1f4: {  	[sflag:s15] =	ssyncset.done $0x0  }
0x1f5: {  	[sflag:s15] =	ssyncadd.s32 $0xFFFFFC00  }
0x1f6: {  	_ =	swait.ge [sflag:s15], $0x400  }
0x1f7: {  	[sflag:s15] =	ssyncset.done $0x0  }
0x1f8: {  	[sflag:s15] =	ssyncadd.s32 $0xFFFFFC00  }
0x1f9: {  	_ =	swait.ge [sflag:s15], $0x400  }
0x1fa: {  	[sflag:s15] =	ssyncset.done $0x0  }
0x1fb: {  	[sflag:s15] =	ssyncadd.s32 $0xFFFFFC00  }
0x1fc: {  	_ =	swait.ge [sflag:s15], $0x400  }
0x1fd: {  	[sflag:s15] =	ssyncset.done $0x0  }
0x1fe: {  	[sflag:s15] =	ssyncadd.s32 $0xFFFFFC00  }
0x1ff: {  	_ =	swait.ge [sflag:s15], $0x400  }
0x200: {  	[sflag:s15] =	ssyncset.done $0x0  }
0x201: {  	[sflag:s15] =	ssyncadd.s32 $0xFFFFFC00  }
0x202: {  	_ =	swait.ge [sflag:s15], $0x400  }
0x203: {  	[sflag:s15] =	ssyncset.done $0x0  }
0x204: {  	[sflag:s15] =	ssyncadd.s32 $0xFFFFFC00  }
0x205: {  	_ =	swait.ge [sflag:s15], $0x400  }
0x206: {  	[sflag:s15] =	ssyncset.done $0x0  }
0x207: {  	[sflag:s15] =	ssyncadd.s32 $0xFFFFFC00  }
0x208: {  	_ =	swait.ge [sflag:s15], $0x400  }
0x209: {  	[sflag:s15] =	ssyncset.done $0x0  }
0x20a: {  	[sflag:s15] =	ssyncadd.s32 $0xFFFFFC00  }
0x20b: {  	_ =	swait.ge [sflag:s15], $0x400  }
0x20c: {  	[sflag:s15] =	ssyncset.done $0x0  }
0x20d: {  	[sflag:s15] =	ssyncadd.s32 $0xFFFFFC00  }
0x20e: {  	_ =	swait.ge [sflag:s15], $0x400  }
0x20f: {  	[sflag:s15] =	ssyncset.done $0x0  }
0x210: {  	[sflag:s15] =	ssyncadd.s32 $0xFFFFFC00  }
0x211: {  	_ =	swait.ge [sflag:s15], $0x400  }
0x212: {  	[sflag:s15] =	ssyncset.done $0x0  }
0x213: {  	[sflag:s15] =	ssyncadd.s32 $0xFFFFFC00  }
0x214: {  	_ =	swait.ge [sflag:s15], $0x400  }
0x215: {  	[sflag:s15] =	ssyncset.done $0x0  }
0x216: {  	[sflag:s15] =	ssyncadd.s32 $0xFFFFFC00  }
0x217: {  	_ =	swait.ge [sflag:s15], $0x400  }
0x218: {  	[sflag:s15] =	ssyncset.done $0x0  }
0x219: {  	[sflag:s15] =	ssyncadd.s32 $0xFFFFFC00  }
0x21a: {  	_ =	swait.ge [sflag:s15], $0x400  }
0x21b: {  	[sflag:s15] =	ssyncset.done $0x0  }
0x21c: {  	[sflag:s15] =	ssyncadd.s32 $0xFFFFFC00  }
0x21d: {  	_ =	swait.ge [sflag:s15], $0x400  }
0x21e: {  	[sflag:s15] =	ssyncset.done $0x0  }
0x21f: {  	[sflag:s15] =	ssyncadd.s32 $0xFFFFFC00  }
0x220: {  	_ =	swait.ge [sflag:s15], $0x400  }
0x221: {  	[sflag:s15] =	ssyncset.done $0x0  }
0x222: {  	[sflag:s15] =	ssyncadd.s32 $0xFFFFFC00  }
0x223: {  	_ =	swait.ge [sflag:s15], $0x400  }
0x224: {  	[sflag:s15] =	ssyncset.done $0x0  }
0x225: {  	[sflag:s15] =	ssyncadd.s32 $0xFFFFFC00  }
0x226: {  	_ =	swait.ge [sflag:s15], $0x400  }
0x227: {  	[sflag:s15] =	ssyncset.done $0x0  }
0x228: {  	[sflag:s15] =	ssyncadd.s32 $0xFFFFFC00  }
0x229: {  	_ =	swait.ge [sflag:s15], $0x400  }
0x22a: {  	[sflag:s15] =	ssyncset.done $0x0  }
0x22b: {  	[sflag:s15] =	ssyncadd.s32 $0xFFFFFC00  }
0x22c: {  	_ =	swait.ge [sflag:s15], $0x400  }
0x22d: {  	[sflag:s15] =	ssyncset.done $0x0  }
0x22e: {  	[sflag:s15] =	ssyncadd.s32 $0xFFFFFC00  }
0x22f: {  	_ =	swait.ge [sflag:s15], $0x400  }
0x230: {  	[sflag:s15] =	ssyncset.done $0x0  }
0x231: {  	[sflag:s15] =	ssyncadd.s32 $0xFFFFFC00  }
0x232: {  	_ =	swait.ge [sflag:s15], $0x400  }
0x233: {  	[sflag:s15] =	ssyncset.done $0x0  }
0x234: {  	[sflag:s15] =	ssyncadd.s32 $0xFFFFFC00  }
0x235: {  	_ =	swait.ge [sflag:s15], $0x400  }
0x236: {  	[sflag:s15] =	ssyncset.done $0x0  }
0x237: {  	[sflag:s15] =	ssyncadd.s32 $0xFFFFFC00  }
0x238: {  	_ =	swait.ge [sflag:s15], $0x400  }
0x239: {  	[sflag:s15] =	ssyncset.done $0x0  }
0x23a: {  	[sflag:s15] =	ssyncadd.s32 $0xFFFFFC00  }
0x23b: {  	_ =	swait.ge [sflag:s15], $0x400  }
0x23c: {  	[sflag:s15] =	ssyncset.done $0x0  }
0x23d: {  	[sflag:s15] =	ssyncadd.s32 $0xFFFFFC00  }
0x23e: {  	_ =	swait.ge [sflag:s15], $0x400  }
0x23f: {  	[sflag:s15] =	ssyncset.done $0x0  }
0x240: {  	[sflag:s15] =	ssyncadd.s32 $0xFFFFFC00  }
0x241: {  	_ =	swait.ge [sflag:s15], $0x800  }
0x242: {  	v7 =	vld [tilespmem:$0x1FEB0]  }
0x243: {  	[sflag:s15] =	ssyncset.done $0x0  }
0x244: {  	[sflag:s15] =	ssyncadd.s32 $0xFFFFF800  }
0x245: {  	_ =	swait.ge [sflag:s15], $0x800  }
0x246: {  	v9 =	vld [tilespmem:$0x1FFF0]  }
0x247: {  	v6 =	vor.u32 v7, v4  }
0x248: {  	v15 =	vld [tilespmem:$0x1FEE0];
	v7 =	vor.u32 v7, v5  }
0x249: {  	v11 =	vld [tilespmem:$0x1FEC0]  }
0x24a: {  	[sflag:s15] =	ssyncset.done $0x0;
	v13 =	vld [tilespmem:$0x1FED0]  }
0x24b: {  	v17 =	vld [tilespmem:$0x1FEF0];
	[sflag:s15] =	ssyncadd.s32 $0xFFFFF800;
	v8 =	vor.u32 v9, v4  }
0x24c: {  	v9 =	vor.u32 v9, v5;
	v6 =	vld.idx.msk [tilespmem:v6+s11+$0x0], $0xffff  }
0x24d: {  	v14 =	vor.u32 v15, v4;
	v7 =	vld.idx.msk [tilespmem:v7+s12+$0x0], $0xffff  }
0x24e: {  	v19 =	vld [tilespmem:$0x1FF00]  }
0x24f: {  	v20 =	vld [tilespmem:$0x1FF20];
	v10 =	vor.u32 v11, v4  }
0x250: {  	v11 =	vor.u32 v11, v5;
	v8 =	vld.idx.msk [tilespmem:v8+s11+$0x0], $0xffff  }
0x251: {  	v12 =	vor.u32 v13, v4;
	v9 =	vld.idx.msk [tilespmem:v9+s12+$0x0], $0xffff  }
0x252: {  	v13 =	vor.u32 v13, v5;
	v6 =	vmul.f32 v7, v6;
	v7 =	vld.idx.msk [tilespmem:v14+s11+$0x0], $0xffff  }
0x253: {  	v15 =	vor.u32 v15, v5;
	v18 =	vor.u32 v19, v4;
	v14 =	vor.u32 v19, v5;
	v19 =	vld [tilespmem:$0x1FF10]  }
0x254: {  	v16 =	vor.u32 v17, v4;
	v10 =	vld.idx.msk [tilespmem:v10+s11+$0x0], $0xffff  }
0x255: {  	v17 =	vor.u32 v17, v5;
	v11 =	vld.idx.msk [tilespmem:v11+s12+$0x0], $0xffff  }
0x256: {  	v12 =	vld.idx.msk [tilespmem:v12+s11+$0x0], $0xffff  }
0x257: {  	v13 =	vld.idx.msk [tilespmem:v13+s12+$0x0], $0xffff;
	v8 =	vmul.f32 v9, v8  }
0x258: {  	v9 =	vld.idx.msk [tilespmem:v15+s12+$0x0], $0xffff;
	v15 =	vor.u32 v19, v4;
	v19 =	vor.u32 v19, v5  }
0x259: {  	v16 =	vld.idx.msk [tilespmem:v16+s11+$0x0], $0xffff;
	v8 =	vadd.f32 $0.0e+00, v8  }
0x25a: {  	v10 =	vmul.f32 v11, v10;
	v11 =	vld.idx.msk [tilespmem:v17+s12+$0x0], $0xffff;
	v17 =	vor.u32 v20, v4;
	v20 =	vor.u32 v20, v5  }
0x25b: {  	v21 =	vld [tilespmem:$0x1FF30];
	v6 =	vadd.f32 v6, v8  }
0x25c: {  	v18 =	vld.idx.msk [tilespmem:v18+s11+$0x0], $0xffff  }
0x25d: {  	v8 =	vmul.f32 v13, v12;
	v7 =	vmul.f32 v9, v7;
	v6 =	vadd.f32 v10, v6;
	v9 =	vld.idx.msk [tilespmem:v19+s12+$0x0], $0xffff  }
0x25e: {  	v19 =	vld [tilespmem:$0x1FF40]  }
0x25f: {  	v6 =	vadd.f32 v8, v6;
	v8 =	vmul.f32 v11, v16;
	v11 =	vld.idx.msk [tilespmem:v20+s12+$0x0], $0xffff  }
0x260: {  	v13 =	vor.u32 v21, v4;
	v20 =	vld [tilespmem:$0x1FF50]  }
0x261: {  	v12 =	vld.idx.msk [tilespmem:v14+s12+$0x0], $0xffff  }
0x262: {  	v14 =	vld.idx.msk [tilespmem:v15+s11+$0x0], $0xffff;
	v15 =	vor.u32 v21, v5  }
0x263: {  	v10 =	vor.u32 v19, v4;
	v19 =	vor.u32 v19, v5  }
0x264: {  	v17 =	vld.idx.msk [tilespmem:v17+s11+$0x0], $0xffff  }
0x265: {  	v13 =	vld.idx.msk [tilespmem:v13+s11+$0x0], $0xffff;
	v16 =	vor.u32 v20, v4;
	v20 =	vor.u32 v20, v5  }
0x266: {  	v6 =	vadd.f32 v7, v6;
	v7 =	vmul.f32 v12, v18;
	v18 =	vld [tilespmem:$0x1FF60]  }
0x267: {  	v12 =	vld.idx.msk [tilespmem:v15+s12+$0x0], $0xffff  }
0x268: {  	v6 =	vadd.f32 v8, v6;
	v8 =	vmul.f32 v9, v14;
	v9 =	vld.idx.msk [tilespmem:v19+s12+$0x0], $0xffff  }
0x269: {  	v19 =	vld [tilespmem:$0x1FF70]  }
0x26a: {  	v6 =	vadd.f32 v7, v6;
	v7 =	vmul.f32 v11, v17;
	v11 =	vld.idx.msk [tilespmem:v20+s12+$0x0], $0xffff  }
0x26b: {  	v15 =	vor.u32 v18, v4;
	v18 =	vor.u32 v18, v5;
	v20 =	vld [tilespmem:$0x1FF80];
	_ =	sdelay $0x2  }
0x26c: {  	v10 =	vld.idx.msk [tilespmem:v10+s11+$0x0], $0xffff;
	v14 =	vor.u32 v19, v4;
	v19 =	vor.u32 v19, v5  }
0x26d: {  	v6 =	vadd.f32 v8, v6;
	v16 =	vld.idx.msk [tilespmem:v16+s11+$0x0], $0xffff  }
0x26e: {  	v8 =	vmul.f32 v12, v13;
	v12 =	vld.idx.msk [tilespmem:v18+s12+$0x0], $0xffff;
	v17 =	vor.u32 v20, v4;
	v20 =	vor.u32 v20, v5  }
0x26f: {  	v18 =	vld [tilespmem:$0x1FF90]  }
0x270: {  	v15 =	vld.idx.msk [tilespmem:v15+s11+$0x0], $0xffff  }
0x271: {  	v6 =	vadd.f32 v7, v6;
	v7 =	vmul.f32 v9, v10;
	v9 =	vld.idx.msk [tilespmem:v19+s12+$0x0], $0xffff  }
0x272: {  	v19 =	vld [tilespmem:$0x1FFA0]  }
0x273: {  	v6 =	vadd.f32 v8, v6;
	v8 =	vmul.f32 v11, v16;
	v11 =	vld.idx.msk [tilespmem:v20+s12+$0x0], $0xffff  }
0x274: {  	v13 =	vor.u32 v18, v4;
	v18 =	vor.u32 v18, v5;
	v20 =	vld [tilespmem:$0x1FFB0];
	_ =	sdelay $0x2  }
0x275: {  	v14 =	vld.idx.msk [tilespmem:v14+s11+$0x0], $0xffff;
	v10 =	vor.u32 v19, v4;
	v19 =	vor.u32 v19, v5  }
0x276: {  	v6 =	vadd.f32 v7, v6;
	v17 =	vld.idx.msk [tilespmem:v17+s11+$0x0], $0xffff  }
0x277: {  	v7 =	vmul.f32 v12, v15;
	v12 =	vld.idx.msk [tilespmem:v18+s12+$0x0], $0xffff;
	v16 =	vor.u32 v20, v4;
	v20 =	vor.u32 v20, v5  }
0x278: {  	v18 =	vld [tilespmem:$0x1FFC0]  }
0x279: {  	v13 =	vld.idx.msk [tilespmem:v13+s11+$0x0], $0xffff  }
0x27a: {  	v6 =	vadd.f32 v8, v6;
	v8 =	vmul.f32 v9, v14;
	v9 =	vld.idx.msk [tilespmem:v19+s12+$0x0], $0xffff  }
0x27b: {  	v19 =	vld [tilespmem:$0x1FFD0]  }
0x27c: {  	v6 =	vadd.f32 v7, v6;
	v7 =	vmul.f32 v11, v17;
	v11 =	vld.idx.msk [tilespmem:v20+s12+$0x0], $0xffff  }
0x27d: {  	v15 =	vor.u32 v18, v4;
	v20 =	vld [tilespmem:$0x1FFE0]  }
0x27e: {  	v18 =	vor.u32 v18, v5  }
0x27f: {  	v6 =	vadd.f32 v8, v6;
	v8 =	vmul.f32 v12, v13;
	v13 =	vor.u32 v22, v4  }
0x280: {  	v10 =	vld.idx.msk [tilespmem:v10+s11+$0x0], $0xffff;
	v14 =	vor.u32 v19, v4  }
0x281: {  	v16 =	vld.idx.msk [tilespmem:v16+s11+$0x0], $0xffff;
	v19 =	vor.u32 v19, v5  }
0x282: {  	v15 =	vld.idx.msk [tilespmem:v15+s11+$0x0], $0xffff;
	v17 =	vor.u32 v20, v4  }
0x283: {  	v6 =	vadd.f32 v7, v6;
	v12 =	vld.idx.msk [tilespmem:v18+s12+$0x0], $0xffff;
	v20 =	vor.u32 v20, v5  }
0x284: {  	v18 =	vor.u32 v22, v5;
	v13 =	vld.idx.msk [tilespmem:v13+s11+$0x0], $0xffff  }
0x285: {  	v6 =	vadd.f32 v8, v6;
	v7 =	vmul.f32 v9, v10;
	v10 =	vor.u32 v23, v4;
	v14 =	vld.idx.msk [tilespmem:v14+s11+$0x0], $0xffff  }
0x286: {  	v8 =	vmul.f32 v11, v16;
	v16 =	vor.u32 v24, v4;
	v9 =	vld.idx.msk [tilespmem:v19+s12+$0x0], $0xffff  }
0x287: {  	v6 =	vadd.f32 v7, v6;
	v19 =	vor.u32 v23, v5;
	v17 =	vld.idx.msk [tilespmem:v17+s11+$0x0], $0xffff  }
0x288: {  	v7 =	vmul.f32 v12, v15;
	v15 =	vor.u32 v25, v4;
	v11 =	vld.idx.msk [tilespmem:v20+s12+$0x0], $0xffff  }
0x289: {  	v12 =	vld.idx.msk [tilespmem:v18+s12+$0x0], $0xffff;
	v6 =	vadd.f32 v8, v6;
	v20 =	vor.u32 v24, v5  }
0x28a: {  	v18 =	vor.u32 v25, v5;
	v10 =	vld.idx.msk [tilespmem:v10+s11+$0x0], $0xffff  }
0x28b: {  	v16 =	vld.idx.msk [tilespmem:v16+s11+$0x0], $0xffff;
	v6 =	vadd.f32 v7, v6;
	v8 =	vmul.f32 v9, v14;
	v14 =	vor.u32 v26, v4  }
0x28c: {  	v9 =	vld.idx.msk [tilespmem:v19+s12+$0x0], $0xffff;
	v19 =	vor.u32 v26, v5  }
0x28d: {  	v15 =	vld.idx.msk [tilespmem:v15+s11+$0x0], $0xffff;
	v7 =	vmul.f32 v11, v17;
	v17 =	vor.u32 v27, v4;
	v6 =	vadd.f32 v8, v6  }
0x28e: {  	v11 =	vld.idx.msk [tilespmem:v20+s12+$0x0], $0xffff;
	v20 =	vor.u32 v27, v5  }
0x28f: {  	v8 =	vmul.f32 v12, v13;
	v12 =	vld.idx.msk [tilespmem:v18+s12+$0x0], $0xffff;
	v13 =	vor.u32 v28, v4;
	v6 =	vadd.f32 v7, v6  }
0x290: {  	v18 =	vor.u32 v28, v5;
	v14 =	vld.idx.msk [tilespmem:v14+s11+$0x0], $0xffff  }
0x291: {  	v7 =	vmul.f32 v9, v10;
	v9 =	vld.idx.msk [tilespmem:v19+s12+$0x0], $0xffff;
	v10 =	vor.u32 v29, v4;
	v6 =	vadd.f32 v8, v6  }
0x292: {  	v19 =	vor.u32 v29, v5;
	v17 =	vld.idx.msk [tilespmem:v17+s11+$0x0], $0xffff  }
0x293: {  	v8 =	vmul.f32 v11, v16;
	v11 =	vld.idx.msk [tilespmem:v20+s12+$0x0], $0xffff;
	v16 =	vor.u32 v30, v4;
	v6 =	vadd.f32 v7, v6  }
0x294: {  	v20 =	vor.u32 v30, v5;
	v13 =	vld.idx.msk [tilespmem:v13+s11+$0x0], $0xffff  }
0x295: {  	v7 =	vmul.f32 v12, v15;
	v12 =	vld.idx.msk [tilespmem:v18+s12+$0x0], $0xffff;
	v15 =	vor.u32 v31, v4;
	v6 =	vadd.f32 v8, v6  }
0x296: {  	v18 =	vor.u32 v31, v5;
	v10 =	vld.idx.msk [tilespmem:v10+s11+$0x0], $0xffff  }
0x297: {  	v8 =	vmul.f32 v9, v14;
	v9 =	vld.idx.msk [tilespmem:v19+s12+$0x0], $0xffff;
	v14 =	vor.u32 v32, v4;
	v6 =	vadd.f32 v7, v6  }
0x298: {  	v19 =	vor.u32 v32, v5;
	v16 =	vld.idx.msk [tilespmem:v16+s11+$0x0], $0xffff  }
0x299: {  	v7 =	vmul.f32 v11, v17;
	v11 =	vld.idx.msk [tilespmem:v20+s12+$0x0], $0xffff;
	v17 =	vor.u32 v33, v4;
	v6 =	vadd.f32 v8, v6  }
0x29a: {  	v20 =	vor.u32 v33, v5;
	v15 =	vld.idx.msk [tilespmem:v15+s11+$0x0], $0xffff  }
0x29b: {  	v12 =	vmul.f32 v12, v13;
	v8 =	vld.idx.msk [tilespmem:v18+s12+$0x0], $0xffff;
	v18 =	vor.u32 v34, v4;
	v6 =	vadd.f32 v7, v6  }
0x29c: {  	v13 =	vld.idx.msk [tilespmem:v14+s11+$0x0], $0xffff;
	v14 =	vor.u32 v34, v5  }
0x29d: {  	v7 =	vmul.f32 v9, v10;
	v9 =	vld.idx.msk [tilespmem:v19+s12+$0x0], $0xffff;
	v10 =	vor.u32 v35, v4;
	v6 =	vadd.f32 v12, v6  }
0x29e: {  	v19 =	vor.u32 v35, v5;
	v17 =	vld.idx.msk [tilespmem:v17+s11+$0x0], $0xffff  }
0x29f: {  	v11 =	vmul.f32 v11, v16;
	v16 =	vor.u32 v36, v4;
	v12 =	vld.idx.msk [tilespmem:v20+s12+$0x0], $0xffff;
	v6 =	vadd.f32 v7, v6  }
0x2a0: {  	v20 =	vor.u32 v36, v5;
	v18 =	vld.idx.msk [tilespmem:v18+s11+$0x0], $0xffff  }
0x2a1: {  	v7 =	vmul.f32 v8, v15;
	v8 =	vld.idx.msk [tilespmem:v14+s12+$0x0], $0xffff;
	v14 =	vor.u32 v37, v4;
	v6 =	vadd.f32 v11, v6  }
0x2a2: {  	v15 =	vor.u32 v37, v5;
	v10 =	vld.idx.msk [tilespmem:v10+s11+$0x0], $0xffff  }
0x2a3: {  	v9 =	vmul.f32 v9, v13;
	v11 =	vld.idx.msk [tilespmem:v19+s12+$0x0], $0xffff;
	v19 =	vor.u32 v38, v4;
	v6 =	vadd.f32 v7, v6  }
0x2a4: {  	v13 =	vld.idx.msk [tilespmem:v16+s11+$0x0], $0xffff;
	v16 =	vor.u32 v38, v5  }
0x2a5: {  	v7 =	vmul.f32 v12, v17;
	v12 =	vld.idx.msk [tilespmem:v20+s12+$0x0], $0xffff;
	v17 =	vor.u32 v39, v4;
	v6 =	vadd.f32 v9, v6  }
0x2a6: {  	v20 =	vor.u32 v39, v5;
	v14 =	vld.idx.msk [tilespmem:v14+s11+$0x0], $0xffff  }
0x2a7: {  	v8 =	vmul.f32 v8, v18;
	v9 =	vld.idx.msk [tilespmem:v15+s12+$0x0], $0xffff;
	v15 =	vor.u32 v40, v4;
	v6 =	vadd.f32 v7, v6  }
0x2a8: {  	v18 =	vld.idx.msk [tilespmem:v19+s11+$0x0], $0xffff;
	v19 =	vor.u32 v40, v5  }
0x2a9: {  	v7 =	vmul.f32 v11, v10;
	v10 =	vld.idx.msk [tilespmem:v16+s12+$0x0], $0xffff;
	v11 =	vor.u32 v41, v4;
	v6 =	vadd.f32 v8, v6  }
0x2aa: {  	v16 =	vld.idx.msk [tilespmem:v17+s11+$0x0], $0xffff;
	v17 =	vor.u32 v41, v5  }
0x2ab: {  	v8 =	vmul.f32 v12, v13;
	v12 =	vld.idx.msk [tilespmem:v20+s12+$0x0], $0xffff;
	v13 =	vor.u32 v42, v4;
	v6 =	vadd.f32 v7, v6  }
0x2ac: {  	v20 =	vor.u32 v42, v5;
	v15 =	vld.idx.msk [tilespmem:v15+s11+$0x0], $0xffff  }
0x2ad: {  	v7 =	vmul.f32 v9, v14;
	v9 =	vld.idx.msk [tilespmem:v19+s12+$0x0], $0xffff;
	v14 =	vor.u32 v43, v4;
	v6 =	vadd.f32 v8, v6  }
0x2ae: {  	v19 =	vor.u32 v43, v5;
	v11 =	vld.idx.msk [tilespmem:v11+s11+$0x0], $0xffff  }
0x2af: {  	v8 =	vmul.f32 v10, v18;
	v10 =	vld.idx.msk [tilespmem:v17+s12+$0x0], $0xffff;
	v17 =	vor.u32 v44, v4;
	v6 =	vadd.f32 v7, v6  }
0x2b0: {  	v18 =	vor.u32 v44, v5;
	v13 =	vld.idx.msk [tilespmem:v13+s11+$0x0], $0xffff  }
0x2b1: {  	v7 =	vmul.f32 v12, v16;
	v12 =	vld.idx.msk [tilespmem:v20+s12+$0x0], $0xffff;
	v16 =	vor.u32 v45, v4;
	v6 =	vadd.f32 v8, v6  }
0x2b2: {  	v20 =	vor.u32 v45, v5;
	v14 =	vld.idx.msk [tilespmem:v14+s11+$0x0], $0xffff  }
0x2b3: {  	v8 =	vmul.f32 v9, v15;
	v9 =	vld.idx.msk [tilespmem:v19+s12+$0x0], $0xffff;
	v15 =	vor.u32 v46, v4;
	v6 =	vadd.f32 v7, v6  }
0x2b4: {  	v19 =	vor.u32 v46, v5;
	v17 =	vld.idx.msk [tilespmem:v17+s11+$0x0], $0xffff  }
0x2b5: {  	v7 =	vmul.f32 v10, v11;
	v10 =	vld.idx.msk [tilespmem:v18+s12+$0x0], $0xffff;
	v11 =	vor.u32 v47, v4;
	v6 =	vadd.f32 v8, v6  }
0x2b6: {  	v18 =	vor.u32 v47, v5;
	v16 =	vld.idx.msk [tilespmem:v16+s11+$0x0], $0xffff  }
0x2b7: {  	v8 =	vmul.f32 v12, v13;
	v12 =	vld.idx.msk [tilespmem:v20+s12+$0x0], $0xffff;
	v13 =	vor.u32 v48, v4;
	v6 =	vadd.f32 v7, v6  }
0x2b8: {  	v20 =	vor.u32 v48, v5;
	v15 =	vld.idx.msk [tilespmem:v15+s11+$0x0], $0xffff  }
0x2b9: {  	v7 =	vmul.f32 v9, v14;
	v9 =	vld.idx.msk [tilespmem:v19+s12+$0x0], $0xffff;
	v14 =	vor.u32 v49, v4;
	v6 =	vadd.f32 v8, v6  }
0x2ba: {  	v19 =	vor.u32 v49, v5;
	v11 =	vld.idx.msk [tilespmem:v11+s11+$0x0], $0xffff  }
0x2bb: {  	v8 =	vmul.f32 v10, v17;
	v10 =	vld.idx.msk [tilespmem:v18+s12+$0x0], $0xffff;
	v17 =	vor.u32 v50, v4;
	v6 =	vadd.f32 v7, v6  }
0x2bc: {  	v18 =	vor.u32 v50, v5;
	v13 =	vld.idx.msk [tilespmem:v13+s11+$0x0], $0xffff  }
0x2bd: {  	v7 =	vmul.f32 v12, v16;
	v12 =	vld.idx.msk [tilespmem:v20+s12+$0x0], $0xffff;
	v16 =	vor.u32 v51, v4;
	v6 =	vadd.f32 v8, v6  }
0x2be: {  	v20 =	vor.u32 v51, v5;
	v14 =	vld.idx.msk [tilespmem:v14+s11+$0x0], $0xffff  }
0x2bf: {  	v8 =	vmul.f32 v9, v15;
	v9 =	vld.idx.msk [tilespmem:v19+s12+$0x0], $0xffff;
	v15 =	vor.u32 v52, v4;
	v6 =	vadd.f32 v7, v6  }
0x2c0: {  	v19 =	vor.u32 v52, v5;
	v17 =	vld.idx.msk [tilespmem:v17+s11+$0x0], $0xffff  }
0x2c1: {  	v7 =	vmul.f32 v10, v11;
	v10 =	vld.idx.msk [tilespmem:v18+s12+$0x0], $0xffff;
	v11 =	vor.u32 v53, v4;
	v6 =	vadd.f32 v8, v6  }
0x2c2: {  	v18 =	vor.u32 v53, v5;
	v16 =	vld.idx.msk [tilespmem:v16+s11+$0x0], $0xffff  }
0x2c3: {  	v8 =	vmul.f32 v12, v13;
	v12 =	vld.idx.msk [tilespmem:v20+s12+$0x0], $0xffff;
	v13 =	vor.u32 v54, v4;
	v6 =	vadd.f32 v7, v6  }
0x2c4: {  	v20 =	vor.u32 v54, v5;
	v15 =	vld.idx.msk [tilespmem:v15+s11+$0x0], $0xffff  }
0x2c5: {  	v7 =	vmul.f32 v9, v14;
	v9 =	vld.idx.msk [tilespmem:v19+s12+$0x0], $0xffff;
	v14 =	vor.u32 v55, v4;
	v6 =	vadd.f32 v8, v6  }
0x2c6: {  	v19 =	vor.u32 v55, v5;
	v11 =	vld.idx.msk [tilespmem:v11+s11+$0x0], $0xffff  }
0x2c7: {  	v8 =	vmul.f32 v10, v17;
	v10 =	vld.idx.msk [tilespmem:v18+s12+$0x0], $0xffff;
	v17 =	vor.u32 v56, v4;
	v6 =	vadd.f32 v7, v6  }
0x2c8: {  	v18 =	vor.u32 v56, v5;
	v13 =	vld.idx.msk [tilespmem:v13+s11+$0x0], $0xffff  }
0x2c9: {  	v7 =	vmul.f32 v12, v16;
	v12 =	vld.idx.msk [tilespmem:v20+s12+$0x0], $0xffff;
	v16 =	vor.u32 v57, v4;
	v6 =	vadd.f32 v8, v6  }
0x2ca: {  	v20 =	vor.u32 v57, v5;
	v14 =	vld.idx.msk [tilespmem:v14+s11+$0x0], $0xffff  }
0x2cb: {  	v8 =	vmul.f32 v9, v15;
	v9 =	vld.idx.msk [tilespmem:v19+s12+$0x0], $0xffff;
	v15 =	vor.u32 v58, v4;
	v6 =	vadd.f32 v7, v6  }
0x2cc: {  	v19 =	vor.u32 v58, v5;
	v17 =	vld.idx.msk [tilespmem:v17+s11+$0x0], $0xffff  }
0x2cd: {  	v7 =	vmul.f32 v10, v11;
	v10 =	vld.idx.msk [tilespmem:v18+s12+$0x0], $0xffff;
	v11 =	vor.u32 v59, v4;
	v6 =	vadd.f32 v8, v6  }
0x2ce: {  	v18 =	vor.u32 v59, v5;
	v16 =	vld.idx.msk [tilespmem:v16+s11+$0x0], $0xffff  }
0x2cf: {  	v8 =	vmul.f32 v12, v13;
	v12 =	vld.idx.msk [tilespmem:v20+s12+$0x0], $0xffff;
	v13 =	vor.u32 v60, v4;
	v6 =	vadd.f32 v7, v6  }
0x2d0: {  	v20 =	vor.u32 v60, v5;
	v15 =	vld.idx.msk [tilespmem:v15+s11+$0x0], $0xffff  }
0x2d1: {  	v7 =	vmul.f32 v9, v14;
	v9 =	vld.idx.msk [tilespmem:v19+s12+$0x0], $0xffff;
	v14 =	vor.u32 v61, v4;
	v6 =	vadd.f32 v8, v6  }
0x2d2: {  	v19 =	vor.u32 v61, v5;
	v11 =	vld.idx.msk [tilespmem:v11+s11+$0x0], $0xffff  }
0x2d3: {  	v8 =	vmul.f32 v10, v17;
	v10 =	vld.idx.msk [tilespmem:v18+s12+$0x0], $0xffff;
	v17 =	vor.u32 v62, v4;
	v6 =	vadd.f32 v7, v6  }
0x2d4: {  	v18 =	vor.u32 v62, v5;
	v13 =	vld.idx.msk [tilespmem:v13+s11+$0x0], $0xffff  }
0x2d5: {  	v7 =	vmul.f32 v12, v16;
	v12 =	vld.idx.msk [tilespmem:v20+s12+$0x0], $0xffff;
	v16 =	vor.u32 v0, v4;
	v6 =	vadd.f32 v8, v6  }
0x2d6: {  	v4 =	vor.u32 v1, v4;
	v14 =	vld.idx.msk [tilespmem:v14+s11+$0x0], $0xffff  }
0x2d7: {  	v20 =	vor.u32 v0, v5;
	v9 =	vmul.f32 v9, v15;
	v8 =	vld.idx.msk [tilespmem:v19+s12+$0x0], $0xffff;
	v6 =	vadd.f32 v7, v6  }
0x2d8: {  	v15 =	vld.idx.msk [tilespmem:v17+s11+$0x0], $0xffff  }
0x2d9: {  	v5 =	vor.u32 v1, v5;
	v10 =	vmul.f32 v10, v11;
	v11 =	vld.idx.msk [tilespmem:v18+s12+$0x0], $0xffff;
	v6 =	vadd.f32 v9, v6  }
0x2da: {  	v16 =	vld.idx.msk [tilespmem:v16+s11+$0x0], $0xffff  }
0x2db: {  	s20 =	smov.u32 s19;
	v12 =	vmul.f32 v12, v13;
	v17 =	vld.idx.msk [tilespmem:v4+s11+$0x0], $0xffff;
	v4 =	vadd.f32 v10, v6  }
0x2dc: {  	s18 =	smov.u32 s21;
	s21 =	sshra.s32 s20, $0x2;
	v9 =	vld.idx.msk [tilespmem:v20+s12+$0x0], $0xffff  }
0x2dd: {  	v2 =	vor.u32 v63, v2;
	v7 =	vld [tilespmem:s21+$0x0];
	v8 =	vmul.f32 v8, v14;
	v4 =	vadd.f32 v12, v4  }
0x2de: {  	v3 =	vor.u32 v63, v3;
	v5 =	vld.idx.msk [tilespmem:v5+s12+$0x0], $0xffff  }
0x2df: {  	v6 =	vld [tilespmem:s21+$0x200];
	v10 =	vmul.f32 v11, v15;
	v8 =	vadd.f32 v8, v4;
	_ =	sdelay $0x1  }
0x2e0: {  	v9 =	vmul.f32 v9, v16;
	v10 =	vadd.f32 v10, v8  }
0x2e1: {  	v11 =	vld.idx.msk [tilespmem:v2+s13+$0x0], $0xffff  }
0x2e2: {  	v18 =	vld.idx.msk [tilespmem:v3+s14+$0x0], $0xffff;
	v3 =	vand.u32 $0xFFFFFFF8, v7;
	v13 =	vmul.f32 v5, v17;
	v10 =	vadd.f32 v9, v10  }
0x2e3: {  	p0 =	sne.s32 s19, $0x7C0;
	s30 =	rddreg [dreg:$0x5];
	v2 =	vand.u32 $0x7F, v7;
	v3 =	vshll.u32 v3, $0x4;
	v19 =	vand.u32 $0xFFFFFFF8, v6  }
.Ltmp0:
0x2e4: {  	s31 =	rddreg [dreg:$0x7];
	v8 =	vadd.s32 s30, v3;
	v3 =	vshll.u32 v19, $0x4;
	v10 =	vadd.f32 v13, v10;
	(pc) =	sbr.rel @p0 .LBB2_2-.Ltmp0, $4  }
0x2e5: {  	v4 =	vshll.u32 v7, $0x7;
	(v2sf) =	vpush v8, $0x0;
	v9 =	vadd.s32 s31, v3  }
0x2e6: {  	v5 =	vshll.u32 v6, $0x7;
	(v2sf) =	vpush v9, $0x0;
	v10 =	vadd.f32 v10, v11  }
0x2e7: {  	v4 =	vand.u32 $0x380, v4;
	v5 =	vand.u32 $0x380, v5;
	(v2sf) =	vpush v8, $0x1  }
0x2e8: {  	s19 =	sadd.s32 $0x40, s19;
	v3 =	vand.u32 $0x7F, v6;
	(v2sf) =	vpush v9, $0x1;
	v10 =	vadd.f32 v10, v18  }
0x2e9: {  	_ =	sdelay $0x3  }
0x2ea: {  	(v2sf) =	vpush v8, $0x2;
	v20 =	vld [tilespmem:$0x1FEA0];
	_ =	sdelay $0x1  }
0x2eb: {  	(v2sf) =	vpush v9, $0x2;
	_ =	sdelay $0x1  }
0x2ec: {  	(v2sf) =	vpush v8, $0x3  }
0x2ed: {  	v10 =	vadd.f32 v10, v20  }
0x2ee: {  	(v2sf) =	vpush v9, $0x3  }
0x2ef: {  	[tilespmem:s18+$0x9400] =	vst v10;
	s23 =	spop (v2sf)  }
0x2f0: {  	(v2sf) =	vpush v8, $0x4;
	[tilespmem:s11], [sflag:$0x1] =	stream.linear.gather [hbm4b:s23+s1], $0x400, $0x38;
	[tilespmem:$0x9680] =	vst v63  }
0x2f1: {  	s24 =	rddreg [dreg:$0x9];
	s19 =	spop (v2sf)  }
0x2f2: {  	(v2sf) =	vpush v9, $0x4;
	[tilespmem:s12], [sflag:$0x1] =	stream.linear.gather [hbm4b:s19+s1], $0x400, $0x38;
	[tilespmem:$0x9680] =	vst v63  }
0x2f3: {  	s25 =	rddreg [dreg:$0xa];
	s20 =	spop (v2sf)  }
0x2f4: {  	(v2sf) =	vpush v8, $0x5;
	[tilespmem:s24], [sflag:$0x1] =	stream.linear.gather [hbm4b:s20+s1], $0x400, $0x38;
	[tilespmem:$0x9680] =	vst v63  }
0x2f5: {  	s26 =	rddreg [dreg:$0xb];
	s28 =	spop (v2sf)  }
0x2f6: {  	(v2sf) =	vpush v9, $0x5;
	[tilespmem:s25], [sflag:$0x1] =	stream.linear.gather [hbm4b:s28+s1], $0x400, $0x38;
	[tilespmem:$0x9680] =	vst v63  }
0x2f7: {  	s29 =	rddreg [dreg:$0xc];
	s30 =	spop (v2sf)  }
0x2f8: {  	(v2sf) =	vpush v8, $0x6;
	[tilespmem:s26], [sflag:$0x1] =	stream.linear.gather [hbm4b:s30+s1], $0x400, $0x38;
	[tilespmem:$0x9680] =	vst v63  }
0x2f9: {  	s31 =	rddreg [dreg:$0xd];
	s22 =	spop (v2sf)  }
0x2fa: {  	(v2sf) =	vpush v9, $0x6;
	[tilespmem:s29], [sflag:$0x1] =	stream.linear.gather [hbm4b:s22+s1], $0x400, $0x38;
	[tilespmem:$0x9680] =	vst v63  }
0x2fb: {  	s23 =	rddreg [dreg:$0xe];
	s24 =	spop (v2sf)  }
0x2fc: {  	(v2sf) =	vpush v8, $0x7;
	[tilespmem:s31], [sflag:$0x1] =	stream.linear.gather [hbm4b:s24+s1], $0x400, $0x38;
	[tilespmem:$0x9680] =	vst v63  }
0x2fd: {  	s25 =	rddreg [dreg:$0xf];
	s26 =	spop (v2sf)  }
0x2fe: {  	(v2sf) =	vpush v9, $0x7;
	[tilespmem:s23], [sflag:$0x1] =	stream.linear.gather [hbm4b:s26+s1], $0x400, $0x38;
	[tilespmem:$0x9680] =	vst v63  }
0x2ff: {  	s28 =	rddreg [dreg:$0x10];
	s29 =	spop (v2sf)  }
0x300: {  	(v2sf) =	vpush v8, $0x8;
	[tilespmem:s25], [sflag:$0x1] =	stream.linear.gather [hbm4b:s29+s1], $0x400, $0x38;
	[tilespmem:$0x9680] =	vst v63  }
0x301: {  	s30 =	rddreg [dreg:$0x11];
	s31 =	spop (v2sf)  }
0x302: {  	(v2sf) =	vpush v9, $0x8;
	[tilespmem:s28], [sflag:$0x1] =	stream.linear.gather [hbm4b:s31+s1], $0x400, $0x38;
	[tilespmem:$0x9680] =	vst v63  }
0x303: {  	s22 =	rddreg [dreg:$0x12];
	s23 =	spop (v2sf)  }
0x304: {  	(v2sf) =	vpush v8, $0x9;
	[tilespmem:s30], [sflag:$0x1] =	stream.linear.gather [hbm4b:s23+s1], $0x400, $0x38;
	[tilespmem:$0x9680] =	vst v63  }
0x305: {  	s24 =	rddreg [dreg:$0x13];
	s25 =	spop (v2sf)  }
0x306: {  	(v2sf) =	vpush v9, $0x9;
	[tilespmem:s22], [sflag:$0x1] =	stream.linear.gather [hbm4b:s25+s1], $0x400, $0x38;
	[tilespmem:$0x9680] =	vst v63  }
0x307: {  	s26 =	rddreg [dreg:$0x14];
	s28 =	spop (v2sf)  }
0x308: {  	(v2sf) =	vpush v8, $0xA;
	[tilespmem:s24], [sflag:$0x1] =	stream.linear.gather [hbm4b:s28+s1], $0x400, $0x38;
	[tilespmem:$0x9680] =	vst v63  }
0x309: {  	s29 =	rddreg [dreg:$0x15];
	s30 =	spop (v2sf)  }
0x30a: {  	(v2sf) =	vpush v9, $0xA;
	[tilespmem:s26], [sflag:$0x1] =	stream.linear.gather [hbm4b:s30+s1], $0x400, $0x38;
	[tilespmem:$0x9680] =	vst v63  }
0x30b: {  	s31 =	rddreg [dreg:$0x16];
	s22 =	spop (v2sf)  }
0x30c: {  	(v2sf) =	vpush v8, $0xB;
	[tilespmem:s29], [sflag:$0x1] =	stream.linear.gather [hbm4b:s22+s1], $0x400, $0x38;
	[tilespmem:$0x9680] =	vst v63  }
0x30d: {  	s23 =	rddreg [dreg:$0x17];
	s24 =	spop (v2sf)  }
0x30e: {  	(v2sf) =	vpush v9, $0xB;
	[tilespmem:s31], [sflag:$0x1] =	stream.linear.gather [hbm4b:s24+s1], $0x400, $0x38;
	[tilespmem:$0x9680] =	vst v63  }
0x30f: {  	s25 =	rddreg [dreg:$0x18];
	s26 =	spop (v2sf)  }
0x310: {  	(v2sf) =	vpush v8, $0xC;
	[tilespmem:s23], [sflag:$0x1] =	stream.linear.gather [hbm4b:s26+s1], $0x400, $0x38;
	[tilespmem:$0x9680] =	vst v63  }
0x311: {  	s28 =	rddreg [dreg:$0x19];
	s29 =	spop (v2sf)  }
0x312: {  	(v2sf) =	vpush v9, $0xC;
	[tilespmem:s25], [sflag:$0x1] =	stream.linear.gather [hbm4b:s29+s1], $0x400, $0x38;
	[tilespmem:$0x9680] =	vst v63  }
0x313: {  	s30 =	rddreg [dreg:$0x1a];
	s31 =	spop (v2sf)  }
0x314: {  	(v2sf) =	vpush v8, $0xD;
	[tilespmem:s28], [sflag:$0x1] =	stream.linear.gather [hbm4b:s31+s1], $0x400, $0x38;
	[tilespmem:$0x9680] =	vst v63  }
0x315: {  	s22 =	rddreg [dreg:$0x1b];
	s23 =	spop (v2sf)  }
0x316: {  	(v2sf) =	vpush v9, $0xD;
	[tilespmem:s30], [sflag:$0x1] =	stream.linear.gather [hbm4b:s23+s1], $0x400, $0x38;
	[tilespmem:$0x9680] =	vst v63  }
0x317: {  	s24 =	rddreg [dreg:$0x1c];
	s25 =	spop (v2sf)  }
0x318: {  	(v2sf) =	vpush v8, $0xE;
	[tilespmem:s22], [sflag:$0x1] =	stream.linear.gather [hbm4b:s25+s1], $0x400, $0x38;
	[tilespmem:$0x9680] =	vst v63  }
0x319: {  	s26 =	rddreg [dreg:$0x1d];
	s28 =	spop (v2sf)  }
0x31a: {  	(v2sf) =	vpush v9, $0xE;
	[tilespmem:s24], [sflag:$0x1] =	stream.linear.gather [hbm4b:s28+s1], $0x400, $0x38;
	[tilespmem:$0x9680] =	vst v63  }
0x31b: {  	s29 =	rddreg [dreg:$0x1e];
	s30 =	spop (v2sf)  }
0x31c: {  	(v2sf) =	vpush v8, $0xF;
	[tilespmem:s26], [sflag:$0x1] =	stream.linear.gather [hbm4b:s30+s1], $0x400, $0x38;
	[tilespmem:$0x9680] =	vst v63  }
0x31d: {  	s31 =	rddreg [dreg:$0x1f];
	s22 =	spop (v2sf)  }
0x31e: {  	(v2sf) =	vpush v9, $0xF;
	[tilespmem:s29], [sflag:$0x1] =	stream.linear.gather [hbm4b:s22+s1], $0x400, $0x38;
	[tilespmem:$0x9680] =	vst v63  }
0x31f: {  	s23 =	sld [smem:$0x7F7];
	s24 =	spop (v2sf)  }
0x320: {  	[tilespmem:s31], [sflag:$0x1] =	stream.linear.gather [hbm4b:s24+s1], $0x400, $0x38;
	[tilespmem:$0x9680] =	vst v63  }
0x321: {  	s25 =	sld [smem:$0x7F8];
	s26 =	spop (v2sf)  }
0x322: {  	[tilespmem:s23], [sflag:$0x1] =	stream.linear.gather [hbm4b:s26+s1], $0x400, $0x38;
	[tilespmem:$0x9680] =	vst v63  }
0x323: {  	s28 =	sld [smem:$0x7F9];
	s29 =	spop (v2sf)  }
0x324: {  	[tilespmem:s25], [sflag:$0x1] =	stream.linear.gather [hbm4b:s29+s1], $0x400, $0x38;
	[tilespmem:$0x9680] =	vst v63  }
0x325: {  	s30 =	sld [smem:$0x7FA];
	s31 =	spop (v2sf)  }
0x326: {  	[tilespmem:s28], [sflag:$0x1] =	stream.linear.gather [hbm4b:s31+s1], $0x400, $0x38;
	[tilespmem:$0x9680] =	vst v63  }
0x327: {  	s22 =	sld [smem:$0x7FB];
	s23 =	spop (v2sf)  }
0x328: {  	[tilespmem:s30], [sflag:$0x1] =	stream.linear.gather [hbm4b:s23+s1], $0x400, $0x38;
	[tilespmem:$0x9680] =	vst v63  }
0x329: {  	s24 =	sld [smem:$0x7FC];
	s25 =	spop (v2sf)  }
0x32a: {  	[tilespmem:s22], [sflag:$0x1] =	stream.linear.gather [hbm4b:s25+s1], $0x400, $0x38;
	[tilespmem:$0x9680] =	vst v63  }
0x32b: {  	v7 =	vshrl.u32 v7, $0x7;
	s26 =	sld [smem:$0x7FD];
	s28 =	spop (v2sf)  }
0x32c: {  	[tilespmem:s24], [sflag:$0x1] =	stream.linear.gather [hbm4b:s28+s1], $0x400, $0x38;
	[tilespmem:$0x9680] =	vst v63  }
0x32d: {  	v6 =	vshrl.u32 v6, $0x7;
	s30 =	spop (v2sf)  }
0x32e: {  	[tilespmem:s26], [sflag:$0x1] =	stream.linear.gather [hbm4b:s30+s1], $0x400, $0x38;
	[tilespmem:$0x9680] =	vst v63  }
0x32f: {  	s29 =	rddreg [dreg:$0x6]  }
0x330: {  	[tilespmem:s13], [sflag:$0x1] =	stream.indirect_vreg.gather [hbm4b:s29+s1], $0x80, v7, vm0, $0xb8;
	[tilespmem:$0x9680] =	vst v63  }
0x331: {  	s31 =	rddreg [dreg:$0x8]  }
0x332: {  	[tilespmem:s14], [sflag:$0x1] =	stream.indirect_vreg.gather [hbm4b:s31+s1], $0x80, v6, vm0, $0xb8;
	[tilespmem:$0x9680] =	vst v63  }
0x333: {  	_ =	swait.ge [sflag:s15], $0x400  }
0x334: {  	[sflag:s15] =	ssyncset.done $0x0  }
0x335: {  	[sflag:s15] =	ssyncadd.s32 $0xFFFFFC00  }
0x336: {  	_ =	swait.ge [sflag:s15], $0x400  }
0x337: {  	[sflag:s15] =	ssyncset.done $0x0  }
0x338: {  	[sflag:s15] =	ssyncadd.s32 $0xFFFFFC00  }
0x339: {  	_ =	swait.ge [sflag:s15], $0x400  }
0x33a: {  	[sflag:s15] =	ssyncset.done $0x0  }
0x33b: {  	[sflag:s15] =	ssyncadd.s32 $0xFFFFFC00  }
0x33c: {  	_ =	swait.ge [sflag:s15], $0x400  }
0x33d: {  	[sflag:s15] =	ssyncset.done $0x0  }
0x33e: {  	[sflag:s15] =	ssyncadd.s32 $0xFFFFFC00  }
0x33f: {  	_ =	swait.ge [sflag:s15], $0x400  }
0x340: {  	[sflag:s15] =	ssyncset.done $0x0  }
0x341: {  	[sflag:s15] =	ssyncadd.s32 $0xFFFFFC00  }
0x342: {  	_ =	swait.ge [sflag:s15], $0x400  }
0x343: {  	[sflag:s15] =	ssyncset.done $0x0  }
0x344: {  	[sflag:s15] =	ssyncadd.s32 $0xFFFFFC00  }
0x345: {  	_ =	swait.ge [sflag:s15], $0x400  }
0x346: {  	[sflag:s15] =	ssyncset.done $0x0  }
0x347: {  	[sflag:s15] =	ssyncadd.s32 $0xFFFFFC00  }
0x348: {  	_ =	swait.ge [sflag:s15], $0x400  }
0x349: {  	[sflag:s15] =	ssyncset.done $0x0  }
0x34a: {  	[sflag:s15] =	ssyncadd.s32 $0xFFFFFC00  }
0x34b: {  	_ =	swait.ge [sflag:s15], $0x400  }
0x34c: {  	[sflag:s15] =	ssyncset.done $0x0  }
0x34d: {  	[sflag:s15] =	ssyncadd.s32 $0xFFFFFC00  }
0x34e: {  	_ =	swait.ge [sflag:s15], $0x400  }
0x34f: {  	[sflag:s15] =	ssyncset.done $0x0  }
0x350: {  	[sflag:s15] =	ssyncadd.s32 $0xFFFFFC00  }
0x351: {  	_ =	swait.ge [sflag:s15], $0x400  }
0x352: {  	[sflag:s15] =	ssyncset.done $0x0  }
0x353: {  	[sflag:s15] =	ssyncadd.s32 $0xFFFFFC00  }
0x354: {  	_ =	swait.ge [sflag:s15], $0x400  }
0x355: {  	[sflag:s15] =	ssyncset.done $0x0  }
0x356: {  	[sflag:s15] =	ssyncadd.s32 $0xFFFFFC00  }
0x357: {  	_ =	swait.ge [sflag:s15], $0x400  }
0x358: {  	[sflag:s15] =	ssyncset.done $0x0  }
0x359: {  	[sflag:s15] =	ssyncadd.s32 $0xFFFFFC00  }
0x35a: {  	_ =	swait.ge [sflag:s15], $0x400  }
0x35b: {  	[sflag:s15] =	ssyncset.done $0x0  }
0x35c: {  	[sflag:s15] =	ssyncadd.s32 $0xFFFFFC00  }
0x35d: {  	_ =	swait.ge [sflag:s15], $0x400  }
0x35e: {  	[sflag:s15] =	ssyncset.done $0x0  }
0x35f: {  	[sflag:s15] =	ssyncadd.s32 $0xFFFFFC00  }
0x360: {  	_ =	swait.ge [sflag:s15], $0x400  }
0x361: {  	[sflag:s15] =	ssyncset.done $0x0  }
0x362: {  	[sflag:s15] =	ssyncadd.s32 $0xFFFFFC00  }
0x363: {  	_ =	swait.ge [sflag:s15], $0x400  }
0x364: {  	[sflag:s15] =	ssyncset.done $0x0  }
0x365: {  	[sflag:s15] =	ssyncadd.s32 $0xFFFFFC00  }
0x366: {  	_ =	swait.ge [sflag:s15], $0x400  }
0x367: {  	[sflag:s15] =	ssyncset.done $0x0  }
0x368: {  	[sflag:s15] =	ssyncadd.s32 $0xFFFFFC00  }
0x369: {  	_ =	swait.ge [sflag:s15], $0x400  }
0x36a: {  	[sflag:s15] =	ssyncset.done $0x0  }
0x36b: {  	[sflag:s15] =	ssyncadd.s32 $0xFFFFFC00  }
0x36c: {  	_ =	swait.ge [sflag:s15], $0x400  }
0x36d: {  	[sflag:s15] =	ssyncset.done $0x0  }
0x36e: {  	[sflag:s15] =	ssyncadd.s32 $0xFFFFFC00  }
0x36f: {  	_ =	swait.ge [sflag:s15], $0x400  }
0x370: {  	[sflag:s15] =	ssyncset.done $0x0  }
0x371: {  	[sflag:s15] =	ssyncadd.s32 $0xFFFFFC00  }
0x372: {  	_ =	swait.ge [sflag:s15], $0x400  }
0x373: {  	[sflag:s15] =	ssyncset.done $0x0  }
0x374: {  	[sflag:s15] =	ssyncadd.s32 $0xFFFFFC00  }
0x375: {  	_ =	swait.ge [sflag:s15], $0x400  }
0x376: {  	[sflag:s15] =	ssyncset.done $0x0  }
0x377: {  	[sflag:s15] =	ssyncadd.s32 $0xFFFFFC00  }
0x378: {  	_ =	swait.ge [sflag:s15], $0x400  }
0x379: {  	[sflag:s15] =	ssyncset.done $0x0  }
0x37a: {  	[sflag:s15] =	ssyncadd.s32 $0xFFFFFC00  }
0x37b: {  	_ =	swait.ge [sflag:s15], $0x400  }
0x37c: {  	[sflag:s15] =	ssyncset.done $0x0  }
0x37d: {  	[sflag:s15] =	ssyncadd.s32 $0xFFFFFC00  }
0x37e: {  	_ =	swait.ge [sflag:s15], $0x400  }
0x37f: {  	[sflag:s15] =	ssyncset.done $0x0  }
0x380: {  	[sflag:s15] =	ssyncadd.s32 $0xFFFFFC00  }
0x381: {  	_ =	swait.ge [sflag:s15], $0x400  }
0x382: {  	[sflag:s15] =	ssyncset.done $0x0  }
0x383: {  	[sflag:s15] =	ssyncadd.s32 $0xFFFFFC00  }
0x384: {  	_ =	swait.ge [sflag:s15], $0x400  }
0x385: {  	[sflag:s15] =	ssyncset.done $0x0  }
0x386: {  	[sflag:s15] =	ssyncadd.s32 $0xFFFFFC00  }
0x387: {  	_ =	swait.ge [sflag:s15], $0x400  }
0x388: {  	[sflag:s15] =	ssyncset.done $0x0  }
0x389: {  	[sflag:s15] =	ssyncadd.s32 $0xFFFFFC00  }
0x38a: {  	_ =	swait.ge [sflag:s15], $0x400  }
0x38b: {  	[sflag:s15] =	ssyncset.done $0x0  }
0x38c: {  	[sflag:s15] =	ssyncadd.s32 $0xFFFFFC00  }
0x38d: {  	_ =	swait.ge [sflag:s15], $0x400  }
0x38e: {  	[sflag:s15] =	ssyncset.done $0x0  }
0x38f: {  	[sflag:s15] =	ssyncadd.s32 $0xFFFFFC00  }
0x390: {  	_ =	swait.ge [sflag:s15], $0x400  }
0x391: {  	[sflag:s15] =	ssyncset.done $0x0  }
0x392: {  	[sflag:s15] =	ssyncadd.s32 $0xFFFFFC00  }
0x393: {  	_ =	swait.ge [sflag:s15], $0x800  }
0x394: {  	v14 =	vld [tilespmem:$0x1FFF0];
	_ =	sdelay $0x1  }
0x395: {  	v16 =	vld [tilespmem:$0x1FEB0]  }
0x396: {  	[sflag:s15] =	ssyncset.done $0x0  }
0x397: {  	[sflag:s15] =	ssyncadd.s32 $0xFFFFF800  }
0x398: {  	_ =	swait.ge [sflag:s15], $0x800;
	v15 =	vor.u32 v14, v4  }
0x399: {  	v11 =	vld [tilespmem:$0x1FEC0];
	v7 =	vor.u32 v14, v5  }
0x39a: {  	v17 =	vor.u32 v16, v4  }
0x39b: {  	[sflag:s15] =	ssyncset.done $0x0  }
0x39c: {  	v13 =	vld [tilespmem:$0x1FED0];
	[sflag:s15] =	ssyncadd.s32 $0xFFFFF800;
	v9 =	vor.u32 v16, v5  }
0x39d: {  	v6 =	vld.idx.msk [tilespmem:v15+s11+$0x0], $0xffff  }
0x39e: {  	v18 =	vor.u32 v11, v4;
	v7 =	vld.idx.msk [tilespmem:v7+s12+$0x0], $0xffff  }
0x39f: {  	v11 =	vor.u32 v11, v5;
	v8 =	vld.idx.msk [tilespmem:v17+s11+$0x0], $0xffff  }
0x3a0: {  	v15 =	vld [tilespmem:$0x1FEE0]  }
0x3a1: {  	v9 =	vld.idx.msk [tilespmem:v9+s12+$0x0], $0xffff  }
0x3a2: {  	v17 =	vld [tilespmem:$0x1FEF0]  }
0x3a3: {  	v12 =	vor.u32 v13, v4;
	v10 =	vld.idx.msk [tilespmem:v18+s11+$0x0], $0xffff  }
0x3a4: {  	v13 =	vor.u32 v13, v5;
	v11 =	vld.idx.msk [tilespmem:v11+s12+$0x0], $0xffff  }
0x3a5: {  	v18 =	vld [tilespmem:$0x1FF00];
	v14 =	vor.u32 v15, v4  }
0x3a6: {  	v19 =	vld [tilespmem:$0x1FF10];
	_ =	sdelay $0x1  }
0x3a7: {  	v12 =	vld.idx.msk [tilespmem:v12+s11+$0x0], $0xffff;
	v15 =	vor.u32 v15, v5  }
0x3a8: {  	v16 =	vor.u32 v17, v4;
	v17 =	vor.u32 v17, v5;
	v6 =	vmul.f32 v7, v6;
	v7 =	vld.idx.msk [tilespmem:v13+s12+$0x0], $0xffff  }
0x3a9: {  	v8 =	vmul.f32 v9, v8;
	v13 =	vor.u32 v18, v4;
	v10 =	vmul.f32 v11, v10;
	v9 =	vld.idx.msk [tilespmem:v14+s11+$0x0], $0xffff  }
0x3aa: {  	v11 =	vor.u32 v19, v5;
	v14 =	vor.u32 v18, v5;
	v18 =	vor.u32 v19, v4;
	v19 =	vld [tilespmem:$0x1FF20];
	_ =	sdelay $0x1  }
0x3ab: {  	v6 =	vadd.f32 $0.0e+00, v6  }
0x3ac: {  	v15 =	vld.idx.msk [tilespmem:v15+s12+$0x0], $0xffff  }
0x3ad: {  	v6 =	vadd.f32 v8, v6;
	v8 =	vld.idx.msk [tilespmem:v17+s12+$0x0], $0xffff  }
0x3ae: {  	v7 =	vmul.f32 v7, v12;
	v17 =	vor.u32 v19, v4;
	v12 =	vor.u32 v19, v5;
	v19 =	vld [tilespmem:$0x1FF30];
	_ =	sdelay $0x2  }
0x3af: {  	v16 =	vld.idx.msk [tilespmem:v16+s11+$0x0], $0xffff  }
0x3b0: {  	v6 =	vadd.f32 v10, v6;
	v10 =	vld.idx.msk [tilespmem:v14+s12+$0x0], $0xffff  }
0x3b1: {  	v9 =	vmul.f32 v15, v9;
	v14 =	vor.u32 v19, v4;
	v15 =	vor.u32 v19, v5;
	v19 =	vld [tilespmem:$0x1FF40];
	_ =	sdelay $0x2  }
0x3b2: {  	v13 =	vld.idx.msk [tilespmem:v13+s11+$0x0], $0xffff  }
0x3b3: {  	v6 =	vadd.f32 v7, v6;
	v7 =	vld.idx.msk [tilespmem:v11+s12+$0x0], $0xffff  }
0x3b4: {  	v8 =	vmul.f32 v8, v16;
	v11 =	vor.u32 v19, v4;
	v16 =	vor.u32 v19, v5;
	v19 =	vld [tilespmem:$0x1FF50];
	_ =	sdelay $0x2  }
0x3b5: {  	v18 =	vld.idx.msk [tilespmem:v18+s11+$0x0], $0xffff  }
0x3b6: {  	v6 =	vadd.f32 v9, v6;
	v9 =	vld.idx.msk [tilespmem:v12+s12+$0x0], $0xffff  }
0x3b7: {  	v10 =	vmul.f32 v10, v13;
	v12 =	vor.u32 v19, v4;
	v13 =	vor.u32 v19, v5;
	v19 =	vld [tilespmem:$0x1FF60];
	_ =	sdelay $0x2  }
0x3b8: {  	v17 =	vld.idx.msk [tilespmem:v17+s11+$0x0], $0xffff  }
0x3b9: {  	v6 =	vadd.f32 v8, v6;
	v8 =	vld.idx.msk [tilespmem:v15+s12+$0x0], $0xffff  }
0x3ba: {  	v7 =	vmul.f32 v7, v18;
	v15 =	vor.u32 v19, v4;
	v18 =	vor.u32 v19, v5;
	v19 =	vld [tilespmem:$0x1FF70];
	_ =	sdelay $0x2  }
0x3bb: {  	v14 =	vld.idx.msk [tilespmem:v14+s11+$0x0], $0xffff  }
0x3bc: {  	v6 =	vadd.f32 v10, v6;
	v10 =	vld.idx.msk [tilespmem:v16+s12+$0x0], $0xffff  }
0x3bd: {  	v9 =	vmul.f32 v9, v17;
	v16 =	vor.u32 v19, v4;
	v17 =	vor.u32 v19, v5;
	v19 =	vld [tilespmem:$0x1FF80];
	_ =	sdelay $0x2  }
0x3be: {  	v11 =	vld.idx.msk [tilespmem:v11+s11+$0x0], $0xffff  }
0x3bf: {  	v6 =	vadd.f32 v7, v6;
	v7 =	vld.idx.msk [tilespmem:v13+s12+$0x0], $0xffff  }
0x3c0: {  	v8 =	vmul.f32 v8, v14;
	v13 =	vor.u32 v19, v4;
	v14 =	vor.u32 v19, v5;
	v19 =	vld [tilespmem:$0x1FF90];
	_ =	sdelay $0x2  }
0x3c1: {  	v12 =	vld.idx.msk [tilespmem:v12+s11+$0x0], $0xffff  }
0x3c2: {  	v6 =	vadd.f32 v9, v6;
	v9 =	vld.idx.msk [tilespmem:v18+s12+$0x0], $0xffff  }
0x3c3: {  	v10 =	vmul.f32 v10, v11;
	v18 =	vor.u32 v19, v4;
	v11 =	vor.u32 v19, v5;
	v19 =	vld [tilespmem:$0x1FFA0];
	_ =	sdelay $0x2  }
0x3c4: {  	v15 =	vld.idx.msk [tilespmem:v15+s11+$0x0], $0xffff  }
0x3c5: {  	v6 =	vadd.f32 v8, v6;
	v8 =	vld.idx.msk [tilespmem:v17+s12+$0x0], $0xffff  }
0x3c6: {  	v7 =	vmul.f32 v7, v12;
	v17 =	vor.u32 v19, v4;
	v12 =	vor.u32 v19, v5;
	v19 =	vld [tilespmem:$0x1FFB0];
	_ =	sdelay $0x2  }
0x3c7: {  	v16 =	vld.idx.msk [tilespmem:v16+s11+$0x0], $0xffff  }
0x3c8: {  	v6 =	vadd.f32 v10, v6;
	v10 =	vld.idx.msk [tilespmem:v14+s12+$0x0], $0xffff  }
0x3c9: {  	v9 =	vmul.f32 v9, v15;
	v14 =	vor.u32 v19, v4;
	v15 =	vor.u32 v19, v5;
	v19 =	vld [tilespmem:$0x1FFC0];
	_ =	sdelay $0x2  }
0x3ca: {  	v13 =	vld.idx.msk [tilespmem:v13+s11+$0x0], $0xffff  }
0x3cb: {  	v6 =	vadd.f32 v7, v6;
	v7 =	vld.idx.msk [tilespmem:v11+s12+$0x0], $0xffff  }
0x3cc: {  	v8 =	vmul.f32 v8, v16;
	v11 =	vor.u32 v19, v4;
	v16 =	vor.u32 v19, v5;
	v19 =	vld [tilespmem:$0x1FFD0];
	_ =	sdelay $0x3  }
0x3cd: {  	v6 =	vadd.f32 v9, v6;
	v9 =	vld.idx.msk [tilespmem:v12+s12+$0x0], $0xffff  }
0x3ce: {  	v10 =	vmul.f32 v10, v13;
	v12 =	vor.u32 v19, v4;
	v13 =	vor.u32 v19, v5;
	v19 =	vld [tilespmem:$0x1FFE0]  }
0x3cf: {  	v18 =	vld.idx.msk [tilespmem:v18+s11+$0x0], $0xffff  }
0x3d0: {  	v17 =	vld.idx.msk [tilespmem:v17+s11+$0x0], $0xffff  }
0x3d1: {  	v14 =	vld.idx.msk [tilespmem:v14+s11+$0x0], $0xffff  }
0x3d2: {  	v6 =	vadd.f32 v8, v6;
	v8 =	vld.idx.msk [tilespmem:v15+s12+$0x0], $0xffff  }
0x3d3: {  	v11 =	vld.idx.msk [tilespmem:v11+s11+$0x0], $0xffff;
	v15 =	vor.u32 v19, v4  }
0x3d4: {  	v6 =	vadd.f32 v10, v6;
	v7 =	vmul.f32 v7, v18;
	v10 =	vld.idx.msk [tilespmem:v16+s12+$0x0], $0xffff;
	v18 =	vor.u32 v19, v5  }
0x3d5: {  	v9 =	vmul.f32 v9, v17;
	v17 =	vor.u32 v22, v5  }
0x3d6: {  	v6 =	vadd.f32 v7, v6;
	v16 =	vor.u32 v22, v4;
	v12 =	vld.idx.msk [tilespmem:v12+s11+$0x0], $0xffff  }
0x3d7: {  	v8 =	vmul.f32 v8, v14;
	v14 =	vor.u32 v23, v5;
	v7 =	vld.idx.msk [tilespmem:v13+s12+$0x0], $0xffff  }
0x3d8: {  	v6 =	vadd.f32 v9, v6;
	v13 =	vor.u32 v23, v4;
	v15 =	vld.idx.msk [tilespmem:v15+s11+$0x0], $0xffff  }
0x3d9: {  	v10 =	vmul.f32 v10, v11;
	v11 =	vor.u32 v24, v5;
	v9 =	vld.idx.msk [tilespmem:v18+s12+$0x0], $0xffff  }
0x3da: {  	v6 =	vadd.f32 v8, v6;
	v8 =	vld.idx.msk [tilespmem:v17+s12+$0x0], $0xffff;
	v18 =	vor.u32 v24, v4  }
0x3db: {  	v17 =	vor.u32 v25, v4;
	v16 =	vld.idx.msk [tilespmem:v16+s11+$0x0], $0xffff  }
0x3dc: {  	v6 =	vadd.f32 v10, v6;
	v10 =	vld.idx.msk [tilespmem:v14+s12+$0x0], $0xffff;
	v7 =	vmul.f32 v7, v12;
	v12 =	vor.u32 v25, v5  }
0x3dd: {  	v14 =	vor.u32 v26, v4;
	v13 =	vld.idx.msk [tilespmem:v13+s11+$0x0], $0xffff  }
0x3de: {  	v6 =	vadd.f32 v7, v6;
	v7 =	vld.idx.msk [tilespmem:v11+s12+$0x0], $0xffff;
	v9 =	vmul.f32 v9, v15;
	v15 =	vor.u32 v26, v5  }
0x3df: {  	v11 =	vor.u32 v27, v4;
	v18 =	vld.idx.msk [tilespmem:v18+s11+$0x0], $0xffff  }
0x3e0: {  	v17 =	vld.idx.msk [tilespmem:v17+s11+$0x0], $0xffff;
	v8 =	vmul.f32 v8, v16;
	v16 =	vor.u32 v27, v5;
	v6 =	vadd.f32 v9, v6  }
0x3e1: {  	v9 =	vld.idx.msk [tilespmem:v12+s12+$0x0], $0xffff;
	v12 =	vor.u32 v28, v4  }
0x3e2: {  	v14 =	vld.idx.msk [tilespmem:v14+s11+$0x0], $0xffff;
	v10 =	vmul.f32 v10, v13;
	v13 =	vor.u32 v28, v5;
	v6 =	vadd.f32 v8, v6  }
0x3e3: {  	v8 =	vld.idx.msk [tilespmem:v15+s12+$0x0], $0xffff;
	v15 =	vor.u32 v29, v4  }
0x3e4: {  	v11 =	vld.idx.msk [tilespmem:v11+s11+$0x0], $0xffff;
	v7 =	vmul.f32 v7, v18;
	v18 =	vor.u32 v29, v5;
	v6 =	vadd.f32 v10, v6  }
0x3e5: {  	v10 =	vld.idx.msk [tilespmem:v16+s12+$0x0], $0xffff;
	v16 =	vor.u32 v30, v4  }
0x3e6: {  	v12 =	vld.idx.msk [tilespmem:v12+s11+$0x0], $0xffff;
	v9 =	vmul.f32 v9, v17;
	v17 =	vor.u32 v30, v5;
	v6 =	vadd.f32 v7, v6  }
0x3e7: {  	v7 =	vld.idx.msk [tilespmem:v13+s12+$0x0], $0xffff;
	v13 =	vor.u32 v31, v4  }
0x3e8: {  	v15 =	vld.idx.msk [tilespmem:v15+s11+$0x0], $0xffff;
	v8 =	vmul.f32 v8, v14;
	v14 =	vor.u32 v31, v5;
	v6 =	vadd.f32 v9, v6  }
0x3e9: {  	v9 =	vld.idx.msk [tilespmem:v18+s12+$0x0], $0xffff;
	v18 =	vor.u32 v32, v4  }
0x3ea: {  	v16 =	vld.idx.msk [tilespmem:v16+s11+$0x0], $0xffff;
	v10 =	vmul.f32 v10, v11;
	v11 =	vor.u32 v32, v5;
	v6 =	vadd.f32 v8, v6  }
0x3eb: {  	v8 =	vld.idx.msk [tilespmem:v17+s12+$0x0], $0xffff;
	v17 =	vor.u32 v33, v4  }
0x3ec: {  	v13 =	vld.idx.msk [tilespmem:v13+s11+$0x0], $0xffff;
	v7 =	vmul.f32 v7, v12;
	v12 =	vor.u32 v33, v5;
	v6 =	vadd.f32 v10, v6  }
0x3ed: {  	v10 =	vld.idx.msk [tilespmem:v14+s12+$0x0], $0xffff;
	v14 =	vor.u32 v34, v4  }
0x3ee: {  	v18 =	vld.idx.msk [tilespmem:v18+s11+$0x0], $0xffff;
	v9 =	vmul.f32 v9, v15;
	v15 =	vor.u32 v34, v5;
	v6 =	vadd.f32 v7, v6  }
0x3ef: {  	v7 =	vld.idx.msk [tilespmem:v11+s12+$0x0], $0xffff;
	v11 =	vor.u32 v35, v4  }
0x3f0: {  	v17 =	vld.idx.msk [tilespmem:v17+s11+$0x0], $0xffff;
	v8 =	vmul.f32 v8, v16;
	v16 =	vor.u32 v35, v5;
	v6 =	vadd.f32 v9, v6  }
0x3f1: {  	v9 =	vld.idx.msk [tilespmem:v12+s12+$0x0], $0xffff;
	v12 =	vor.u32 v36, v4  }
0x3f2: {  	v14 =	vld.idx.msk [tilespmem:v14+s11+$0x0], $0xffff;
	v10 =	vmul.f32 v10, v13;
	v13 =	vor.u32 v36, v5;
	v6 =	vadd.f32 v8, v6  }
0x3f3: {  	v8 =	vld.idx.msk [tilespmem:v15+s12+$0x0], $0xffff;
	v15 =	vor.u32 v37, v4  }
0x3f4: {  	v11 =	vld.idx.msk [tilespmem:v11+s11+$0x0], $0xffff;
	v7 =	vmul.f32 v7, v18;
	v18 =	vor.u32 v37, v5;
	v6 =	vadd.f32 v10, v6  }
0x3f5: {  	v10 =	vld.idx.msk [tilespmem:v16+s12+$0x0], $0xffff;
	v16 =	vor.u32 v38, v4  }
0x3f6: {  	v12 =	vld.idx.msk [tilespmem:v12+s11+$0x0], $0xffff;
	v9 =	vmul.f32 v9, v17;
	v17 =	vor.u32 v38, v5;
	v6 =	vadd.f32 v7, v6  }
0x3f7: {  	v7 =	vld.idx.msk [tilespmem:v13+s12+$0x0], $0xffff;
	v13 =	vor.u32 v39, v4  }
0x3f8: {  	v15 =	vld.idx.msk [tilespmem:v15+s11+$0x0], $0xffff;
	v8 =	vmul.f32 v8, v14;
	v14 =	vor.u32 v39, v5;
	v6 =	vadd.f32 v9, v6  }
0x3f9: {  	v9 =	vld.idx.msk [tilespmem:v18+s12+$0x0], $0xffff;
	v18 =	vor.u32 v40, v4  }
0x3fa: {  	v16 =	vld.idx.msk [tilespmem:v16+s11+$0x0], $0xffff;
	v10 =	vmul.f32 v10, v11;
	v11 =	vor.u32 v40, v5;
	v6 =	vadd.f32 v8, v6  }
0x3fb: {  	v8 =	vld.idx.msk [tilespmem:v17+s12+$0x0], $0xffff;
	v17 =	vor.u32 v41, v4  }
0x3fc: {  	v13 =	vld.idx.msk [tilespmem:v13+s11+$0x0], $0xffff;
	v7 =	vmul.f32 v7, v12;
	v12 =	vor.u32 v41, v5;
	v6 =	vadd.f32 v10, v6  }
0x3fd: {  	v10 =	vld.idx.msk [tilespmem:v14+s12+$0x0], $0xffff;
	v14 =	vor.u32 v42, v4  }
0x3fe: {  	v18 =	vld.idx.msk [tilespmem:v18+s11+$0x0], $0xffff;
	v9 =	vmul.f32 v9, v15;
	v15 =	vor.u32 v42, v5;
	v6 =	vadd.f32 v7, v6  }
0x3ff: {  	v7 =	vld.idx.msk [tilespmem:v11+s12+$0x0], $0xffff;
	v11 =	vor.u32 v43, v4  }
0x400: {  	v17 =	vld.idx.msk [tilespmem:v17+s11+$0x0], $0xffff;
	v8 =	vmul.f32 v8, v16;
	v16 =	vor.u32 v43, v5;
	v6 =	vadd.f32 v9, v6  }
0x401: {  	v9 =	vld.idx.msk [tilespmem:v12+s12+$0x0], $0xffff;
	v12 =	vor.u32 v44, v4  }
0x402: {  	v14 =	vld.idx.msk [tilespmem:v14+s11+$0x0], $0xffff;
	v10 =	vmul.f32 v10, v13;
	v13 =	vor.u32 v44, v5;
	v6 =	vadd.f32 v8, v6  }
0x403: {  	v8 =	vld.idx.msk [tilespmem:v15+s12+$0x0], $0xffff;
	v15 =	vor.u32 v45, v4  }
0x404: {  	v11 =	vld.idx.msk [tilespmem:v11+s11+$0x0], $0xffff;
	v7 =	vmul.f32 v7, v18;
	v18 =	vor.u32 v45, v5;
	v6 =	vadd.f32 v10, v6  }
0x405: {  	v10 =	vld.idx.msk [tilespmem:v16+s12+$0x0], $0xffff;
	v16 =	vor.u32 v46, v4  }
0x406: {  	v12 =	vld.idx.msk [tilespmem:v12+s11+$0x0], $0xffff;
	v9 =	vmul.f32 v9, v17;
	v17 =	vor.u32 v46, v5;
	v6 =	vadd.f32 v7, v6  }
0x407: {  	v7 =	vld.idx.msk [tilespmem:v13+s12+$0x0], $0xffff;
	v13 =	vor.u32 v47, v4  }
0x408: {  	v15 =	vld.idx.msk [tilespmem:v15+s11+$0x0], $0xffff;
	v8 =	vmul.f32 v8, v14;
	v14 =	vor.u32 v47, v5;
	v6 =	vadd.f32 v9, v6  }
0x409: {  	v9 =	vld.idx.msk [tilespmem:v18+s12+$0x0], $0xffff;
	v18 =	vor.u32 v48, v4  }
0x40a: {  	v16 =	vld.idx.msk [tilespmem:v16+s11+$0x0], $0xffff;
	v10 =	vmul.f32 v10, v11;
	v11 =	vor.u32 v48, v5;
	v6 =	vadd.f32 v8, v6  }
0x40b: {  	v8 =	vld.idx.msk [tilespmem:v17+s12+$0x0], $0xffff;
	v17 =	vor.u32 v49, v4  }
0x40c: {  	v13 =	vld.idx.msk [tilespmem:v13+s11+$0x0], $0xffff;
	v7 =	vmul.f32 v7, v12;
	v12 =	vor.u32 v49, v5;
	v6 =	vadd.f32 v10, v6  }
0x40d: {  	v10 =	vld.idx.msk [tilespmem:v14+s12+$0x0], $0xffff;
	v14 =	vor.u32 v50, v4  }
0x40e: {  	v18 =	vld.idx.msk [tilespmem:v18+s11+$0x0], $0xffff;
	v9 =	vmul.f32 v9, v15;
	v15 =	vor.u32 v50, v5;
	v6 =	vadd.f32 v7, v6  }
0x40f: {  	v7 =	vld.idx.msk [tilespmem:v11+s12+$0x0], $0xffff;
	v11 =	vor.u32 v51, v4  }
0x410: {  	v17 =	vld.idx.msk [tilespmem:v17+s11+$0x0], $0xffff;
	v8 =	vmul.f32 v8, v16;
	v16 =	vor.u32 v51, v5;
	v6 =	vadd.f32 v9, v6  }
0x411: {  	v9 =	vld.idx.msk [tilespmem:v12+s12+$0x0], $0xffff;
	v12 =	vor.u32 v52, v4  }
0x412: {  	v14 =	vld.idx.msk [tilespmem:v14+s11+$0x0], $0xffff;
	v10 =	vmul.f32 v10, v13;
	v13 =	vor.u32 v52, v5;
	v6 =	vadd.f32 v8, v6  }
0x413: {  	v8 =	vld.idx.msk [tilespmem:v15+s12+$0x0], $0xffff;
	v15 =	vor.u32 v53, v4  }
0x414: {  	v11 =	vld.idx.msk [tilespmem:v11+s11+$0x0], $0xffff;
	v7 =	vmul.f32 v7, v18;
	v18 =	vor.u32 v53, v5;
	v6 =	vadd.f32 v10, v6  }
0x415: {  	v10 =	vld.idx.msk [tilespmem:v16+s12+$0x0], $0xffff;
	v16 =	vor.u32 v54, v4  }
0x416: {  	v12 =	vld.idx.msk [tilespmem:v12+s11+$0x0], $0xffff;
	v9 =	vmul.f32 v9, v17;
	v17 =	vor.u32 v54, v5;
	v6 =	vadd.f32 v7, v6  }
0x417: {  	v7 =	vld.idx.msk [tilespmem:v13+s12+$0x0], $0xffff;
	v13 =	vor.u32 v55, v4  }
0x418: {  	v15 =	vld.idx.msk [tilespmem:v15+s11+$0x0], $0xffff;
	v8 =	vmul.f32 v8, v14;
	v14 =	vor.u32 v55, v5;
	v6 =	vadd.f32 v9, v6  }
0x419: {  	v9 =	vld.idx.msk [tilespmem:v18+s12+$0x0], $0xffff;
	v18 =	vor.u32 v56, v4  }
0x41a: {  	v16 =	vld.idx.msk [tilespmem:v16+s11+$0x0], $0xffff;
	v10 =	vmul.f32 v10, v11;
	v11 =	vor.u32 v56, v5;
	v6 =	vadd.f32 v8, v6  }
0x41b: {  	v8 =	vld.idx.msk [tilespmem:v17+s12+$0x0], $0xffff;
	v17 =	vor.u32 v57, v4  }
0x41c: {  	v13 =	vld.idx.msk [tilespmem:v13+s11+$0x0], $0xffff;
	v7 =	vmul.f32 v7, v12;
	v12 =	vor.u32 v57, v5;
	v6 =	vadd.f32 v10, v6  }
0x41d: {  	v10 =	vld.idx.msk [tilespmem:v14+s12+$0x0], $0xffff;
	v14 =	vor.u32 v58, v4  }
0x41e: {  	v18 =	vld.idx.msk [tilespmem:v18+s11+$0x0], $0xffff;
	v9 =	vmul.f32 v9, v15;
	v15 =	vor.u32 v58, v5;
	v6 =	vadd.f32 v7, v6  }
0x41f: {  	v7 =	vld.idx.msk [tilespmem:v11+s12+$0x0], $0xffff;
	v11 =	vor.u32 v59, v4  }
0x420: {  	v17 =	vld.idx.msk [tilespmem:v17+s11+$0x0], $0xffff;
	v8 =	vmul.f32 v8, v16;
	v16 =	vor.u32 v59, v5;
	v6 =	vadd.f32 v9, v6  }
0x421: {  	v9 =	vld.idx.msk [tilespmem:v12+s12+$0x0], $0xffff;
	v12 =	vor.u32 v60, v4  }
0x422: {  	v14 =	vld.idx.msk [tilespmem:v14+s11+$0x0], $0xffff;
	v10 =	vmul.f32 v10, v13;
	v13 =	vor.u32 v60, v5;
	v6 =	vadd.f32 v8, v6  }
0x423: {  	v8 =	vld.idx.msk [tilespmem:v15+s12+$0x0], $0xffff;
	v15 =	vor.u32 v61, v4  }
0x424: {  	v11 =	vld.idx.msk [tilespmem:v11+s11+$0x0], $0xffff;
	v7 =	vmul.f32 v7, v18;
	v18 =	vor.u32 v61, v5;
	v6 =	vadd.f32 v10, v6  }
0x425: {  	v10 =	vld.idx.msk [tilespmem:v16+s12+$0x0], $0xffff;
	v16 =	vor.u32 v62, v4  }
0x426: {  	v12 =	vld.idx.msk [tilespmem:v12+s11+$0x0], $0xffff;
	v9 =	vmul.f32 v9, v17;
	v17 =	vor.u32 v62, v5;
	v6 =	vadd.f32 v7, v6  }
0x427: {  	v19 =	vor.u32 v0, v4;
	v7 =	vld.idx.msk [tilespmem:v13+s12+$0x0], $0xffff  }
0x428: {  	v0 =	vor.u32 v0, v5;
	v8 =	vmul.f32 v8, v14;
	v6 =	vadd.f32 v9, v6;
	v9 =	vld.idx.msk [tilespmem:v15+s11+$0x0], $0xffff  }
0x429: {  	v4 =	vor.u32 v1, v4;
	v14 =	vld.idx.msk [tilespmem:v18+s12+$0x0], $0xffff  }
0x42a: {  	v1 =	vor.u32 v1, v5;
	v10 =	vmul.f32 v10, v11;
	v16 =	vld.idx.msk [tilespmem:v16+s11+$0x0], $0xffff;
	v15 =	vadd.f32 v8, v6  }
0x42b: {  	v18 =	vld.idx.msk [tilespmem:v17+s12+$0x0], $0xffff  }
0x42c: {  	v19 =	vld.idx.msk [tilespmem:v19+s11+$0x0], $0xffff;
	v7 =	vmul.f32 v7, v12;
	v5 =	vadd.f32 v10, v15  }
0x42d: {  	v0 =	vld.idx.msk [tilespmem:v0+s12+$0x0], $0xffff  }
0x42e: {  	v2 =	vor.u32 v63, v2;
	v4 =	vld.idx.msk [tilespmem:v4+s11+$0x0], $0xffff;
	v9 =	vmul.f32 v14, v9;
	v5 =	vadd.f32 v7, v5  }
0x42f: {  	v1 =	vld.idx.msk [tilespmem:v1+s12+$0x0], $0xffff  }
0x430: {  	v3 =	vor.u32 v63, v3;
	v6 =	vmul.f32 v18, v16;
	v5 =	vadd.f32 v9, v5;
	_ =	sdelay $0x1  }
0x431: {  	v0 =	vmul.f32 v0, v19;
	v5 =	vadd.f32 v6, v5  }
0x432: {  	v2 =	vld.idx.msk [tilespmem:v2+s13+$0x0], $0xffff  }
0x433: {  	v1 =	vmul.f32 v1, v4;
	v0 =	vadd.f32 v0, v5  }
0x434: {  	v3 =	vld.idx.msk [tilespmem:v3+s14+$0x0], $0xffff  }
0x435: {  	v0 =	vadd.f32 v1, v0;
	_ =	sdelay $0x1  }
0x436: {  	v0 =	vadd.f32 v0, v2;
	_ =	sdelay $0x1  }
0x437: {  	v0 =	vadd.f32 v0, v3;
	_ =	sdelay $0x1  }
0x438: {  	s17 =	sadd.s32 $0x1, s17;
	v0 =	vadd.f32 v0, v20  }
0x439: {  	p0 =	sne.s32 s17, s7  }
.Ltmp1:
0x43a: {  	[tilespmem:s21+$0x9400] =	vst v0;
	(pc) =	sbr.rel @p0 .LBB2_1-.Ltmp1, $4  }
0x43b: {  	[hbm4b:s6+s1] =	stream.linear.scatter [tilespmem:s16], [sflag:$0x2], $0x200, $0x38;
	[tilespmem:$0x9680] =	vst v63  }
0x43c: {  	_ =	swait.ge [sflag:s8], $0x200  }
0x43d: {  	[sflag:s8] =	ssyncset.done $0x0  }
0x43e: {  	[sflag:s8] =	ssyncadd.s32 $0xFFFFFE00  }
0x43f: {  	_ =	sfence.sel $0x180000  }
0x440: {  	[bflag:$0x0] =	sbarrier.arrive $0xFFFF  }
0x441: {  	p0 =	sne.s32 s3, $0x0;
	_ =	strace $0x90000047  }
0x442: {  	s0 =	sadd.s32 @!p0 $0x100000, s0;
	[bflag:$0x2] =	sbarrier.arrive $0xFFFF  }
0x443: {  	[sflag:s0] =	ssyncadd.tile.s32 @!p0 $0x1;
	_ =	shalt  }
.Lfunc_end2:
_tile_overlayer_lowered:
.L_overlay_start_2:
0x444: {  	(tag) =	ssettag $0x2  }
0x445: {  	s0 =	rddreg [dreg:$0x0];
	s2 =	stileid.u32  }
0x446: {  	s1 =	rddreg [dreg:$0x1];
	p0 =	sne.s32 s2, $0x0  }
0x447: {  	s3 =	rddreg [dreg:$0x2];
	[bflag:$0x3] =	sbarrier.arrive $0xFFFF;
	s2 =	simm.s32 @!p0 $0x1C02  }
0x448: {  	[timem:s3], [sflag:s2] =	dma.local @!p0 [hbm:s0], s1  }
0x449: {  	s0 =	simm.s32 @!p0 $0x2  }
0x44a: {  	_ =	swait.ge @!p0 [sflag:s0], s1  }
0x44b: {  	s1 =	ssub.s32 @!p0 $0x0, s1;
	[sflag:s0] =	ssyncset.done @!p0 $0x0  }
0x44c: {  	[sflag:s0] =	ssyncadd.s32 @!p0 s1  }
0x44d: {  	[bflag:$0x3] =	sbarrier.arrive $0xFFFF  }
0x44e: {  	_ =	shalt  }

</sc_bundles>
